<compile_context>
chip_gen: v7x
topology: tpu7x:2x2x1
jax: 0.10.2.dev20260603
libtpu: 0.0.44.dev20260713+nightly
codegen_flags: <defaults>
</compile_context>

<pallas_src>
import functools

import jax
import jax.numpy as jnp
import numpy as np
from jax import lax
from jax.experimental import pallas as pl
from jax.experimental.pallas import tpu as pltpu
from jax.experimental.pallas import tpu_sc as plsc

VOCAB = 100000
D = 64
NS = 26
B = 4096
NF = NS + 1

NW = 32
ROWS = B * NS
RPW = ROWS // NW
CHUNK = 128
NCH = RPW // CHUNK


NBUF = 6
DEPTH = 3


def _sc_gather(tables_lines, idx_flat):
  mesh = plsc.VectorSubcoreMesh(core_axis_name="c", subcore_axis_name="s")

  @functools.partial(
      pl.kernel,
      mesh=mesh,
      out_type=jax.ShapeDtypeStruct((ROWS, 2 * D), jnp.float32),
      scratch_types=[
          pltpu.VMEM((RPW,), jnp.int32),
          pltpu.VMEM((NBUF, CHUNK, 2 * D), jnp.float32),
          pltpu.SemaphoreType.DMA,
          pltpu.SemaphoreType.DMA,
      ],
  )
  def gather_k(tab_hbm, idx_hbm, out_hbm, idx_v, rows_v, gsem, wsem):
    wid = lax.axis_index("s") * 2 + lax.axis_index("c")
    pltpu.sync_copy(idx_hbm.at[pl.ds(wid * RPW, RPW)], idx_v)

    def fire(c):
      return pltpu.async_copy(
          tab_hbm.at[idx_v.at[pl.ds(c * CHUNK, CHUNK)]],
          rows_v.at[c % NBUF], gsem)

    gh = {c: fire(c) for c in range(DEPTH)}
    wh = {}
    unwaited = set()
    for c in range(NCH):
      gh.pop(c).wait()
      wh[c] = pltpu.async_copy(
          rows_v.at[c % NBUF],
          out_hbm.at[pl.ds(wid * RPW + c * CHUNK, CHUNK)], wsem)
      unwaited.add(c)
      nxt = c + DEPTH
      if nxt < NCH:
        prev_w = nxt - NBUF
        if prev_w >= 0:
          wh[prev_w].wait()
          unwaited.discard(prev_w)
        gh[nxt] = fire(nxt)
    for c in sorted(unwaited):
      wh[c].wait()

  return gather_k(tables_lines, idx_flat)


CKL = 4096
NCK = 13
TAILCK = 896
LINES = CKL * NCK
VPAD = 103296


def _repack_body(tabT_ref, out_ref):
  c = pl.program_id(1)
  lo_off = pl.multiple_of(c * (2 * CKL), 128)
  hi_off = pl.multiple_of(
      c * (2 * CKL) + jnp.where(c < NCK - 1, CKL, TAILCK), 128)
  lo = tabT_ref[0, :, pl.ds(lo_off, CKL)]
  hi = tabT_ref[0, :, pl.ds(hi_off, CKL)]
  xcat = jnp.concatenate([lo, hi], axis=0)
  eye = (jax.lax.broadcasted_iota(jnp.int32, (2 * D, 2 * D), 0) ==
         jax.lax.broadcasted_iota(jnp.int32, (2 * D, 2 * D), 1)
         ).astype(jnp.float32)
  out_ref[0] = jax.lax.dot_general(
      xcat, eye, (((0,), (0,)), ((), ())),
      preferred_element_type=jnp.float32)


def _repack_lines(tables):
  tt = jnp.transpose(tables, (0, 2, 1))
  return pl.pallas_call(
      _repack_body,
      grid=(NS, NCK),
      in_specs=[pl.BlockSpec((1, D, VPAD), lambda f, c: (f, 0, 0))],
      out_specs=pl.BlockSpec((1, CKL, 2 * D), lambda f, c: (f, c, 0)),
      out_shape=jax.ShapeDtypeStruct((NS, LINES, 2 * D), jnp.float32),
      compiler_params=pltpu.CompilerParams(
          vmem_limit_bytes=64 * 1024 * 1024),
  )(tt)


BT = 256
GRID = B // BT


def _tc_body(dense_ref, emb_ref, par_ref, bW0, bb0, bW1, bb1, bW2, bb2,
             tW0d, Wg3, tb0, tW1, tb1, tW2, tb2, out_ref):
  relu = lambda v: jnp.maximum(v, 0.0)
  x = dense_ref[...]
  h = relu(jnp.dot(x, bW0[...], preferred_element_type=jnp.float32) + bb0[...])
  h = relu(jnp.dot(h, bW1[...], preferred_element_type=jnp.float32) + bb1[...])
  dout = relu(jnp.dot(h, bW2[...], preferred_element_type=jnp.float32) + bb2[...])

  lines = emb_ref[...]
  par = par_ref[...]
  emb3 = jnp.where(par > 0.0, lines[:, :, D:], lines[:, :, :D])
  f3 = jnp.concatenate(
      [dout.reshape(BT, 1, D), emb3], axis=1).astype(jnp.bfloat16)
  g = lax.dot_general(f3, f3, (((2,), (2,)), ((0,), (0,))),
                      preferred_element_type=jnp.float32)
  gb = g.astype(jnp.bfloat16)

  z = jnp.dot(dout, tW0d[...], preferred_element_type=jnp.float32) + tb0[...]
  for n in range(NF):
    z = z + jnp.dot(gb[:, n, :], Wg3[n].astype(jnp.bfloat16),
                    preferred_element_type=jnp.float32)
  y = relu(z)
  y = relu(jnp.dot(y, tW1[...], preferred_element_type=jnp.float32) + tb1[...])
  y = relu(jnp.dot(y, tW2[...], preferred_element_type=jnp.float32) + tb2[...])
  out_ref[...] = y


def _tc_call(dense, emb3, par3, bW0, bb0, bW1, bb1, bW2, bb2,
             tW0d, Wg3, tb0, tW1, tb1, tW2, tb2):
  full2 = lambda shape: pl.BlockSpec(shape, lambda i: (0, 0))
  return pl.pallas_call(
      _tc_body,
      grid=(GRID,),
      in_specs=[
          pl.BlockSpec((BT, 13), lambda i: (i, 0)),
          pl.BlockSpec((BT, NS, 2 * D), lambda i: (i, 0, 0)),
          pl.BlockSpec((BT, NS, 1), lambda i: (i, 0, 0)),
          full2((13, 512)), full2((1, 512)),
          full2((512, 256)), full2((1, 256)),
          full2((256, 64)), full2((1, 64)),
          full2((64, 512)),
          pl.BlockSpec((NF, NF, 512), lambda i: (0, 0, 0)),
          full2((1, 512)),
          full2((512, 256)), full2((1, 256)),
          full2((256, 1)), full2((1, 1)),
      ],
      out_specs=pl.BlockSpec((BT, 1), lambda i: (i, 0)),
      out_shape=jax.ShapeDtypeStruct((B, 1), jnp.float32),
  )(dense, emb3, par3, bW0, bb0, bW1, bb1, bW2, bb2,
    tW0d, Wg3, tb0, tW1, tb1, tW2, tb2)


def kernel(dense, sparse, tables, bW0, bb0, bW1, bb1, bW2, bb2,
           tW0, tb0, tW1, tb1, tW2, tb2):
  sparse = sparse.astype(jnp.int32)
  k = sparse >> 13
  jj = sparse & 8191
  ck = jnp.where(k < NCK - 1, CKL, TAILCK)
  in_hi = jj >= ck
  line = k * CKL + jj - jnp.where(in_hi, ck, 0)
  offs = (jnp.arange(NS, dtype=jnp.int32) * LINES)[None, :]
  idx_flat = (line + offs).reshape(ROWS)
  par3 = in_hi.astype(jnp.float32).reshape(B, NS, 1)
  tables_lines = _repack_lines(tables).reshape(NS * LINES, 2 * D)
  emb = _sc_gather(tables_lines, idx_flat)
  emb3 = emb.reshape(B, NS, 2 * D)

  tri0, tri1 = np.triu_indices(NF, k=1)
  tW0d = tW0[:D]
  Wg3 = jnp.zeros((NF, NF, 512), jnp.float32).at[tri0, tri1].set(tW0[D:])

  out = _tc_call(
      dense, emb3, par3, bW0, bb0.reshape(1, -1), bW1, bb1.reshape(1, -1),
      bW2, bb2.reshape(1, -1), tW0d, Wg3, tb0.reshape(1, -1),
      tW1, tb1.reshape(1, -1), tW2, tb2.reshape(1, -1))
  return out[:, 0]

# --- scband reference (transcript-rebuilt; emitter-appended) ---
"""Pipeline reference for scband-dlrm-23922967838956 (READ-ONLY COPY).

The authoritative reference and input builder live on the scoring server;
editing this copy changes nothing except your own understanding.
"""

import jax, jax.numpy as jnp
import numpy as np

VOCAB = 100000
EMBED_DIM = 64
NUM_SPARSE = 26
NUM_DENSE = 13
BATCH = 4096
BOTTOM = [512, 256, 64]
TOP = [512, 256, 1]
NUM_FEATURES = 1 + NUM_SPARSE
INTERACTION_DIM = NUM_FEATURES * (NUM_FEATURES - 1) // 2 + BOTTOM[-1]


def _mlp_params(key, dims):
    params = []
    for i, (d_in, d_out) in enumerate(zip(dims[:-1], dims[1:])):
        kw, kb = jax.random.split(jax.random.fold_in(key, i))
        scale = 1.0 / np.sqrt(d_in)
        W = jax.random.uniform(kw, (d_in, d_out), minval=-scale, maxval=scale, dtype=jnp.float32)
        b = jax.random.uniform(kb, (d_out,), minval=-scale, maxval=scale, dtype=jnp.float32)
        params.append((W, b))
    return params


def setup_inputs(seed: int = 0) -> dict:
    key = jax.random.key(seed)
    k_dense, k_sparse, k_tab, k_bot, k_top = jax.random.split(key, 5)
    dense = jax.random.normal(k_dense, (BATCH, NUM_DENSE), dtype=jnp.float32)
    sparse = jax.random.randint(k_sparse, (BATCH, NUM_SPARSE), 0, VOCAB, dtype=jnp.int64)
    tables = jax.random.normal(k_tab, (NUM_SPARSE, VOCAB, EMBED_DIM), dtype=jnp.float32) * 0.01
    bot = _mlp_params(k_bot, [NUM_DENSE] + BOTTOM)
    top = _mlp_params(k_top, [INTERACTION_DIM] + TOP)
    inp = {"dense": dense, "sparse": sparse, "tables": tables}
    for i, (W, b) in enumerate(bot):
        inp[f"bW{i}"] = W
        inp[f"bb{i}"] = b
    for i, (W, b) in enumerate(top):
        inp[f"tW{i}"] = W
        inp[f"tb{i}"] = b
    return inp


def _mlp(x, Ws, bs):
    for W, b in zip(Ws, bs):
        x = jax.nn.relu(x @ W + b)
    return x


def reference(dense, sparse, tables, bW0, bb0, bW1, bb1, bW2, bb2, tW0, tb0, tW1, tb1, tW2, tb2):
    dense_out = _mlp(dense, [bW0, bW1, bW2], [bb0, bb1, bb2])  # [B, 64]
    # embedding gathers: one lookup per sparse field
    embeds = jax.vmap(lambda tab, idx: jnp.take(tab, idx, axis=0), in_axes=(0, 1), out_axes=1)(tables, sparse)  # [B, 26, 64]
    features = jnp.concatenate([dense_out[:, None, :], embeds], axis=1)  # [B, 27, 64]
    interactions = jnp.einsum('bnd,bmd->bnm', features, features)  # [B, 27, 27]
    tri0, tri1 = np.triu_indices(NUM_FEATURES, k=1)
    interacted = interactions[:, tri0, tri1]  # [B, 351]
    concat = jnp.concatenate([dense_out, interacted], axis=-1)  # [B, 415]
    out = _mlp(concat, [tW0, tW1, tW2], [tb0, tb1, tb2])  # [B, 1]
    return jnp.squeeze(out, axis=-1)

if __name__ == "__main__":
    import jax
    _d = setup_inputs()
    print(jax.jit(kernel)(*tuple(_d.values())))

</pallas_src>

<mosaic_0001>
#map = affine_map<(d0, d1) -> (0, 0)>
#map1 = affine_map<(d0, d1) -> (0)>
module attributes {stable_mosaic.version = 14 : i64} {
  func.func @gather_k(%arg0: i32, %arg1: i32, %arg2: memref<1384448x128xf32, #tpu.memory_space<hbm>>, %arg3: memref<106496xi32, #tpu.memory_space<hbm>>, %arg4: memref<106496x128xf32, #tpu.memory_space<hbm>>, %arg5: memref<3328xi32, #tpu.memory_space<vmem>>, %arg6: memref<6x128x128xf32, #tpu.memory_space<vmem>>, %arg7: memref<!tpu.dma_semaphore, #tpu.memory_space<semaphore_mem>>, %arg8: memref<!tpu.dma_semaphore, #tpu.memory_space<semaphore_mem>>) attributes {dimension_semantics = [#tpu.dimension_semantics<core_parallel>, #tpu.dimension_semantics<subcore_parallel>], iteration_bounds = array<i64: 2, 16>, scalar_prefetch = 0 : i64, scratch_operands = 4 : i64, tpu.core_type = #tpu.core_type<sc_vector_subcore>, window_params = [{transform_indices = #map}, {transform_indices = #map1}, {transform_indices = #map}]} {
    %mul3A = arith.constant 2 : i32
    %mul3A_0 = arith.muli %arg1, %mul3A : i32
    %add3A = arith.addi %mul3A_0, %arg0 : i32
    %mul3A_1 = arith.constant 3328 : i32
    %mul3A_2 = arith.muli %add3A, %mul3A_1 : i32
    "tpu.region"() ({
      %run_scoped3A = tpu.sem_alloc : memref<!tpu.dma_semaphore, #tpu.memory_space<semaphore_mem>>
      %dma_start3A_1301 = tpu.memref_slice %arg3[%mul3A_2] : memref<106496xi32, #tpu.memory_space<hbm>> -> memref<3328xi32, #tpu.memory_space<hbm>>
      %dma_start3A_1302 = tpu.memref_slice %arg3[%mul3A_2] : memref<106496xi32, #tpu.memory_space<hbm>> -> memref<3328xi32, #tpu.memory_space<hbm>>
      tpu.enqueue_dma source(%dma_start3A_1302 : memref<3328xi32, #tpu.memory_space<hbm>>) target(%arg5 : memref<3328xi32, #tpu.memory_space<vmem>>) target_semaphore(%run_scoped3A : memref<!tpu.dma_semaphore, #tpu.memory_space<semaphore_mem>>)
      %dma_wait3A_1303 = tpu.memref_slice %arg3[%mul3A_2] : memref<106496xi32, #tpu.memory_space<hbm>> -> memref<3328xi32, #tpu.memory_space<hbm>>
      %dma_wait3A_1304 = tpu.memref_slice %arg3[%mul3A_2] : memref<106496xi32, #tpu.memory_space<hbm>> -> memref<3328xi32, #tpu.memory_space<hbm>>
      tpu.wait_dma2 semaphore(%run_scoped3A : memref<!tpu.dma_semaphore, #tpu.memory_space<semaphore_mem>>) src(%dma_wait3A_1304 : memref<3328xi32, #tpu.memory_space<hbm>>) dst(%arg5 : memref<3328xi32, #tpu.memory_space<vmem>>)
      tpu.yield
    }) : () -> ()
    %dma_start3A = arith.constant 0 : i32
    %dma_start3A_3 = arith.constant 0 : i32
    %dma_start3A_4 = arith.constant 0 : i32
    %dma_start3A_5 = tpu.memref_slice %arg6[%dma_start3A, %dma_start3A_3, %dma_start3A_4] : memref<6x128x128xf32, #tpu.memory_space<vmem>> -> memref<1x128x128xf32, #tpu.memory_space<vmem>>
    %dma_start3A_6 = tpu.memref_squeeze %dma_start3A_5 : memref<1x128x128xf32, #tpu.memory_space<vmem>> -> memref<128x128xf32, #tpu.memory_space<vmem>>
    %dma_start3A_7 = arith.constant 0 : i32
    %dma_start3A_8 = tpu.memref_slice %arg5[%dma_start3A_7] : memref<3328xi32, #tpu.memory_space<vmem>> -> memref<128xi32, #tpu.memory_space<vmem>>
    %dma_start3A_9 = arith.constant 0 : i32
    %dma_start3A_10 = arith.constant 0 : i32
    %dma_start3A_11 = tpu.memref_slice %arg2[%dma_start3A_9, %dma_start3A_10] : memref<1384448x128xf32, #tpu.memory_space<hbm>> -> memref<1384448x128xf32, #tpu.memory_space<hbm>>
    tpu.enqueue_indirect_dma source(%dma_start3A_11 : memref<1384448x128xf32, #tpu.memory_space<hbm>>) target(%dma_start3A_6 : memref<128x128xf32, #tpu.memory_space<vmem>>) offsets(%dma_start3A_8 : memref<128xi32, #tpu.memory_space<vmem>>) semaphore(%arg7 : memref<!tpu.dma_semaphore, #tpu.memory_space<semaphore_mem>>)
    %dma_start3A_12 = arith.constant 1 : i32
    %dma_start3A_13 = arith.constant 0 : i32
    %dma_start3A_14 = arith.constant 0 : i32
    %dma_start3A_15 = tpu.memref_slice %arg6[%dma_start3A_12, %dma_start3A_13, %dma_start3A_14] : memref<6x128x128xf32, #tpu.memory_space<vmem>> -> memref<1x128x128xf32, #tpu.memory_space<vmem>>
    %dma_start3A_16 = tpu.memref_squeeze %dma_start3A_15 : memref<1x128x128xf32, #tpu.memory_space<vmem>> -> memref<128x128xf32, #tpu.memory_space<vmem>>
    %dma_start3A_17 = arith.constant 128 : i32
    %dma_start3A_18 = tpu.memref_slice %arg5[%dma_start3A_17] : memref<3328xi32, #tpu.memory_space<vmem>> -> memref<128xi32, #tpu.memory_space<vmem>>
    %dma_start3A_19 = arith.constant 0 : i32
    %dma_start3A_20 = arith.constant 0 : i32
    %dma_start3A_21 = tpu.memref_slice %arg2[%dma_start3A_19, %dma_start3A_20] : memref<1384448x128xf32, #tpu.memory_space<hbm>> -> memref<1384448x128xf32, #tpu.memory_space<hbm>>
    tpu.enqueue_indirect_dma source(%dma_start3A_21 : memref<1384448x128xf32, #tpu.memory_space<hbm>>) target(%dma_start3A_16 : memref<128x128xf32, #tpu.memory_space<vmem>>) offsets(%dma_start3A_18 : memref<128xi32, #tpu.memory_space<vmem>>) semaphore(%arg7 : memref<!tpu.dma_semaphore, #tpu.memory_space<semaphore_mem>>)
    %dma_start3A_22 = arith.constant 2 : i32
    %dma_start3A_23 = arith.constant 0 : i32
    %dma_start3A_24 = arith.constant 0 : i32
    %dma_start3A_25 = tpu.memref_slice %arg6[%dma_start3A_22, %dma_start3A_23, %dma_start3A_24] : memref<6x128x128xf32, #tpu.memory_space<vmem>> -> memref<1x128x128xf32, #tpu.memory_space<vmem>>
    %dma_start3A_26 = tpu.memref_squeeze %dma_start3A_25 : memref<1x128x128xf32, #tpu.memory_space<vmem>> -> memref<128x128xf32, #tpu.memory_space<vmem>>
    %dma_start3A_27 = arith.constant 256 : i32
    %dma_start3A_28 = tpu.memref_slice %arg5[%dma_start3A_27] : memref<3328xi32, #tpu.memory_space<vmem>> -> memref<128xi32, #tpu.memory_space<vmem>>
    %dma_start3A_29 = arith.constant 0 : i32
    %dma_start3A_30 = arith.constant 0 : i32
    %dma_start3A_31 = tpu.memref_slice %arg2[%dma_start3A_29, %dma_start3A_30] : memref<1384448x128xf32, #tpu.memory_space<hbm>> -> memref<1384448x128xf32, #tpu.memory_space<hbm>>
    tpu.enqueue_indirect_dma source(%dma_start3A_31 : memref<1384448x128xf32, #tpu.memory_space<hbm>>) target(%dma_start3A_26 : memref<128x128xf32, #tpu.memory_space<vmem>>) offsets(%dma_start3A_28 : memref<128xi32, #tpu.memory_space<vmem>>) semaphore(%arg7 : memref<!tpu.dma_semaphore, #tpu.memory_space<semaphore_mem>>)
    %dma_wait3A = arith.constant 0 : i32
    %dma_wait3A_32 = arith.constant 0 : i32
    %dma_wait3A_33 = arith.constant 0 : i32
    %dma_wait3A_34 = tpu.memref_slice %arg6[%dma_wait3A, %dma_wait3A_32, %dma_wait3A_33] : memref<6x128x128xf32, #tpu.memory_space<vmem>> -> memref<1x128x128xf32, #tpu.memory_space<vmem>>
    %dma_wait3A_35 = tpu.memref_squeeze %dma_wait3A_34 : memref<1x128x128xf32, #tpu.memory_space<vmem>> -> memref<128x128xf32, #tpu.memory_space<vmem>>
    %dma_wait3A_36 = arith.constant 0 : i32
    %dma_wait3A_37 = tpu.memref_slice %arg5[%dma_wait3A_36] : memref<3328xi32, #tpu.memory_space<vmem>> -> memref<128xi32, #tpu.memory_space<vmem>>
    %dma_wait3A_38 = arith.constant 0 : i32
    %dma_wait3A_39 = arith.constant 0 : i32
    %dma_wait3A_40 = tpu.memref_slice %arg2[%dma_wait3A_38, %dma_wait3A_39] : memref<1384448x128xf32, #tpu.memory_space<hbm>> -> memref<1384448x128xf32, #tpu.memory_space<hbm>>
    tpu.wait_indirect_dma semaphore(%arg7 : memref<!tpu.dma_semaphore, #tpu.memory_space<semaphore_mem>>) src(%dma_wait3A_40 : memref<1384448x128xf32, #tpu.memory_space<hbm>>) dst(%dma_wait3A_35 : memref<128x128xf32, #tpu.memory_space<vmem>>)
    %mul3A_41 = arith.constant 3328 : i32
    %mul3A_42 = arith.muli %add3A, %mul3A_41 : i32
    %add3A_43 = arith.constant 0 : i32
    %add3A_44 = arith.addi %mul3A_42, %add3A_43 : i32
    %dma_start3A_45 = arith.constant 0 : i32
    %dma_start3A_46 = arith.constant 0 : i32
    %dma_start3A_47 = arith.constant 0 : i32
    %dma_start3A_48 = tpu.memref_slice %arg6[%dma_start3A_45, %dma_start3A_46, %dma_start3A_47] : memref<6x128x128xf32, #tpu.memory_space<vmem>> -> memref<1x128x128xf32, #tpu.memory_space<vmem>>
    %dma_start3A_49 = tpu.memref_squeeze %dma_start3A_48 : memref<1x128x128xf32, #tpu.memory_space<vmem>> -> memref<128x128xf32, #tpu.memory_space<vmem>>
    %dma_start3A_50 = arith.constant 0 : i32
    %dma_start3A_51 = tpu.memref_slice %arg4[%add3A_44, %dma_start3A_50] : memref<106496x128xf32, #tpu.memory_space<hbm>> -> memref<128x128xf32, #tpu.memory_space<hbm>>
    %dma_start3A_52 = arith.constant 0 : i32
    %dma_start3A_53 = tpu.memref_slice %arg4[%add3A_44, %dma_start3A_52] : memref<106496x128xf32, #tpu.memory_space<hbm>> -> memref<128x128xf32, #tpu.memory_space<hbm>>
    %dma_start3A_54 = arith.constant 0 : i32
    %dma_start3A_55 = arith.constant 0 : i32
    %dma_start3A_56 = tpu.memref_slice %arg6[%dma_start3A_45, %dma_start3A_54, %dma_start3A_55] : memref<6x128x128xf32, #tpu.memory_space<vmem>> -> memref<1x128x128xf32, #tpu.memory_space<vmem>>
    %dma_start3A_57 = tpu.memref_squeeze %dma_start3A_56 : memref<1x128x128xf32, #tpu.memory_space<vmem>> -> memref<128x128xf32, #tpu.memory_space<vmem>>
    tpu.enqueue_dma source(%dma_start3A_57 : memref<128x128xf32, #tpu.memory_space<vmem>>) target(%dma_start3A_53 : memref<128x128xf32, #tpu.memory_space<hbm>>) target_semaphore(%arg8 : memref<!tpu.dma_semaphore, #tpu.memory_space<semaphore_mem>>)
    %dma_start3A_58 = arith.constant 3 : i32
    %dma_start3A_59 = arith.constant 0 : i32
    %dma_start3A_60 = arith.constant 0 : i32
    %dma_start3A_61 = tpu.memref_slice %arg6[%dma_start3A_58, %dma_start3A_59, %dma_start3A_60] : memref<6x128x128xf32, #tpu.memory_space<vmem>> -> memref<1x128x128xf32, #tpu.memory_space<vmem>>
    %dma_start3A_62 = tpu.memref_squeeze %dma_start3A_61 : memref<1x128x128xf32, #tpu.memory_space<vmem>> -> memref<128x128xf32, #tpu.memory_space<vmem>>
    %dma_start3A_63 = arith.constant 384 : i32
    %dma_start3A_64 = tpu.memref_slice %arg5[%dma_start3A_63] : memref<3328xi32, #tpu.memory_space<vmem>> -> memref<128xi32, #tpu.memory_space<vmem>>
    %dma_start3A_65 = arith.constant 0 : i32
    %dma_start3A_66 = arith.constant 0 : i32
    %dma_start3A_67 = tpu.memref_slice %arg2[%dma_start3A_65, %dma_start3A_66] : memref<1384448x128xf32, #tpu.memory_space<hbm>> -> memref<1384448x128xf32, #tpu.memory_space<hbm>>
    tpu.enqueue_indirect_dma source(%dma_start3A_67 : memref<1384448x128xf32, #tpu.memory_space<hbm>>) target(%dma_start3A_62 : memref<128x128xf32, #tpu.memory_space<vmem>>) offsets(%dma_start3A_64 : memref<128xi32, #tpu.memory_space<vmem>>) semaphore(%arg7 : memref<!tpu.dma_semaphore, #tpu.memory_space<semaphore_mem>>)
    %dma_wait3A_68 = arith.constant 1 : i32
    %dma_wait3A_69 = arith.constant 0 : i32
    %dma_wait3A_70 = arith.constant 0 : i32
    %dma_wait3A_71 = tpu.memref_slice %arg6[%dma_wait3A_68, %dma_wait3A_69, %dma_wait3A_70] : memref<6x128x128xf32, #tpu.memory_space<vmem>> -> memref<1x128x128xf32, #tpu.memory_space<vmem>>
    %dma_wait3A_72 = tpu.memref_squeeze %dma_wait3A_71 : memref<1x128x128xf32, #tpu.memory_space<vmem>> -> memref<128x128xf32, #tpu.memory_space<vmem>>
    %dma_wait3A_73 = arith.constant 128 : i32
    %dma_wait3A_74 = tpu.memref_slice %arg5[%dma_wait3A_73] : memref<3328xi32, #tpu.memory_space<vmem>> -> memref<128xi32, #tpu.memory_space<vmem>>
    %dma_wait3A_75 = arith.constant 0 : i32
    %dma_wait3A_76 = arith.constant 0 : i32
    %dma_wait3A_77 = tpu.memref_slice %arg2[%dma_wait3A_75, %dma_wait3A_76] : memref<1384448x128xf32, #tpu.memory_space<hbm>> -> memref<1384448x128xf32, #tpu.memory_space<hbm>>
    tpu.wait_indirect_dma semaphore(%arg7 : memref<!tpu.dma_semaphore, #tpu.memory_space<semaphore_mem>>) src(%dma_wait3A_77 : memref<1384448x128xf32, #tpu.memory_space<hbm>>) dst(%dma_wait3A_72 : memref<128x128xf32, #tpu.memory_space<vmem>>)
    %mul3A_78 = arith.constant 3328 : i32
    %mul3A_79 = arith.muli %add3A, %mul3A_78 : i32
    %add3A_80 = arith.constant 128 : i32
    %add3A_81 = arith.addi %mul3A_79, %add3A_80 : i32
    %dma_start3A_82 = arith.constant 1 : i32
    %dma_start3A_83 = arith.constant 0 : i32
    %dma_start3A_84 = arith.constant 0 : i32
    %dma_start3A_85 = tpu.memref_slice %arg6[%dma_start3A_82, %dma_start3A_83, %dma_start3A_84] : memref<6x128x128xf32, #tpu.memory_space<vmem>> -> memref<1x128x128xf32, #tpu.memory_space<vmem>>
    %dma_start3A_86 = tpu.memref_squeeze %dma_start3A_85 : memref<1x128x128xf32, #tpu.memory_space<vmem>> -> memref<128x128xf32, #tpu.memory_space<vmem>>
    %dma_start3A_87 = arith.constant 0 : i32
    %dma_start3A_88 = tpu.memref_slice %arg4[%add3A_81, %dma_start3A_87] : memref<106496x128xf32, #tpu.memory_space<hbm>> -> memref<128x128xf32, #tpu.memory_space<hbm>>
    %dma_start3A_89 = arith.constant 0 : i32
    %dma_start3A_90 = tpu.memref_slice %arg4[%add3A_81, %dma_start3A_89] : memref<106496x128xf32, #tpu.memory_space<hbm>> -> memref<128x128xf32, #tpu.memory_space<hbm>>
    %dma_start3A_91 = arith.constant 0 : i32
    %dma_start3A_92 = arith.constant 0 : i32
    %dma_start3A_93 = tpu.memref_slice %arg6[%dma_start3A_82, %dma_start3A_91, %dma_start3A_92] : memref<6x128x128xf32, #tpu.memory_space<vmem>> -> memref<1x128x128xf32, #tpu.memory_space<vmem>>
    %dma_start3A_94 = tpu.memref_squeeze %dma_start3A_93 : memref<1x128x128xf32, #tpu.memory_space<vmem>> -> memref<128x128xf32, #tpu.memory_space<vmem>>
    tpu.enqueue_dma source(%dma_start3A_94 : memref<128x128xf32, #tpu.memory_space<vmem>>) target(%dma_start3A_90 : memref<128x128xf32, #tpu.memory_space<hbm>>) target_semaphore(%arg8 : memref<!tpu.dma_semaphore, #tpu.memory_space<semaphore_mem>>)
    %dma_start3A_95 = arith.constant 4 : i32
    %dma_start3A_96 = arith.constant 0 : i32
    %dma_start3A_97 = arith.constant 0 : i32
    %dma_start3A_98 = tpu.memref_slice %arg6[%dma_start3A_95, %dma_start3A_96, %dma_start3A_97] : memref<6x128x128xf32, #tpu.memory_space<vmem>> -> memref<1x128x128xf32, #tpu.memory_space<vmem>>
    %dma_start3A_99 = tpu.memref_squeeze %dma_start3A_98 : memref<1x128x128xf32, #tpu.memory_space<vmem>> -> memref<128x128xf32, #tpu.memory_space<vmem>>
    %dma_start3A_100 = arith.constant 512 : i32
    %dma_start3A_101 = tpu.memref_slice %arg5[%dma_start3A_100] : memref<3328xi32, #tpu.memory_space<vmem>> -> memref<128xi32, #tpu.memory_space<vmem>>
    %dma_start3A_102 = arith.constant 0 : i32
    %dma_start3A_103 = arith.constant 0 : i32
    %dma_start3A_104 = tpu.memref_slice %arg2[%dma_start3A_102, %dma_start3A_103] : memref<1384448x128xf32, #tpu.memory_space<hbm>> -> memref<1384448x128xf32, #tpu.memory_space<hbm>>
    tpu.enqueue_indirect_dma source(%dma_start3A_104 : memref<1384448x128xf32, #tpu.memory_space<hbm>>) target(%dma_start3A_99 : memref<128x128xf32, #tpu.memory_space<vmem>>) offsets(%dma_start3A_101 : memref<128xi32, #tpu.memory_space<vmem>>) semaphore(%arg7 : memref<!tpu.dma_semaphore, #tpu.memory_space<semaphore_mem>>)
    %dma_wait3A_105 = arith.constant 2 : i32
    %dma_wait3A_106 = arith.constant 0 : i32
    %dma_wait3A_107 = arith.constant 0 : i32
    %dma_wait3A_108 = tpu.memref_slice %arg6[%dma_wait3A_105, %dma_wait3A_106, %dma_wait3A_107] : memref<6x128x128xf32, #tpu.memory_space<vmem>> -> memref<1x128x128xf32, #tpu.memory_space<vmem>>
    %dma_wait3A_109 = tpu.memref_squeeze %dma_wait3A_108 : memref<1x128x128xf32, #tpu.memory_space<vmem>> -> memref<128x128xf32, #tpu.memory_space<vmem>>
    %dma_wait3A_110 = arith.constant 256 : i32
    %dma_wait3A_111 = tpu.memref_slice %arg5[%dma_wait3A_110] : memref<3328xi32, #tpu.memory_space<vmem>> -> memref<128xi32, #tpu.memory_space<vmem>>
    %dma_wait3A_112 = arith.constant 0 : i32
    %dma_wait3A_113 = arith.constant 0 : i32
    %dma_wait3A_114 = tpu.memref_slice %arg2[%dma_wait3A_112, %dma_wait3A_113] : memref<1384448x128xf32, #tpu.memory_space<hbm>> -> memref<1384448x128xf32, #tpu.memory_space<hbm>>
    tpu.wait_indirect_dma semaphore(%arg7 : memref<!tpu.dma_semaphore, #tpu.memory_space<semaphore_mem>>) src(%dma_wait3A_114 : memref<1384448x128xf32, #tpu.memory_space<hbm>>) dst(%dma_wait3A_109 : memref<128x128xf32, #tpu.memory_space<vmem>>)
    %mul3A_115 = arith.constant 3328 : i32
    %mul3A_116 = arith.muli %add3A, %mul3A_115 : i32
    %add3A_117 = arith.constant 256 : i32
    %add3A_118 = arith.addi %mul3A_116, %add3A_117 : i32
    %dma_start3A_119 = arith.constant 2 : i32
    %dma_start3A_120 = arith.constant 0 : i32
    %dma_start3A_121 = arith.constant 0 : i32
    %dma_start3A_122 = tpu.memref_slice %arg6[%dma_start3A_119, %dma_start3A_120, %dma_start3A_121] : memref<6x128x128xf32, #tpu.memory_space<vmem>> -> memref<1x128x128xf32, #tpu.memory_space<vmem>>
    %dma_start3A_123 = tpu.memref_squeeze %dma_start3A_122 : memref<1x128x128xf32, #tpu.memory_space<vmem>> -> memref<128x128xf32, #tpu.memory_space<vmem>>
    %dma_start3A_124 = arith.constant 0 : i32
    %dma_start3A_125 = tpu.memref_slice %arg4[%add3A_118, %dma_start3A_124] : memref<106496x128xf32, #tpu.memory_space<hbm>> -> memref<128x128xf32, #tpu.memory_space<hbm>>
    %dma_start3A_126 = arith.constant 0 : i32
    %dma_start3A_127 = tpu.memref_slice %arg4[%add3A_118, %dma_start3A_126] : memref<106496x128xf32, #tpu.memory_space<hbm>> -> memref<128x128xf32, #tpu.memory_space<hbm>>
    %dma_start3A_128 = arith.constant 0 : i32
    %dma_start3A_129 = arith.constant 0 : i32
    %dma_start3A_130 = tpu.memref_slice %arg6[%dma_start3A_119, %dma_start3A_128, %dma_start3A_129] : memref<6x128x128xf32, #tpu.memory_space<vmem>> -> memref<1x128x128xf32, #tpu.memory_space<vmem>>
    %dma_start3A_131 = tpu.memref_squeeze %dma_start3A_130 : memref<1x128x128xf32, #tpu.memory_space<vmem>> -> memref<128x128xf32, #tpu.memory_space<vmem>>
    tpu.enqueue_dma source(%dma_start3A_131 : memref<128x128xf32, #tpu.memory_space<vmem>>) target(%dma_start3A_127 : memref<128x128xf32, #tpu.memory_space<hbm>>) target_semaphore(%arg8 : memref<!tpu.dma_semaphore, #tpu.memory_space<semaphore_mem>>)
    %dma_start3A_132 = arith.constant 5 : i32
    %dma_start3A_133 = arith.constant 0 : i32
    %dma_start3A_134 = arith.constant 0 : i32
    %dma_start3A_135 = tpu.memref_slice %arg6[%dma_start3A_132, %dma_start3A_133, %dma_start3A_134] : memref<6x128x128xf32, #tpu.memory_space<vmem>> -> memref<1x128x128xf32, #tpu.memory_space<vmem>>
    %dma_start3A_136 = tpu.memref_squeeze %dma_start3A_135 : memref<1x128x128xf32, #tpu.memory_space<vmem>> -> memref<128x128xf32, #tpu.memory_space<vmem>>
    %dma_start3A_137 = arith.constant 640 : i32
    %dma_start3A_138 = tpu.memref_slice %arg5[%dma_start3A_137] : memref<3328xi32, #tpu.memory_space<vmem>> -> memref<128xi32, #tpu.memory_space<vmem>>
    %dma_start3A_139 = arith.constant 0 : i32
    %dma_start3A_140 = arith.constant 0 : i32
    %dma_start3A_141 = tpu.memref_slice %arg2[%dma_start3A_139, %dma_start3A_140] : memref<1384448x128xf32, #tpu.memory_space<hbm>> -> memref<1384448x128xf32, #tpu.memory_space<hbm>>
    tpu.enqueue_indirect_dma source(%dma_start3A_141 : memref<1384448x128xf32, #tpu.memory_space<hbm>>) target(%dma_start3A_136 : memref<128x128xf32, #tpu.memory_space<vmem>>) offsets(%dma_start3A_138 : memref<128xi32, #tpu.memory_space<vmem>>) semaphore(%arg7 : memref<!tpu.dma_semaphore, #tpu.memory_space<semaphore_mem>>)
    %dma_wait3A_142 = arith.constant 3 : i32
    %dma_wait3A_143 = arith.constant 0 : i32
    %dma_wait3A_144 = arith.constant 0 : i32
    %dma_wait3A_145 = tpu.memref_slice %arg6[%dma_wait3A_142, %dma_wait3A_143, %dma_wait3A_144] : memref<6x128x128xf32, #tpu.memory_space<vmem>> -> memref<1x128x128xf32, #tpu.memory_space<vmem>>
    %dma_wait3A_146 = tpu.memref_squeeze %dma_wait3A_145 : memref<1x128x128xf32, #tpu.memory_space<vmem>> -> memref<128x128xf32, #tpu.memory_space<vmem>>
    %dma_wait3A_147 = arith.constant 384 : i32
    %dma_wait3A_148 = tpu.memref_slice %arg5[%dma_wait3A_147] : memref<3328xi32, #tpu.memory_space<vmem>> -> memref<128xi32, #tpu.memory_space<vmem>>
    %dma_wait3A_149 = arith.constant 0 : i32
    %dma_wait3A_150 = arith.constant 0 : i32
    %dma_wait3A_151 = tpu.memref_slice %arg2[%dma_wait3A_149, %dma_wait3A_150] : memref<1384448x128xf32, #tpu.memory_space<hbm>> -> memref<1384448x128xf32, #tpu.memory_space<hbm>>
    tpu.wait_indirect_dma semaphore(%arg7 : memref<!tpu.dma_semaphore, #tpu.memory_space<semaphore_mem>>) src(%dma_wait3A_151 : memref<1384448x128xf32, #tpu.memory_space<hbm>>) dst(%dma_wait3A_146 : memref<128x128xf32, #tpu.memory_space<vmem>>)
    %mul3A_152 = arith.constant 3328 : i32
    %mul3A_153 = arith.muli %add3A, %mul3A_152 : i32
    %add3A_154 = arith.constant 384 : i32
    %add3A_155 = arith.addi %mul3A_153, %add3A_154 : i32
    %dma_start3A_156 = arith.constant 3 : i32
    %dma_start3A_157 = arith.constant 0 : i32
    %dma_start3A_158 = arith.constant 0 : i32
    %dma_start3A_159 = tpu.memref_slice %arg6[%dma_start3A_156, %dma_start3A_157, %dma_start3A_158] : memref<6x128x128xf32, #tpu.memory_space<vmem>> -> memref<1x128x128xf32, #tpu.memory_space<vmem>>
    %dma_start3A_160 = tpu.memref_squeeze %dma_start3A_159 : memref<1x128x128xf32, #tpu.memory_space<vmem>> -> memref<128x128xf32, #tpu.memory_space<vmem>>
    %dma_start3A_161 = arith.constant 0 : i32
    %dma_start3A_162 = tpu.memref_slice %arg4[%add3A_155, %dma_start3A_161] : memref<106496x128xf32, #tpu.memory_space<hbm>> -> memref<128x128xf32, #tpu.memory_space<hbm>>
    %dma_start3A_163 = arith.constant 0 : i32
    %dma_start3A_164 = tpu.memref_slice %arg4[%add3A_155, %dma_start3A_163] : memref<106496x128xf32, #tpu.memory_space<hbm>> -> memref<128x128xf32, #tpu.memory_space<hbm>>
    %dma_start3A_165 = arith.constant 0 : i32
    %dma_start3A_166 = arith.constant 0 : i32
    %dma_start3A_167 = tpu.memref_slice %arg6[%dma_start3A_156, %dma_start3A_165, %dma_start3A_166] : memref<6x128x128xf32, #tpu.memory_space<vmem>> -> memref<1x128x128xf32, #tpu.memory_space<vmem>>
    %dma_start3A_168 = tpu.memref_squeeze %dma_start3A_167 : memref<1x128x128xf32, #tpu.memory_space<vmem>> -> memref<128x128xf32, #tpu.memory_space<vmem>>
    tpu.enqueue_dma source(%dma_start3A_168 : memref<128x128xf32, #tpu.memory_space<vmem>>) target(%dma_start3A_164 : memref<128x128xf32, #tpu.memory_space<hbm>>) target_semaphore(%arg8 : memref<!tpu.dma_semaphore, #tpu.memory_space<semaphore_mem>>)
    %dma_wait3A_169 = arith.constant 0 : i32
    %dma_wait3A_170 = arith.constant 0 : i32
    %dma_wait3A_171 = arith.constant 0 : i32
    %dma_wait3A_172 = tpu.memref_slice %arg6[%dma_wait3A_169, %dma_wait3A_170, %dma_wait3A_171] : memref<6x128x128xf32, #tpu.memory_space<vmem>> -> memref<1x128x128xf32, #tpu.memory_space<vmem>>
    %dma_wait3A_173 = tpu.memref_squeeze %dma_wait3A_172 : memref<1x128x128xf32, #tpu.memory_space<vmem>> -> memref<128x128xf32, #tpu.memory_space<vmem>>
    %dma_wait3A_174 = arith.constant 0 : i32
    %dma_wait3A_175 = tpu.memref_slice %arg4[%add3A_44, %dma_wait3A_174] : memref<106496x128xf32, #tpu.memory_space<hbm>> -> memref<128x128xf32, #tpu.memory_space<hbm>>
    %dma_wait3A_176 = arith.constant 0 : i32
    %dma_wait3A_177 = tpu.memref_slice %arg4[%add3A_44, %dma_wait3A_176] : memref<106496x128xf32, #tpu.memory_space<hbm>> -> memref<128x128xf32, #tpu.memory_space<hbm>>
    %dma_wait3A_178 = arith.constant 0 : i32
    %dma_wait3A_179 = arith.constant 0 : i32
    %dma_wait3A_180 = tpu.memref_slice %arg6[%dma_wait3A_169, %dma_wait3A_178, %dma_wait3A_179] : memref<6x128x128xf32, #tpu.memory_space<vmem>> -> memref<1x128x128xf32, #tpu.memory_space<vmem>>
    %dma_wait3A_181 = tpu.memref_squeeze %dma_wait3A_180 : memref<1x128x128xf32, #tpu.memory_space<vmem>> -> memref<128x128xf32, #tpu.memory_space<vmem>>
    tpu.wait_dma2 semaphore(%arg8 : memref<!tpu.dma_semaphore, #tpu.memory_space<semaphore_mem>>) src(%dma_wait3A_181 : memref<128x128xf32, #tpu.memory_space<vmem>>) dst(%dma_wait3A_177 : memref<128x128xf32, #tpu.memory_space<hbm>>)
    %dma_start3A_182 = arith.constant 0 : i32
    %dma_start3A_183 = arith.constant 0 : i32
    %dma_start3A_184 = arith.constant 0 : i32
    %dma_start3A_185 = tpu.memref_slice %arg6[%dma_start3A_182, %dma_start3A_183, %dma_start3A_184] : memref<6x128x128xf32, #tpu.memory_space<vmem>> -> memref<1x128x128xf32, #tpu.memory_space<vmem>>
    %dma_start3A_186 = tpu.memref_squeeze %dma_start3A_185 : memref<1x128x128xf32, #tpu.memory_space<vmem>> -> memref<128x128xf32, #tpu.memory_space<vmem>>
    %dma_start3A_187 = arith.constant 768 : i32
    %dma_start3A_188 = tpu.memref_slice %arg5[%dma_start3A_187] : memref<3328xi32, #tpu.memory_space<vmem>> -> memref<128xi32, #tpu.memory_space<vmem>>
    %dma_start3A_189 = arith.constant 0 : i32
    %dma_start3A_190 = arith.constant 0 : i32
    %dma_start3A_191 = tpu.memref_slice %arg2[%dma_start3A_189, %dma_start3A_190] : memref<1384448x128xf32, #tpu.memory_space<hbm>> -> memref<1384448x128xf32, #tpu.memory_space<hbm>>
    tpu.enqueue_indirect_dma source(%dma_start3A_191 : memref<1384448x128xf32, #tpu.memory_space<hbm>>) target(%dma_start3A_186 : memref<128x128xf32, #tpu.memory_space<vmem>>) offsets(%dma_start3A_188 : memref<128xi32, #tpu.memory_space<vmem>>) semaphore(%arg7 : memref<!tpu.dma_semaphore, #tpu.memory_space<semaphore_mem>>)
    %dma_wait3A_192 = arith.constant 4 : i32
    %dma_wait3A_193 = arith.constant 0 : i32
    %dma_wait3A_194 = arith.constant 0 : i32
    %dma_wait3A_195 = tpu.memref_slice %arg6[%dma_wait3A_192, %dma_wait3A_193, %dma_wait3A_194] : memref<6x128x128xf32, #tpu.memory_space<vmem>> -> memref<1x128x128xf32, #tpu.memory_space<vmem>>
    %dma_wait3A_196 = tpu.memref_squeeze %dma_wait3A_195 : memref<1x128x128xf32, #tpu.memory_space<vmem>> -> memref<128x128xf32, #tpu.memory_space<vmem>>
    %dma_wait3A_197 = arith.constant 512 : i32
    %dma_wait3A_198 = tpu.memref_slice %arg5[%dma_wait3A_197] : memref<3328xi32, #tpu.memory_space<vmem>> -> memref<128xi32, #tpu.memory_space<vmem>>
    %dma_wait3A_199 = arith.constant 0 : i32
    %dma_wait3A_200 = arith.constant 0 : i32
    %dma_wait3A_201 = tpu.memref_slice %arg2[%dma_wait3A_199, %dma_wait3A_200] : memref<1384448x128xf32, #tpu.memory_space<hbm>> -> memref<1384448x128xf32, #tpu.memory_space<hbm>>
    tpu.wait_indirect_dma semaphore(%arg7 : memref<!tpu.dma_semaphore, #tpu.memory_space<semaphore_mem>>) src(%dma_wait3A_201 : memref<1384448x128xf32, #tpu.memory_space<hbm>>) dst(%dma_wait3A_196 : memref<128x128xf32, #tpu.memory_space<vmem>>)
    %mul3A_202 = arith.constant 3328 : i32
    %mul3A_203 = arith.muli %add3A, %mul3A_202 : i32
    %add3A_204 = arith.constant 512 : i32
    %add3A_205 = arith.addi %mul3A_203, %add3A_204 : i32
    %dma_start3A_206 = arith.constant 4 : i32
    %dma_start3A_207 = arith.constant 0 : i32
    %dma_start3A_208 = arith.constant 0 : i32
    %dma_start3A_209 = tpu.memref_slice %arg6[%dma_start3A_206, %dma_start3A_207, %dma_start3A_208] : memref<6x128x128xf32, #tpu.memory_space<vmem>> -> memref<1x128x128xf32, #tpu.memory_space<vmem>>
    %dma_start3A_210 = tpu.memref_squeeze %dma_start3A_209 : memref<1x128x128xf32, #tpu.memory_space<vmem>> -> memref<128x128xf32, #tpu.memory_space<vmem>>
    %dma_start3A_211 = arith.constant 0 : i32
    %dma_start3A_212 = tpu.memref_slice %arg4[%add3A_205, %dma_start3A_211] : memref<106496x128xf32, #tpu.memory_space<hbm>> -> memref<128x128xf32, #tpu.memory_space<hbm>>
    %dma_start3A_213 = arith.constant 0 : i32
    %dma_start3A_214 = tpu.memref_slice %arg4[%add3A_205, %dma_start3A_213] : memref<106496x128xf32, #tpu.memory_space<hbm>> -> memref<128x128xf32, #tpu.memory_space<hbm>>
    %dma_start3A_215 = arith.constant 0 : i32
    %dma_start3A_216 = arith.constant 0 : i32
    %dma_start3A_217 = tpu.memref_slice %arg6[%dma_start3A_206, %dma_start3A_215, %dma_start3A_216] : memref<6x128x128xf32, #tpu.memory_space<vmem>> -> memref<1x128x128xf32, #tpu.memory_space<vmem>>
    %dma_start3A_218 = tpu.memref_squeeze %dma_start3A_217 : memref<1x128x128xf32, #tpu.memory_space<vmem>> -> memref<128x128xf32, #tpu.memory_space<vmem>>
    tpu.enqueue_dma source(%dma_start3A_218 : memref<128x128xf32, #tpu.memory_space<vmem>>) target(%dma_start3A_214 : memref<128x128xf32, #tpu.memory_space<hbm>>) target_semaphore(%arg8 : memref<!tpu.dma_semaphore, #tpu.memory_space<semaphore_mem>>)
    %dma_wait3A_219 = arith.constant 1 : i32
    %dma_wait3A_220 = arith.constant 0 : i32
    %dma_wait3A_221 = arith.constant 0 : i32
    %dma_wait3A_222 = tpu.memref_slice %arg6[%dma_wait3A_219, %dma_wait3A_220, %dma_wait3A_221] : memref<6x128x128xf32, #tpu.memory_space<vmem>> -> memref<1x128x128xf32, #tpu.memory_space<vmem>>
    %dma_wait3A_223 = tpu.memref_squeeze %dma_wait3A_222 : memref<1x128x128xf32, #tpu.memory_space<vmem>> -> memref<128x128xf32, #tpu.memory_space<vmem>>
    %dma_wait3A_224 = arith.constant 0 : i32
    %dma_wait3A_225 = tpu.memref_slice %arg4[%add3A_81, %dma_wait3A_224] : memref<106496x128xf32, #tpu.memory_space<hbm>> -> memref<128x128xf32, #tpu.memory_space<hbm>>
    %dma_wait3A_226 = arith.constant 0 : i32
    %dma_wait3A_227 = tpu.memref_slice %arg4[%add3A_81, %dma_wait3A_226] : memref<106496x128xf32, #tpu.memory_space<hbm>> -> memref<128x128xf32, #tpu.memory_space<hbm>>
    %dma_wait3A_228 = arith.constant 0 : i32
    %dma_wait3A_229 = arith.constant 0 : i32
    %dma_wait3A_230 = tpu.memref_slice %arg6[%dma_wait3A_219, %dma_wait3A_228, %dma_wait3A_229] : memref<6x128x128xf32, #tpu.memory_space<vmem>> -> memref<1x128x128xf32, #tpu.memory_space<vmem>>
    %dma_wait3A_231 = tpu.memref_squeeze %dma_wait3A_230 : memref<1x128x128xf32, #tpu.memory_space<vmem>> -> memref<128x128xf32, #tpu.memory_space<vmem>>
    tpu.wait_dma2 semaphore(%arg8 : memref<!tpu.dma_semaphore, #tpu.memory_space<semaphore_mem>>) src(%dma_wait3A_231 : memref<128x128xf32, #tpu.memory_space<vmem>>) dst(%dma_wait3A_227 : memref<128x128xf32, #tpu.memory_space<hbm>>)
    %dma_start3A_232 = arith.constant 1 : i32
    %dma_start3A_233 = arith.constant 0 : i32
    %dma_start3A_234 = arith.constant 0 : i32
    %dma_start3A_235 = tpu.memref_slice %arg6[%dma_start3A_232, %dma_start3A_233, %dma_start3A_234] : memref<6x128x128xf32, #tpu.memory_space<vmem>> -> memref<1x128x128xf32, #tpu.memory_space<vmem>>
    %dma_start3A_236 = tpu.memref_squeeze %dma_start3A_235 : memref<1x128x128xf32, #tpu.memory_space<vmem>> -> memref<128x128xf32, #tpu.memory_space<vmem>>
    %dma_start3A_237 = arith.constant 896 : i32
    %dma_start3A_238 = tpu.memref_slice %arg5[%dma_start3A_237] : memref<3328xi32, #tpu.memory_space<vmem>> -> memref<128xi32, #tpu.memory_space<vmem>>
    %dma_start3A_239 = arith.constant 0 : i32
    %dma_start3A_240 = arith.constant 0 : i32
    %dma_start3A_241 = tpu.memref_slice %arg2[%dma_start3A_239, %dma_start3A_240] : memref<1384448x128xf32, #tpu.memory_space<hbm>> -> memref<1384448x128xf32, #tpu.memory_space<hbm>>
    tpu.enqueue_indirect_dma source(%dma_start3A_241 : memref<1384448x128xf32, #tpu.memory_space<hbm>>) target(%dma_start3A_236 : memref<128x128xf32, #tpu.memory_space<vmem>>) offsets(%dma_start3A_238 : memref<128xi32, #tpu.memory_space<vmem>>) semaphore(%arg7 : memref<!tpu.dma_semaphore, #tpu.memory_space<semaphore_mem>>)
    %dma_wait3A_242 = arith.constant 5 : i32
    %dma_wait3A_243 = arith.constant 0 : i32
    %dma_wait3A_244 = arith.constant 0 : i32
    %dma_wait3A_245 = tpu.memref_slice %arg6[%dma_wait3A_242, %dma_wait3A_243, %dma_wait3A_244] : memref<6x128x128xf32, #tpu.memory_space<vmem>> -> memref<1x128x128xf32, #tpu.memory_space<vmem>>
    %dma_wait3A_246 = tpu.memref_squeeze %dma_wait3A_245 : memref<1x128x128xf32, #tpu.memory_space<vmem>> -> memref<128x128xf32, #tpu.memory_space<vmem>>
    %dma_wait3A_247 = arith.constant 640 : i32
    %dma_wait3A_248 = tpu.memref_slice %arg5[%dma_wait3A_247] : memref<3328xi32, #tpu.memory_space<vmem>> -> memref<128xi32, #tpu.memory_space<vmem>>
    %dma_wait3A_249 = arith.constant 0 : i32
    %dma_wait3A_250 = arith.constant 0 : i32
    %dma_wait3A_251 = tpu.memref_slice %arg2[%dma_wait3A_249, %dma_wait3A_250] : memref<1384448x128xf32, #tpu.memory_space<hbm>> -> memref<1384448x128xf32, #tpu.memory_space<hbm>>
    tpu.wait_indirect_dma semaphore(%arg7 : memref<!tpu.dma_semaphore, #tpu.memory_space<semaphore_mem>>) src(%dma_wait3A_251 : memref<1384448x128xf32, #tpu.memory_space<hbm>>) dst(%dma_wait3A_246 : memref<128x128xf32, #tpu.memory_space<vmem>>)
    %mul3A_252 = arith.constant 3328 : i32
    %mul3A_253 = arith.muli %add3A, %mul3A_252 : i32
    %add3A_254 = arith.constant 640 : i32
    %add3A_255 = arith.addi %mul3A_253, %add3A_254 : i32
    %dma_start3A_256 = arith.constant 5 : i32
    %dma_start3A_257 = arith.constant 0 : i32
    %dma_start3A_258 = arith.constant 0 : i32
    %dma_start3A_259 = tpu.memref_slice %arg6[%dma_start3A_256, %dma_start3A_257, %dma_start3A_258] : memref<6x128x128xf32, #tpu.memory_space<vmem>> -> memref<1x128x128xf32, #tpu.memory_space<vmem>>
    %dma_start3A_260 = tpu.memref_squeeze %dma_start3A_259 : memref<1x128x128xf32, #tpu.memory_space<vmem>> -> memref<128x128xf32, #tpu.memory_space<vmem>>
    %dma_start3A_261 = arith.constant 0 : i32
    %dma_start3A_262 = tpu.memref_slice %arg4[%add3A_255, %dma_start3A_261] : memref<106496x128xf32, #tpu.memory_space<hbm>> -> memref<128x128xf32, #tpu.memory_space<hbm>>
    %dma_start3A_263 = arith.constant 0 : i32
    %dma_start3A_264 = tpu.memref_slice %arg4[%add3A_255, %dma_start3A_263] : memref<106496x128xf32, #tpu.memory_space<hbm>> -> memref<128x128xf32, #tpu.memory_space<hbm>>
    %dma_start3A_265 = arith.constant 0 : i32
    %dma_start3A_266 = arith.constant 0 : i32
    %dma_start3A_267 = tpu.memref_slice %arg6[%dma_start3A_256, %dma_start3A_265, %dma_start3A_266] : memref<6x128x128xf32, #tpu.memory_space<vmem>> -> memref<1x128x128xf32, #tpu.memory_space<vmem>>
    %dma_start3A_268 = tpu.memref_squeeze %dma_start3A_267 : memref<1x128x128xf32, #tpu.memory_space<vmem>> -> memref<128x128xf32, #tpu.memory_space<vmem>>
    tpu.enqueue_dma source(%dma_start3A_268 : memref<128x128xf32, #tpu.memory_space<vmem>>) target(%dma_start3A_264 : memref<128x128xf32, #tpu.memory_space<hbm>>) target_semaphore(%arg8 : memref<!tpu.dma_semaphore, #tpu.memory_space<semaphore_mem>>)
    %dma_wait3A_269 = arith.constant 2 : i32
    %dma_wait3A_270 = arith.constant 0 : i32
    %dma_wait3A_271 = arith.constant 0 : i32
    %dma_wait3A_272 = tpu.memref_slice %arg6[%dma_wait3A_269, %dma_wait3A_270, %dma_wait3A_271] : memref<6x128x128xf32, #tpu.memory_space<vmem>> -> memref<1x128x128xf32, #tpu.memory_space<vmem>>
    %dma_wait3A_273 = tpu.memref_squeeze %dma_wait3A_272 : memref<1x128x128xf32, #tpu.memory_space<vmem>> -> memref<128x128xf32, #tpu.memory_space<vmem>>
    %dma_wait3A_274 = arith.constant 0 : i32
    %dma_wait3A_275 = tpu.memref_slice %arg4[%add3A_118, %dma_wait3A_274] : memref<106496x128xf32, #tpu.memory_space<hbm>> -> memref<128x128xf32, #tpu.memory_space<hbm>>
    %dma_wait3A_276 = arith.constant 0 : i32
    %dma_wait3A_277 = tpu.memref_slice %arg4[%add3A_118, %dma_wait3A_276] : memref<106496x128xf32, #tpu.memory_space<hbm>> -> memref<128x128xf32, #tpu.memory_space<hbm>>
    %dma_wait3A_278 = arith.constant 0 : i32
    %dma_wait3A_279 = arith.constant 0 : i32
    %dma_wait3A_280 = tpu.memref_slice %arg6[%dma_wait3A_269, %dma_wait3A_278, %dma_wait3A_279] : memref<6x128x128xf32, #tpu.memory_space<vmem>> -> memref<1x128x128xf32, #tpu.memory_space<vmem>>
    %dma_wait3A_281 = tpu.memref_squeeze %dma_wait3A_280 : memref<1x128x128xf32, #tpu.memory_space<vmem>> -> memref<128x128xf32, #tpu.memory_space<vmem>>
    tpu.wait_dma2 semaphore(%arg8 : memref<!tpu.dma_semaphore, #tpu.memory_space<semaphore_mem>>) src(%dma_wait3A_281 : memref<128x128xf32, #tpu.memory_space<vmem>>) dst(%dma_wait3A_277 : memref<128x128xf32, #tpu.memory_space<hbm>>)
    %dma_start3A_282 = arith.constant 2 : i32
    %dma_start3A_283 = arith.constant 0 : i32
    %dma_start3A_284 = arith.constant 0 : i32
    %dma_start3A_285 = tpu.memref_slice %arg6[%dma_start3A_282, %dma_start3A_283, %dma_start3A_284] : memref<6x128x128xf32, #tpu.memory_space<vmem>> -> memref<1x128x128xf32, #tpu.memory_space<vmem>>
    %dma_start3A_286 = tpu.memref_squeeze %dma_start3A_285 : memref<1x128x128xf32, #tpu.memory_space<vmem>> -> memref<128x128xf32, #tpu.memory_space<vmem>>
    %dma_start3A_287 = arith.constant 1024 : i32
    %dma_start3A_288 = tpu.memref_slice %arg5[%dma_start3A_287] : memref<3328xi32, #tpu.memory_space<vmem>> -> memref<128xi32, #tpu.memory_space<vmem>>
    %dma_start3A_289 = arith.constant 0 : i32
    %dma_start3A_290 = arith.constant 0 : i32
    %dma_start3A_291 = tpu.memref_slice %arg2[%dma_start3A_289, %dma_start3A_290] : memref<1384448x128xf32, #tpu.memory_space<hbm>> -> memref<1384448x128xf32, #tpu.memory_space<hbm>>
    tpu.enqueue_indirect_dma source(%dma_start3A_291 : memref<1384448x128xf32, #tpu.memory_space<hbm>>) target(%dma_start3A_286 : memref<128x128xf32, #tpu.memory_space<vmem>>) offsets(%dma_start3A_288 : memref<128xi32, #tpu.memory_space<vmem>>) semaphore(%arg7 : memref<!tpu.dma_semaphore, #tpu.memory_space<semaphore_mem>>)
    %dma_wait3A_292 = arith.constant 0 : i32
    %dma_wait3A_293 = arith.constant 0 : i32
    %dma_wait3A_294 = arith.constant 0 : i32
    %dma_wait3A_295 = tpu.memref_slice %arg6[%dma_wait3A_292, %dma_wait3A_293, %dma_wait3A_294] : memref<6x128x128xf32, #tpu.memory_space<vmem>> -> memref<1x128x128xf32, #tpu.memory_space<vmem>>
    %dma_wait3A_296 = tpu.memref_squeeze %dma_wait3A_295 : memref<1x128x128xf32, #tpu.memory_space<vmem>> -> memref<128x128xf32, #tpu.memory_space<vmem>>
    %dma_wait3A_297 = arith.constant 768 : i32
    %dma_wait3A_298 = tpu.memref_slice %arg5[%dma_wait3A_297] : memref<3328xi32, #tpu.memory_space<vmem>> -> memref<128xi32, #tpu.memory_space<vmem>>
    %dma_wait3A_299 = arith.constant 0 : i32
    %dma_wait3A_300 = arith.constant 0 : i32
    %dma_wait3A_301 = tpu.memref_slice %arg2[%dma_wait3A_299, %dma_wait3A_300] : memref<1384448x128xf32, #tpu.memory_space<hbm>> -> memref<1384448x128xf32, #tpu.memory_space<hbm>>
    tpu.wait_indirect_dma semaphore(%arg7 : memref<!tpu.dma_semaphore, #tpu.memory_space<semaphore_mem>>) src(%dma_wait3A_301 : memref<1384448x128xf32, #tpu.memory_space<hbm>>) dst(%dma_wait3A_296 : memref<128x128xf32, #tpu.memory_space<vmem>>)
    %mul3A_302 = arith.constant 3328 : i32
    %mul3A_303 = arith.muli %add3A, %mul3A_302 : i32
    %add3A_304 = arith.constant 768 : i32
    %add3A_305 = arith.addi %mul3A_303, %add3A_304 : i32
    %dma_start3A_306 = arith.constant 0 : i32
    %dma_start3A_307 = arith.constant 0 : i32
    %dma_start3A_308 = arith.constant 0 : i32
    %dma_start3A_309 = tpu.memref_slice %arg6[%dma_start3A_306, %dma_start3A_307, %dma_start3A_308] : memref<6x128x128xf32, #tpu.memory_space<vmem>> -> memref<1x128x128xf32, #tpu.memory_space<vmem>>
    %dma_start3A_310 = tpu.memref_squeeze %dma_start3A_309 : memref<1x128x128xf32, #tpu.memory_space<vmem>> -> memref<128x128xf32, #tpu.memory_space<vmem>>
    %dma_start3A_311 = arith.constant 0 : i32
    %dma_start3A_312 = tpu.memref_slice %arg4[%add3A_305, %dma_start3A_311] : memref<106496x128xf32, #tpu.memory_space<hbm>> -> memref<128x128xf32, #tpu.memory_space<hbm>>
    %dma_start3A_313 = arith.constant 0 : i32
    %dma_start3A_314 = tpu.memref_slice %arg4[%add3A_305, %dma_start3A_313] : memref<106496x128xf32, #tpu.memory_space<hbm>> -> memref<128x128xf32, #tpu.memory_space<hbm>>
    %dma_start3A_315 = arith.constant 0 : i32
    %dma_start3A_316 = arith.constant 0 : i32
    %dma_start3A_317 = tpu.memref_slice %arg6[%dma_start3A_306, %dma_start3A_315, %dma_start3A_316] : memref<6x128x128xf32, #tpu.memory_space<vmem>> -> memref<1x128x128xf32, #tpu.memory_space<vmem>>
    %dma_start3A_318 = tpu.memref_squeeze %dma_start3A_317 : memref<1x128x128xf32, #tpu.memory_space<vmem>> -> memref<128x128xf32, #tpu.memory_space<vmem>>
    tpu.enqueue_dma source(%dma_start3A_318 : memref<128x128xf32, #tpu.memory_space<vmem>>) target(%dma_start3A_314 : memref<128x128xf32, #tpu.memory_space<hbm>>) target_semaphore(%arg8 : memref<!tpu.dma_semaphore, #tpu.memory_space<semaphore_mem>>)
    %dma_wait3A_319 = arith.constant 3 : i32
    %dma_wait3A_320 = arith.constant 0 : i32
    %dma_wait3A_321 = arith.constant 0 : i32
    %dma_wait3A_322 = tpu.memref_slice %arg6[%dma_wait3A_319, %dma_wait3A_320, %dma_wait3A_321] : memref<6x128x128xf32, #tpu.memory_space<vmem>> -> memref<1x128x128xf32, #tpu.memory_space<vmem>>
    %dma_wait3A_323 = tpu.memref_squeeze %dma_wait3A_322 : memref<1x128x128xf32, #tpu.memory_space<vmem>> -> memref<128x128xf32, #tpu.memory_space<vmem>>
    %dma_wait3A_324 = arith.constant 0 : i32
    %dma_wait3A_325 = tpu.memref_slice %arg4[%add3A_155, %dma_wait3A_324] : memref<106496x128xf32, #tpu.memory_space<hbm>> -> memref<128x128xf32, #tpu.memory_space<hbm>>
    %dma_wait3A_326 = arith.constant 0 : i32
    %dma_wait3A_327 = tpu.memref_slice %arg4[%add3A_155, %dma_wait3A_326] : memref<106496x128xf32, #tpu.memory_space<hbm>> -> memref<128x128xf32, #tpu.memory_space<hbm>>
    %dma_wait3A_328 = arith.constant 0 : i32
    %dma_wait3A_329 = arith.constant 0 : i32
    %dma_wait3A_330 = tpu.memref_slice %arg6[%dma_wait3A_319, %dma_wait3A_328, %dma_wait3A_329] : memref<6x128x128xf32, #tpu.memory_space<vmem>> -> memref<1x128x128xf32, #tpu.memory_space<vmem>>
    %dma_wait3A_331 = tpu.memref_squeeze %dma_wait3A_330 : memref<1x128x128xf32, #tpu.memory_space<vmem>> -> memref<128x128xf32, #tpu.memory_space<vmem>>
    tpu.wait_dma2 semaphore(%arg8 : memref<!tpu.dma_semaphore, #tpu.memory_space<semaphore_mem>>) src(%dma_wait3A_331 : memref<128x128xf32, #tpu.memory_space<vmem>>) dst(%dma_wait3A_327 : memref<128x128xf32, #tpu.memory_space<hbm>>)
    %dma_start3A_332 = arith.constant 3 : i32
    %dma_start3A_333 = arith.constant 0 : i32
    %dma_start3A_334 = arith.constant 0 : i32
    %dma_start3A_335 = tpu.memref_slice %arg6[%dma_start3A_332, %dma_start3A_333, %dma_start3A_334] : memref<6x128x128xf32, #tpu.memory_space<vmem>> -> memref<1x128x128xf32, #tpu.memory_space<vmem>>
    %dma_start3A_336 = tpu.memref_squeeze %dma_start3A_335 : memref<1x128x128xf32, #tpu.memory_space<vmem>> -> memref<128x128xf32, #tpu.memory_space<vmem>>
    %dma_start3A_337 = arith.constant 1152 : i32
    %dma_start3A_338 = tpu.memref_slice %arg5[%dma_start3A_337] : memref<3328xi32, #tpu.memory_space<vmem>> -> memref<128xi32, #tpu.memory_space<vmem>>
    %dma_start3A_339 = arith.constant 0 : i32
    %dma_start3A_340 = arith.constant 0 : i32
    %dma_start3A_341 = tpu.memref_slice %arg2[%dma_start3A_339, %dma_start3A_340] : memref<1384448x128xf32, #tpu.memory_space<hbm>> -> memref<1384448x128xf32, #tpu.memory_space<hbm>>
    tpu.enqueue_indirect_dma source(%dma_start3A_341 : memref<1384448x128xf32, #tpu.memory_space<hbm>>) target(%dma_start3A_336 : memref<128x128xf32, #tpu.memory_space<vmem>>) offsets(%dma_start3A_338 : memref<128xi32, #tpu.memory_space<vmem>>) semaphore(%arg7 : memref<!tpu.dma_semaphore, #tpu.memory_space<semaphore_mem>>)
    %dma_wait3A_342 = arith.constant 1 : i32
    %dma_wait3A_343 = arith.constant 0 : i32
    %dma_wait3A_344 = arith.constant 0 : i32
    %dma_wait3A_345 = tpu.memref_slice %arg6[%dma_wait3A_342, %dma_wait3A_343, %dma_wait3A_344] : memref<6x128x128xf32, #tpu.memory_space<vmem>> -> memref<1x128x128xf32, #tpu.memory_space<vmem>>
    %dma_wait3A_346 = tpu.memref_squeeze %dma_wait3A_345 : memref<1x128x128xf32, #tpu.memory_space<vmem>> -> memref<128x128xf32, #tpu.memory_space<vmem>>
    %dma_wait3A_347 = arith.constant 896 : i32
    %dma_wait3A_348 = tpu.memref_slice %arg5[%dma_wait3A_347] : memref<3328xi32, #tpu.memory_space<vmem>> -> memref<128xi32, #tpu.memory_space<vmem>>
    %dma_wait3A_349 = arith.constant 0 : i32
    %dma_wait3A_350 = arith.constant 0 : i32
    %dma_wait3A_351 = tpu.memref_slice %arg2[%dma_wait3A_349, %dma_wait3A_350] : memref<1384448x128xf32, #tpu.memory_space<hbm>> -> memref<1384448x128xf32, #tpu.memory_space<hbm>>
    tpu.wait_indirect_dma semaphore(%arg7 : memref<!tpu.dma_semaphore, #tpu.memory_space<semaphore_mem>>) src(%dma_wait3A_351 : memref<1384448x128xf32, #tpu.memory_space<hbm>>) dst(%dma_wait3A_346 : memref<128x128xf32, #tpu.memory_space<vmem>>)
    %mul3A_352 = arith.constant 3328 : i32
    %mul3A_353 = arith.muli %add3A, %mul3A_352 : i32
    %add3A_354 = arith.constant 896 : i32
    %add3A_355 = arith.addi %mul3A_353, %add3A_354 : i32
    %dma_start3A_356 = arith.constant 1 : i32
    %dma_start3A_357 = arith.constant 0 : i32
    %dma_start3A_358 = arith.constant 0 : i32
    %dma_start3A_359 = tpu.memref_slice %arg6[%dma_start3A_356, %dma_start3A_357, %dma_start3A_358] : memref<6x128x128xf32, #tpu.memory_space<vmem>> -> memref<1x128x128xf32, #tpu.memory_space<vmem>>
    %dma_start3A_360 = tpu.memref_squeeze %dma_start3A_359 : memref<1x128x128xf32, #tpu.memory_space<vmem>> -> memref<128x128xf32, #tpu.memory_space<vmem>>
    %dma_start3A_361 = arith.constant 0 : i32
    %dma_start3A_362 = tpu.memref_slice %arg4[%add3A_355, %dma_start3A_361] : memref<106496x128xf32, #tpu.memory_space<hbm>> -> memref<128x128xf32, #tpu.memory_space<hbm>>
    %dma_start3A_363 = arith.constant 0 : i32
    %dma_start3A_364 = tpu.memref_slice %arg4[%add3A_355, %dma_start3A_363] : memref<106496x128xf32, #tpu.memory_space<hbm>> -> memref<128x128xf32, #tpu.memory_space<hbm>>
    %dma_start3A_365 = arith.constant 0 : i32
    %dma_start3A_366 = arith.constant 0 : i32
    %dma_start3A_367 = tpu.memref_slice %arg6[%dma_start3A_356, %dma_start3A_365, %dma_start3A_366] : memref<6x128x128xf32, #tpu.memory_space<vmem>> -> memref<1x128x128xf32, #tpu.memory_space<vmem>>
    %dma_start3A_368 = tpu.memref_squeeze %dma_start3A_367 : memref<1x128x128xf32, #tpu.memory_space<vmem>> -> memref<128x128xf32, #tpu.memory_space<vmem>>
    tpu.enqueue_dma source(%dma_start3A_368 : memref<128x128xf32, #tpu.memory_space<vmem>>) target(%dma_start3A_364 : memref<128x128xf32, #tpu.memory_space<hbm>>) target_semaphore(%arg8 : memref<!tpu.dma_semaphore, #tpu.memory_space<semaphore_mem>>)
    %dma_wait3A_369 = arith.constant 4 : i32
    %dma_wait3A_370 = arith.constant 0 : i32
    %dma_wait3A_371 = arith.constant 0 : i32
    %dma_wait3A_372 = tpu.memref_slice %arg6[%dma_wait3A_369, %dma_wait3A_370, %dma_wait3A_371] : memref<6x128x128xf32, #tpu.memory_space<vmem>> -> memref<1x128x128xf32, #tpu.memory_space<vmem>>
    %dma_wait3A_373 = tpu.memref_squeeze %dma_wait3A_372 : memref<1x128x128xf32, #tpu.memory_space<vmem>> -> memref<128x128xf32, #tpu.memory_space<vmem>>
    %dma_wait3A_374 = arith.constant 0 : i32
    %dma_wait3A_375 = tpu.memref_slice %arg4[%add3A_205, %dma_wait3A_374] : memref<106496x128xf32, #tpu.memory_space<hbm>> -> memref<128x128xf32, #tpu.memory_space<hbm>>
    %dma_wait3A_376 = arith.constant 0 : i32
    %dma_wait3A_377 = tpu.memref_slice %arg4[%add3A_205, %dma_wait3A_376] : memref<106496x128xf32, #tpu.memory_space<hbm>> -> memref<128x128xf32, #tpu.memory_space<hbm>>
    %dma_wait3A_378 = arith.constant 0 : i32
    %dma_wait3A_379 = arith.constant 0 : i32
    %dma_wait3A_380 = tpu.memref_slice %arg6[%dma_wait3A_369, %dma_wait3A_378, %dma_wait3A_379] : memref<6x128x128xf32, #tpu.memory_space<vmem>> -> memref<1x128x128xf32, #tpu.memory_space<vmem>>
    %dma_wait3A_381 = tpu.memref_squeeze %dma_wait3A_380 : memref<1x128x128xf32, #tpu.memory_space<vmem>> -> memref<128x128xf32, #tpu.memory_space<vmem>>
    tpu.wait_dma2 semaphore(%arg8 : memref<!tpu.dma_semaphore, #tpu.memory_space<semaphore_mem>>) src(%dma_wait3A_381 : memref<128x128xf32, #tpu.memory_space<vmem>>) dst(%dma_wait3A_377 : memref<128x128xf32, #tpu.memory_space<hbm>>)
    %dma_start3A_382 = arith.constant 4 : i32
    %dma_start3A_383 = arith.constant 0 : i32
    %dma_start3A_384 = arith.constant 0 : i32
    %dma_start3A_385 = tpu.memref_slice %arg6[%dma_start3A_382, %dma_start3A_383, %dma_start3A_384] : memref<6x128x128xf32, #tpu.memory_space<vmem>> -> memref<1x128x128xf32, #tpu.memory_space<vmem>>
    %dma_start3A_386 = tpu.memref_squeeze %dma_start3A_385 : memref<1x128x128xf32, #tpu.memory_space<vmem>> -> memref<128x128xf32, #tpu.memory_space<vmem>>
    %dma_start3A_387 = arith.constant 1280 : i32
    %dma_start3A_388 = tpu.memref_slice %arg5[%dma_start3A_387] : memref<3328xi32, #tpu.memory_space<vmem>> -> memref<128xi32, #tpu.memory_space<vmem>>
    %dma_start3A_389 = arith.constant 0 : i32
    %dma_start3A_390 = arith.constant 0 : i32
    %dma_start3A_391 = tpu.memref_slice %arg2[%dma_start3A_389, %dma_start3A_390] : memref<1384448x128xf32, #tpu.memory_space<hbm>> -> memref<1384448x128xf32, #tpu.memory_space<hbm>>
    tpu.enqueue_indirect_dma source(%dma_start3A_391 : memref<1384448x128xf32, #tpu.memory_space<hbm>>) target(%dma_start3A_386 : memref<128x128xf32, #tpu.memory_space<vmem>>) offsets(%dma_start3A_388 : memref<128xi32, #tpu.memory_space<vmem>>) semaphore(%arg7 : memref<!tpu.dma_semaphore, #tpu.memory_space<semaphore_mem>>)
    %dma_wait3A_392 = arith.constant 2 : i32
    %dma_wait3A_393 = arith.constant 0 : i32
    %dma_wait3A_394 = arith.constant 0 : i32
    %dma_wait3A_395 = tpu.memref_slice %arg6[%dma_wait3A_392, %dma_wait3A_393, %dma_wait3A_394] : memref<6x128x128xf32, #tpu.memory_space<vmem>> -> memref<1x128x128xf32, #tpu.memory_space<vmem>>
    %dma_wait3A_396 = tpu.memref_squeeze %dma_wait3A_395 : memref<1x128x128xf32, #tpu.memory_space<vmem>> -> memref<128x128xf32, #tpu.memory_space<vmem>>
    %dma_wait3A_397 = arith.constant 1024 : i32
    %dma_wait3A_398 = tpu.memref_slice %arg5[%dma_wait3A_397] : memref<3328xi32, #tpu.memory_space<vmem>> -> memref<128xi32, #tpu.memory_space<vmem>>
    %dma_wait3A_399 = arith.constant 0 : i32
    %dma_wait3A_400 = arith.constant 0 : i32
    %dma_wait3A_401 = tpu.memref_slice %arg2[%dma_wait3A_399, %dma_wait3A_400] : memref<1384448x128xf32, #tpu.memory_space<hbm>> -> memref<1384448x128xf32, #tpu.memory_space<hbm>>
    tpu.wait_indirect_dma semaphore(%arg7 : memref<!tpu.dma_semaphore, #tpu.memory_space<semaphore_mem>>) src(%dma_wait3A_401 : memref<1384448x128xf32, #tpu.memory_space<hbm>>) dst(%dma_wait3A_396 : memref<128x128xf32, #tpu.memory_space<vmem>>)
    %mul3A_402 = arith.constant 3328 : i32
    %mul3A_403 = arith.muli %add3A, %mul3A_402 : i32
    %add3A_404 = arith.constant 1024 : i32
    %add3A_405 = arith.addi %mul3A_403, %add3A_404 : i32
    %dma_start3A_406 = arith.constant 2 : i32
    %dma_start3A_407 = arith.constant 0 : i32
    %dma_start3A_408 = arith.constant 0 : i32
    %dma_start3A_409 = tpu.memref_slice %arg6[%dma_start3A_406, %dma_start3A_407, %dma_start3A_408] : memref<6x128x128xf32, #tpu.memory_space<vmem>> -> memref<1x128x128xf32, #tpu.memory_space<vmem>>
    %dma_start3A_410 = tpu.memref_squeeze %dma_start3A_409 : memref<1x128x128xf32, #tpu.memory_space<vmem>> -> memref<128x128xf32, #tpu.memory_space<vmem>>
    %dma_start3A_411 = arith.constant 0 : i32
    %dma_start3A_412 = tpu.memref_slice %arg4[%add3A_405, %dma_start3A_411] : memref<106496x128xf32, #tpu.memory_space<hbm>> -> memref<128x128xf32, #tpu.memory_space<hbm>>
    %dma_start3A_413 = arith.constant 0 : i32
    %dma_start3A_414 = tpu.memref_slice %arg4[%add3A_405, %dma_start3A_413] : memref<106496x128xf32, #tpu.memory_space<hbm>> -> memref<128x128xf32, #tpu.memory_space<hbm>>
    %dma_start3A_415 = arith.constant 0 : i32
    %dma_start3A_416 = arith.constant 0 : i32
    %dma_start3A_417 = tpu.memref_slice %arg6[%dma_start3A_406, %dma_start3A_415, %dma_start3A_416] : memref<6x128x128xf32, #tpu.memory_space<vmem>> -> memref<1x128x128xf32, #tpu.memory_space<vmem>>
    %dma_start3A_418 = tpu.memref_squeeze %dma_start3A_417 : memref<1x128x128xf32, #tpu.memory_space<vmem>> -> memref<128x128xf32, #tpu.memory_space<vmem>>
    tpu.enqueue_dma source(%dma_start3A_418 : memref<128x128xf32, #tpu.memory_space<vmem>>) target(%dma_start3A_414 : memref<128x128xf32, #tpu.memory_space<hbm>>) target_semaphore(%arg8 : memref<!tpu.dma_semaphore, #tpu.memory_space<semaphore_mem>>)
    %dma_wait3A_419 = arith.constant 5 : i32
    %dma_wait3A_420 = arith.constant 0 : i32
    %dma_wait3A_421 = arith.constant 0 : i32
    %dma_wait3A_422 = tpu.memref_slice %arg6[%dma_wait3A_419, %dma_wait3A_420, %dma_wait3A_421] : memref<6x128x128xf32, #tpu.memory_space<vmem>> -> memref<1x128x128xf32, #tpu.memory_space<vmem>>
    %dma_wait3A_423 = tpu.memref_squeeze %dma_wait3A_422 : memref<1x128x128xf32, #tpu.memory_space<vmem>> -> memref<128x128xf32, #tpu.memory_space<vmem>>
    %dma_wait3A_424 = arith.constant 0 : i32
    %dma_wait3A_425 = tpu.memref_slice %arg4[%add3A_255, %dma_wait3A_424] : memref<106496x128xf32, #tpu.memory_space<hbm>> -> memref<128x128xf32, #tpu.memory_space<hbm>>
    %dma_wait3A_426 = arith.constant 0 : i32
    %dma_wait3A_427 = tpu.memref_slice %arg4[%add3A_255, %dma_wait3A_426] : memref<106496x128xf32, #tpu.memory_space<hbm>> -> memref<128x128xf32, #tpu.memory_space<hbm>>
    %dma_wait3A_428 = arith.constant 0 : i32
    %dma_wait3A_429 = arith.constant 0 : i32
    %dma_wait3A_430 = tpu.memref_slice %arg6[%dma_wait3A_419, %dma_wait3A_428, %dma_wait3A_429] : memref<6x128x128xf32, #tpu.memory_space<vmem>> -> memref<1x128x128xf32, #tpu.memory_space<vmem>>
    %dma_wait3A_431 = tpu.memref_squeeze %dma_wait3A_430 : memref<1x128x128xf32, #tpu.memory_space<vmem>> -> memref<128x128xf32, #tpu.memory_space<vmem>>
    tpu.wait_dma2 semaphore(%arg8 : memref<!tpu.dma_semaphore, #tpu.memory_space<semaphore_mem>>) src(%dma_wait3A_431 : memref<128x128xf32, #tpu.memory_space<vmem>>) dst(%dma_wait3A_427 : memref<128x128xf32, #tpu.memory_space<hbm>>)
    %dma_start3A_432 = arith.constant 5 : i32
    %dma_start3A_433 = arith.constant 0 : i32
    %dma_start3A_434 = arith.constant 0 : i32
    %dma_start3A_435 = tpu.memref_slice %arg6[%dma_start3A_432, %dma_start3A_433, %dma_start3A_434] : memref<6x128x128xf32, #tpu.memory_space<vmem>> -> memref<1x128x128xf32, #tpu.memory_space<vmem>>
    %dma_start3A_436 = tpu.memref_squeeze %dma_start3A_435 : memref<1x128x128xf32, #tpu.memory_space<vmem>> -> memref<128x128xf32, #tpu.memory_space<vmem>>
    %dma_start3A_437 = arith.constant 1408 : i32
    %dma_start3A_438 = tpu.memref_slice %arg5[%dma_start3A_437] : memref<3328xi32, #tpu.memory_space<vmem>> -> memref<128xi32, #tpu.memory_space<vmem>>
    %dma_start3A_439 = arith.constant 0 : i32
    %dma_start3A_440 = arith.constant 0 : i32
    %dma_start3A_441 = tpu.memref_slice %arg2[%dma_start3A_439, %dma_start3A_440] : memref<1384448x128xf32, #tpu.memory_space<hbm>> -> memref<1384448x128xf32, #tpu.memory_space<hbm>>
    tpu.enqueue_indirect_dma source(%dma_start3A_441 : memref<1384448x128xf32, #tpu.memory_space<hbm>>) target(%dma_start3A_436 : memref<128x128xf32, #tpu.memory_space<vmem>>) offsets(%dma_start3A_438 : memref<128xi32, #tpu.memory_space<vmem>>) semaphore(%arg7 : memref<!tpu.dma_semaphore, #tpu.memory_space<semaphore_mem>>)
    %dma_wait3A_442 = arith.constant 3 : i32
    %dma_wait3A_443 = arith.constant 0 : i32
    %dma_wait3A_444 = arith.constant 0 : i32
    %dma_wait3A_445 = tpu.memref_slice %arg6[%dma_wait3A_442, %dma_wait3A_443, %dma_wait3A_444] : memref<6x128x128xf32, #tpu.memory_space<vmem>> -> memref<1x128x128xf32, #tpu.memory_space<vmem>>
    %dma_wait3A_446 = tpu.memref_squeeze %dma_wait3A_445 : memref<1x128x128xf32, #tpu.memory_space<vmem>> -> memref<128x128xf32, #tpu.memory_space<vmem>>
    %dma_wait3A_447 = arith.constant 1152 : i32
    %dma_wait3A_448 = tpu.memref_slice %arg5[%dma_wait3A_447] : memref<3328xi32, #tpu.memory_space<vmem>> -> memref<128xi32, #tpu.memory_space<vmem>>
    %dma_wait3A_449 = arith.constant 0 : i32
    %dma_wait3A_450 = arith.constant 0 : i32
    %dma_wait3A_451 = tpu.memref_slice %arg2[%dma_wait3A_449, %dma_wait3A_450] : memref<1384448x128xf32, #tpu.memory_space<hbm>> -> memref<1384448x128xf32, #tpu.memory_space<hbm>>
    tpu.wait_indirect_dma semaphore(%arg7 : memref<!tpu.dma_semaphore, #tpu.memory_space<semaphore_mem>>) src(%dma_wait3A_451 : memref<1384448x128xf32, #tpu.memory_space<hbm>>) dst(%dma_wait3A_446 : memref<128x128xf32, #tpu.memory_space<vmem>>)
    %mul3A_452 = arith.constant 3328 : i32
    %mul3A_453 = arith.muli %add3A, %mul3A_452 : i32
    %add3A_454 = arith.constant 1152 : i32
    %add3A_455 = arith.addi %mul3A_453, %add3A_454 : i32
    %dma_start3A_456 = arith.constant 3 : i32
    %dma_start3A_457 = arith.constant 0 : i32
    %dma_start3A_458 = arith.constant 0 : i32
    %dma_start3A_459 = tpu.memref_slice %arg6[%dma_start3A_456, %dma_start3A_457, %dma_start3A_458] : memref<6x128x128xf32, #tpu.memory_space<vmem>> -> memref<1x128x128xf32, #tpu.memory_space<vmem>>
    %dma_start3A_460 = tpu.memref_squeeze %dma_start3A_459 : memref<1x128x128xf32, #tpu.memory_space<vmem>> -> memref<128x128xf32, #tpu.memory_space<vmem>>
    %dma_start3A_461 = arith.constant 0 : i32
    %dma_start3A_462 = tpu.memref_slice %arg4[%add3A_455, %dma_start3A_461] : memref<106496x128xf32, #tpu.memory_space<hbm>> -> memref<128x128xf32, #tpu.memory_space<hbm>>
    %dma_start3A_463 = arith.constant 0 : i32
    %dma_start3A_464 = tpu.memref_slice %arg4[%add3A_455, %dma_start3A_463] : memref<106496x128xf32, #tpu.memory_space<hbm>> -> memref<128x128xf32, #tpu.memory_space<hbm>>
    %dma_start3A_465 = arith.constant 0 : i32
    %dma_start3A_466 = arith.constant 0 : i32
    %dma_start3A_467 = tpu.memref_slice %arg6[%dma_start3A_456, %dma_start3A_465, %dma_start3A_466] : memref<6x128x128xf32, #tpu.memory_space<vmem>> -> memref<1x128x128xf32, #tpu.memory_space<vmem>>
    %dma_start3A_468 = tpu.memref_squeeze %dma_start3A_467 : memref<1x128x128xf32, #tpu.memory_space<vmem>> -> memref<128x128xf32, #tpu.memory_space<vmem>>
    tpu.enqueue_dma source(%dma_start3A_468 : memref<128x128xf32, #tpu.memory_space<vmem>>) target(%dma_start3A_464 : memref<128x128xf32, #tpu.memory_space<hbm>>) target_semaphore(%arg8 : memref<!tpu.dma_semaphore, #tpu.memory_space<semaphore_mem>>)
    %dma_wait3A_469 = arith.constant 0 : i32
    %dma_wait3A_470 = arith.constant 0 : i32
    %dma_wait3A_471 = arith.constant 0 : i32
    %dma_wait3A_472 = tpu.memref_slice %arg6[%dma_wait3A_469, %dma_wait3A_470, %dma_wait3A_471] : memref<6x128x128xf32, #tpu.memory_space<vmem>> -> memref<1x128x128xf32, #tpu.memory_space<vmem>>
    %dma_wait3A_473 = tpu.memref_squeeze %dma_wait3A_472 : memref<1x128x128xf32, #tpu.memory_space<vmem>> -> memref<128x128xf32, #tpu.memory_space<vmem>>
    %dma_wait3A_474 = arith.constant 0 : i32
    %dma_wait3A_475 = tpu.memref_slice %arg4[%add3A_305, %dma_wait3A_474] : memref<106496x128xf32, #tpu.memory_space<hbm>> -> memref<128x128xf32, #tpu.memory_space<hbm>>
    %dma_wait3A_476 = arith.constant 0 : i32
    %dma_wait3A_477 = tpu.memref_slice %arg4[%add3A_305, %dma_wait3A_476] : memref<106496x128xf32, #tpu.memory_space<hbm>> -> memref<128x128xf32, #tpu.memory_space<hbm>>
    %dma_wait3A_478 = arith.constant 0 : i32
    %dma_wait3A_479 = arith.constant 0 : i32
    %dma_wait3A_480 = tpu.memref_slice %arg6[%dma_wait3A_469, %dma_wait3A_478, %dma_wait3A_479] : memref<6x128x128xf32, #tpu.memory_space<vmem>> -> memref<1x128x128xf32, #tpu.memory_space<vmem>>
    %dma_wait3A_481 = tpu.memref_squeeze %dma_wait3A_480 : memref<1x128x128xf32, #tpu.memory_space<vmem>> -> memref<128x128xf32, #tpu.memory_space<vmem>>
    tpu.wait_dma2 semaphore(%arg8 : memref<!tpu.dma_semaphore, #tpu.memory_space<semaphore_mem>>) src(%dma_wait3A_481 : memref<128x128xf32, #tpu.memory_space<vmem>>) dst(%dma_wait3A_477 : memref<128x128xf32, #tpu.memory_space<hbm>>)
    %dma_start3A_482 = arith.constant 0 : i32
    %dma_start3A_483 = arith.constant 0 : i32
    %dma_start3A_484 = arith.constant 0 : i32
    %dma_start3A_485 = tpu.memref_slice %arg6[%dma_start3A_482, %dma_start3A_483, %dma_start3A_484] : memref<6x128x128xf32, #tpu.memory_space<vmem>> -> memref<1x128x128xf32, #tpu.memory_space<vmem>>
    %dma_start3A_486 = tpu.memref_squeeze %dma_start3A_485 : memref<1x128x128xf32, #tpu.memory_space<vmem>> -> memref<128x128xf32, #tpu.memory_space<vmem>>
    %dma_start3A_487 = arith.constant 1536 : i32
    %dma_start3A_488 = tpu.memref_slice %arg5[%dma_start3A_487] : memref<3328xi32, #tpu.memory_space<vmem>> -> memref<128xi32, #tpu.memory_space<vmem>>
    %dma_start3A_489 = arith.constant 0 : i32
    %dma_start3A_490 = arith.constant 0 : i32
    %dma_start3A_491 = tpu.memref_slice %arg2[%dma_start3A_489, %dma_start3A_490] : memref<1384448x128xf32, #tpu.memory_space<hbm>> -> memref<1384448x128xf32, #tpu.memory_space<hbm>>
    tpu.enqueue_indirect_dma source(%dma_start3A_491 : memref<1384448x128xf32, #tpu.memory_space<hbm>>) target(%dma_start3A_486 : memref<128x128xf32, #tpu.memory_space<vmem>>) offsets(%dma_start3A_488 : memref<128xi32, #tpu.memory_space<vmem>>) semaphore(%arg7 : memref<!tpu.dma_semaphore, #tpu.memory_space<semaphore_mem>>)
    %dma_wait3A_492 = arith.constant 4 : i32
    %dma_wait3A_493 = arith.constant 0 : i32
    %dma_wait3A_494 = arith.constant 0 : i32
    %dma_wait3A_495 = tpu.memref_slice %arg6[%dma_wait3A_492, %dma_wait3A_493, %dma_wait3A_494] : memref<6x128x128xf32, #tpu.memory_space<vmem>> -> memref<1x128x128xf32, #tpu.memory_space<vmem>>
    %dma_wait3A_496 = tpu.memref_squeeze %dma_wait3A_495 : memref<1x128x128xf32, #tpu.memory_space<vmem>> -> memref<128x128xf32, #tpu.memory_space<vmem>>
    %dma_wait3A_497 = arith.constant 1280 : i32
    %dma_wait3A_498 = tpu.memref_slice %arg5[%dma_wait3A_497] : memref<3328xi32, #tpu.memory_space<vmem>> -> memref<128xi32, #tpu.memory_space<vmem>>
    %dma_wait3A_499 = arith.constant 0 : i32
    %dma_wait3A_500 = arith.constant 0 : i32
    %dma_wait3A_501 = tpu.memref_slice %arg2[%dma_wait3A_499, %dma_wait3A_500] : memref<1384448x128xf32, #tpu.memory_space<hbm>> -> memref<1384448x128xf32, #tpu.memory_space<hbm>>
    tpu.wait_indirect_dma semaphore(%arg7 : memref<!tpu.dma_semaphore, #tpu.memory_space<semaphore_mem>>) src(%dma_wait3A_501 : memref<1384448x128xf32, #tpu.memory_space<hbm>>) dst(%dma_wait3A_496 : memref<128x128xf32, #tpu.memory_space<vmem>>)
    %mul3A_502 = arith.constant 3328 : i32
    %mul3A_503 = arith.muli %add3A, %mul3A_502 : i32
    %add3A_504 = arith.constant 1280 : i32
    %add3A_505 = arith.addi %mul3A_503, %add3A_504 : i32
    %dma_start3A_506 = arith.constant 4 : i32
    %dma_start3A_507 = arith.constant 0 : i32
    %dma_start3A_508 = arith.constant 0 : i32
    %dma_start3A_509 = tpu.memref_slice %arg6[%dma_start3A_506, %dma_start3A_507, %dma_start3A_508] : memref<6x128x128xf32, #tpu.memory_space<vmem>> -> memref<1x128x128xf32, #tpu.memory_space<vmem>>
    %dma_start3A_510 = tpu.memref_squeeze %dma_start3A_509 : memref<1x128x128xf32, #tpu.memory_space<vmem>> -> memref<128x128xf32, #tpu.memory_space<vmem>>
    %dma_start3A_511 = arith.constant 0 : i32
    %dma_start3A_512 = tpu.memref_slice %arg4[%add3A_505, %dma_start3A_511] : memref<106496x128xf32, #tpu.memory_space<hbm>> -> memref<128x128xf32, #tpu.memory_space<hbm>>
    %dma_start3A_513 = arith.constant 0 : i32
    %dma_start3A_514 = tpu.memref_slice %arg4[%add3A_505, %dma_start3A_513] : memref<106496x128xf32, #tpu.memory_space<hbm>> -> memref<128x128xf32, #tpu.memory_space<hbm>>
    %dma_start3A_515 = arith.constant 0 : i32
    %dma_start3A_516 = arith.constant 0 : i32
    %dma_start3A_517 = tpu.memref_slice %arg6[%dma_start3A_506, %dma_start3A_515, %dma_start3A_516] : memref<6x128x128xf32, #tpu.memory_space<vmem>> -> memref<1x128x128xf32, #tpu.memory_space<vmem>>
    %dma_start3A_518 = tpu.memref_squeeze %dma_start3A_517 : memref<1x128x128xf32, #tpu.memory_space<vmem>> -> memref<128x128xf32, #tpu.memory_space<vmem>>
    tpu.enqueue_dma source(%dma_start3A_518 : memref<128x128xf32, #tpu.memory_space<vmem>>) target(%dma_start3A_514 : memref<128x128xf32, #tpu.memory_space<hbm>>) target_semaphore(%arg8 : memref<!tpu.dma_semaphore, #tpu.memory_space<semaphore_mem>>)
    %dma_wait3A_519 = arith.constant 1 : i32
    %dma_wait3A_520 = arith.constant 0 : i32
    %dma_wait3A_521 = arith.constant 0 : i32
    %dma_wait3A_522 = tpu.memref_slice %arg6[%dma_wait3A_519, %dma_wait3A_520, %dma_wait3A_521] : memref<6x128x128xf32, #tpu.memory_space<vmem>> -> memref<1x128x128xf32, #tpu.memory_space<vmem>>
    %dma_wait3A_523 = tpu.memref_squeeze %dma_wait3A_522 : memref<1x128x128xf32, #tpu.memory_space<vmem>> -> memref<128x128xf32, #tpu.memory_space<vmem>>
    %dma_wait3A_524 = arith.constant 0 : i32
    %dma_wait3A_525 = tpu.memref_slice %arg4[%add3A_355, %dma_wait3A_524] : memref<106496x128xf32, #tpu.memory_space<hbm>> -> memref<128x128xf32, #tpu.memory_space<hbm>>
    %dma_wait3A_526 = arith.constant 0 : i32
    %dma_wait3A_527 = tpu.memref_slice %arg4[%add3A_355, %dma_wait3A_526] : memref<106496x128xf32, #tpu.memory_space<hbm>> -> memref<128x128xf32, #tpu.memory_space<hbm>>
    %dma_wait3A_528 = arith.constant 0 : i32
    %dma_wait3A_529 = arith.constant 0 : i32
    %dma_wait3A_530 = tpu.memref_slice %arg6[%dma_wait3A_519, %dma_wait3A_528, %dma_wait3A_529] : memref<6x128x128xf32, #tpu.memory_space<vmem>> -> memref<1x128x128xf32, #tpu.memory_space<vmem>>
    %dma_wait3A_531 = tpu.memref_squeeze %dma_wait3A_530 : memref<1x128x128xf32, #tpu.memory_space<vmem>> -> memref<128x128xf32, #tpu.memory_space<vmem>>
    tpu.wait_dma2 semaphore(%arg8 : memref<!tpu.dma_semaphore, #tpu.memory_space<semaphore_mem>>) src(%dma_wait3A_531 : memref<128x128xf32, #tpu.memory_space<vmem>>) dst(%dma_wait3A_527 : memref<128x128xf32, #tpu.memory_space<hbm>>)
    %dma_start3A_532 = arith.constant 1 : i32
    %dma_start3A_533 = arith.constant 0 : i32
    %dma_start3A_534 = arith.constant 0 : i32
    %dma_start3A_535 = tpu.memref_slice %arg6[%dma_start3A_532, %dma_start3A_533, %dma_start3A_534] : memref<6x128x128xf32, #tpu.memory_space<vmem>> -> memref<1x128x128xf32, #tpu.memory_space<vmem>>
    %dma_start3A_536 = tpu.memref_squeeze %dma_start3A_535 : memref<1x128x128xf32, #tpu.memory_space<vmem>> -> memref<128x128xf32, #tpu.memory_space<vmem>>
    %dma_start3A_537 = arith.constant 1664 : i32
    %dma_start3A_538 = tpu.memref_slice %arg5[%dma_start3A_537] : memref<3328xi32, #tpu.memory_space<vmem>> -> memref<128xi32, #tpu.memory_space<vmem>>
    %dma_start3A_539 = arith.constant 0 : i32
    %dma_start3A_540 = arith.constant 0 : i32
    %dma_start3A_541 = tpu.memref_slice %arg2[%dma_start3A_539, %dma_start3A_540] : memref<1384448x128xf32, #tpu.memory_space<hbm>> -> memref<1384448x128xf32, #tpu.memory_space<hbm>>
    tpu.enqueue_indirect_dma source(%dma_start3A_541 : memref<1384448x128xf32, #tpu.memory_space<hbm>>) target(%dma_start3A_536 : memref<128x128xf32, #tpu.memory_space<vmem>>) offsets(%dma_start3A_538 : memref<128xi32, #tpu.memory_space<vmem>>) semaphore(%arg7 : memref<!tpu.dma_semaphore, #tpu.memory_space<semaphore_mem>>)
    %dma_wait3A_542 = arith.constant 5 : i32
    %dma_wait3A_543 = arith.constant 0 : i32
    %dma_wait3A_544 = arith.constant 0 : i32
    %dma_wait3A_545 = tpu.memref_slice %arg6[%dma_wait3A_542, %dma_wait3A_543, %dma_wait3A_544] : memref<6x128x128xf32, #tpu.memory_space<vmem>> -> memref<1x128x128xf32, #tpu.memory_space<vmem>>
    %dma_wait3A_546 = tpu.memref_squeeze %dma_wait3A_545 : memref<1x128x128xf32, #tpu.memory_space<vmem>> -> memref<128x128xf32, #tpu.memory_space<vmem>>
    %dma_wait3A_547 = arith.constant 1408 : i32
    %dma_wait3A_548 = tpu.memref_slice %arg5[%dma_wait3A_547] : memref<3328xi32, #tpu.memory_space<vmem>> -> memref<128xi32, #tpu.memory_space<vmem>>
    %dma_wait3A_549 = arith.constant 0 : i32
    %dma_wait3A_550 = arith.constant 0 : i32
    %dma_wait3A_551 = tpu.memref_slice %arg2[%dma_wait3A_549, %dma_wait3A_550] : memref<1384448x128xf32, #tpu.memory_space<hbm>> -> memref<1384448x128xf32, #tpu.memory_space<hbm>>
    tpu.wait_indirect_dma semaphore(%arg7 : memref<!tpu.dma_semaphore, #tpu.memory_space<semaphore_mem>>) src(%dma_wait3A_551 : memref<1384448x128xf32, #tpu.memory_space<hbm>>) dst(%dma_wait3A_546 : memref<128x128xf32, #tpu.memory_space<vmem>>)
    %mul3A_552 = arith.constant 3328 : i32
    %mul3A_553 = arith.muli %add3A, %mul3A_552 : i32
    %add3A_554 = arith.constant 1408 : i32
    %add3A_555 = arith.addi %mul3A_553, %add3A_554 : i32
    %dma_start3A_556 = arith.constant 5 : i32
    %dma_start3A_557 = arith.constant 0 : i32
    %dma_start3A_558 = arith.constant 0 : i32
    %dma_start3A_559 = tpu.memref_slice %arg6[%dma_start3A_556, %dma_start3A_557, %dma_start3A_558] : memref<6x128x128xf32, #tpu.memory_space<vmem>> -> memref<1x128x128xf32, #tpu.memory_space<vmem>>
    %dma_start3A_560 = tpu.memref_squeeze %dma_start3A_559 : memref<1x128x128xf32, #tpu.memory_space<vmem>> -> memref<128x128xf32, #tpu.memory_space<vmem>>
    %dma_start3A_561 = arith.constant 0 : i32
    %dma_start3A_562 = tpu.memref_slice %arg4[%add3A_555, %dma_start3A_561] : memref<106496x128xf32, #tpu.memory_space<hbm>> -> memref<128x128xf32, #tpu.memory_space<hbm>>
    %dma_start3A_563 = arith.constant 0 : i32
    %dma_start3A_564 = tpu.memref_slice %arg4[%add3A_555, %dma_start3A_563] : memref<106496x128xf32, #tpu.memory_space<hbm>> -> memref<128x128xf32, #tpu.memory_space<hbm>>
    %dma_start3A_565 = arith.constant 0 : i32
    %dma_start3A_566 = arith.constant 0 : i32
    %dma_start3A_567 = tpu.memref_slice %arg6[%dma_start3A_556, %dma_start3A_565, %dma_start3A_566] : memref<6x128x128xf32, #tpu.memory_space<vmem>> -> memref<1x128x128xf32, #tpu.memory_space<vmem>>
    %dma_start3A_568 = tpu.memref_squeeze %dma_start3A_567 : memref<1x128x128xf32, #tpu.memory_space<vmem>> -> memref<128x128xf32, #tpu.memory_space<vmem>>
    tpu.enqueue_dma source(%dma_start3A_568 : memref<128x128xf32, #tpu.memory_space<vmem>>) target(%dma_start3A_564 : memref<128x128xf32, #tpu.memory_space<hbm>>) target_semaphore(%arg8 : memref<!tpu.dma_semaphore, #tpu.memory_space<semaphore_mem>>)
    %dma_wait3A_569 = arith.constant 2 : i32
    %dma_wait3A_570 = arith.constant 0 : i32
    %dma_wait3A_571 = arith.constant 0 : i32
    %dma_wait3A_572 = tpu.memref_slice %arg6[%dma_wait3A_569, %dma_wait3A_570, %dma_wait3A_571] : memref<6x128x128xf32, #tpu.memory_space<vmem>> -> memref<1x128x128xf32, #tpu.memory_space<vmem>>
    %dma_wait3A_573 = tpu.memref_squeeze %dma_wait3A_572 : memref<1x128x128xf32, #tpu.memory_space<vmem>> -> memref<128x128xf32, #tpu.memory_space<vmem>>
    %dma_wait3A_574 = arith.constant 0 : i32
    %dma_wait3A_575 = tpu.memref_slice %arg4[%add3A_405, %dma_wait3A_574] : memref<106496x128xf32, #tpu.memory_space<hbm>> -> memref<128x128xf32, #tpu.memory_space<hbm>>
    %dma_wait3A_576 = arith.constant 0 : i32
    %dma_wait3A_577 = tpu.memref_slice %arg4[%add3A_405, %dma_wait3A_576] : memref<106496x128xf32, #tpu.memory_space<hbm>> -> memref<128x128xf32, #tpu.memory_space<hbm>>
    %dma_wait3A_578 = arith.constant 0 : i32
    %dma_wait3A_579 = arith.constant 0 : i32
    %dma_wait3A_580 = tpu.memref_slice %arg6[%dma_wait3A_569, %dma_wait3A_578, %dma_wait3A_579] : memref<6x128x128xf32, #tpu.memory_space<vmem>> -> memref<1x128x128xf32, #tpu.memory_space<vmem>>
    %dma_wait3A_581 = tpu.memref_squeeze %dma_wait3A_580 : memref<1x128x128xf32, #tpu.memory_space<vmem>> -> memref<128x128xf32, #tpu.memory_space<vmem>>
    tpu.wait_dma2 semaphore(%arg8 : memref<!tpu.dma_semaphore, #tpu.memory_space<semaphore_mem>>) src(%dma_wait3A_581 : memref<128x128xf32, #tpu.memory_space<vmem>>) dst(%dma_wait3A_577 : memref<128x128xf32, #tpu.memory_space<hbm>>)
    %dma_start3A_582 = arith.constant 2 : i32
    %dma_start3A_583 = arith.constant 0 : i32
    %dma_start3A_584 = arith.constant 0 : i32
    %dma_start3A_585 = tpu.memref_slice %arg6[%dma_start3A_582, %dma_start3A_583, %dma_start3A_584] : memref<6x128x128xf32, #tpu.memory_space<vmem>> -> memref<1x128x128xf32, #tpu.memory_space<vmem>>
    %dma_start3A_586 = tpu.memref_squeeze %dma_start3A_585 : memref<1x128x128xf32, #tpu.memory_space<vmem>> -> memref<128x128xf32, #tpu.memory_space<vmem>>
    %dma_start3A_587 = arith.constant 1792 : i32
    %dma_start3A_588 = tpu.memref_slice %arg5[%dma_start3A_587] : memref<3328xi32, #tpu.memory_space<vmem>> -> memref<128xi32, #tpu.memory_space<vmem>>
    %dma_start3A_589 = arith.constant 0 : i32
    %dma_start3A_590 = arith.constant 0 : i32
    %dma_start3A_591 = tpu.memref_slice %arg2[%dma_start3A_589, %dma_start3A_590] : memref<1384448x128xf32, #tpu.memory_space<hbm>> -> memref<1384448x128xf32, #tpu.memory_space<hbm>>
    tpu.enqueue_indirect_dma source(%dma_start3A_591 : memref<1384448x128xf32, #tpu.memory_space<hbm>>) target(%dma_start3A_586 : memref<128x128xf32, #tpu.memory_space<vmem>>) offsets(%dma_start3A_588 : memref<128xi32, #tpu.memory_space<vmem>>) semaphore(%arg7 : memref<!tpu.dma_semaphore, #tpu.memory_space<semaphore_mem>>)
    %dma_wait3A_592 = arith.constant 0 : i32
    %dma_wait3A_593 = arith.constant 0 : i32
    %dma_wait3A_594 = arith.constant 0 : i32
    %dma_wait3A_595 = tpu.memref_slice %arg6[%dma_wait3A_592, %dma_wait3A_593, %dma_wait3A_594] : memref<6x128x128xf32, #tpu.memory_space<vmem>> -> memref<1x128x128xf32, #tpu.memory_space<vmem>>
    %dma_wait3A_596 = tpu.memref_squeeze %dma_wait3A_595 : memref<1x128x128xf32, #tpu.memory_space<vmem>> -> memref<128x128xf32, #tpu.memory_space<vmem>>
    %dma_wait3A_597 = arith.constant 1536 : i32
    %dma_wait3A_598 = tpu.memref_slice %arg5[%dma_wait3A_597] : memref<3328xi32, #tpu.memory_space<vmem>> -> memref<128xi32, #tpu.memory_space<vmem>>
    %dma_wait3A_599 = arith.constant 0 : i32
    %dma_wait3A_600 = arith.constant 0 : i32
    %dma_wait3A_601 = tpu.memref_slice %arg2[%dma_wait3A_599, %dma_wait3A_600] : memref<1384448x128xf32, #tpu.memory_space<hbm>> -> memref<1384448x128xf32, #tpu.memory_space<hbm>>
    tpu.wait_indirect_dma semaphore(%arg7 : memref<!tpu.dma_semaphore, #tpu.memory_space<semaphore_mem>>) src(%dma_wait3A_601 : memref<1384448x128xf32, #tpu.memory_space<hbm>>) dst(%dma_wait3A_596 : memref<128x128xf32, #tpu.memory_space<vmem>>)
    %mul3A_602 = arith.constant 3328 : i32
    %mul3A_603 = arith.muli %add3A, %mul3A_602 : i32
    %add3A_604 = arith.constant 1536 : i32
    %add3A_605 = arith.addi %mul3A_603, %add3A_604 : i32
    %dma_start3A_606 = arith.constant 0 : i32
    %dma_start3A_607 = arith.constant 0 : i32
    %dma_start3A_608 = arith.constant 0 : i32
    %dma_start3A_609 = tpu.memref_slice %arg6[%dma_start3A_606, %dma_start3A_607, %dma_start3A_608] : memref<6x128x128xf32, #tpu.memory_space<vmem>> -> memref<1x128x128xf32, #tpu.memory_space<vmem>>
    %dma_start3A_610 = tpu.memref_squeeze %dma_start3A_609 : memref<1x128x128xf32, #tpu.memory_space<vmem>> -> memref<128x128xf32, #tpu.memory_space<vmem>>
    %dma_start3A_611 = arith.constant 0 : i32
    %dma_start3A_612 = tpu.memref_slice %arg4[%add3A_605, %dma_start3A_611] : memref<106496x128xf32, #tpu.memory_space<hbm>> -> memref<128x128xf32, #tpu.memory_space<hbm>>
    %dma_start3A_613 = arith.constant 0 : i32
    %dma_start3A_614 = tpu.memref_slice %arg4[%add3A_605, %dma_start3A_613] : memref<106496x128xf32, #tpu.memory_space<hbm>> -> memref<128x128xf32, #tpu.memory_space<hbm>>
    %dma_start3A_615 = arith.constant 0 : i32
    %dma_start3A_616 = arith.constant 0 : i32
    %dma_start3A_617 = tpu.memref_slice %arg6[%dma_start3A_606, %dma_start3A_615, %dma_start3A_616] : memref<6x128x128xf32, #tpu.memory_space<vmem>> -> memref<1x128x128xf32, #tpu.memory_space<vmem>>
    %dma_start3A_618 = tpu.memref_squeeze %dma_start3A_617 : memref<1x128x128xf32, #tpu.memory_space<vmem>> -> memref<128x128xf32, #tpu.memory_space<vmem>>
    tpu.enqueue_dma source(%dma_start3A_618 : memref<128x128xf32, #tpu.memory_space<vmem>>) target(%dma_start3A_614 : memref<128x128xf32, #tpu.memory_space<hbm>>) target_semaphore(%arg8 : memref<!tpu.dma_semaphore, #tpu.memory_space<semaphore_mem>>)
    %dma_wait3A_619 = arith.constant 3 : i32
    %dma_wait3A_620 = arith.constant 0 : i32
    %dma_wait3A_621 = arith.constant 0 : i32
    %dma_wait3A_622 = tpu.memref_slice %arg6[%dma_wait3A_619, %dma_wait3A_620, %dma_wait3A_621] : memref<6x128x128xf32, #tpu.memory_space<vmem>> -> memref<1x128x128xf32, #tpu.memory_space<vmem>>
    %dma_wait3A_623 = tpu.memref_squeeze %dma_wait3A_622 : memref<1x128x128xf32, #tpu.memory_space<vmem>> -> memref<128x128xf32, #tpu.memory_space<vmem>>
    %dma_wait3A_624 = arith.constant 0 : i32
    %dma_wait3A_625 = tpu.memref_slice %arg4[%add3A_455, %dma_wait3A_624] : memref<106496x128xf32, #tpu.memory_space<hbm>> -> memref<128x128xf32, #tpu.memory_space<hbm>>
    %dma_wait3A_626 = arith.constant 0 : i32
    %dma_wait3A_627 = tpu.memref_slice %arg4[%add3A_455, %dma_wait3A_626] : memref<106496x128xf32, #tpu.memory_space<hbm>> -> memref<128x128xf32, #tpu.memory_space<hbm>>
    %dma_wait3A_628 = arith.constant 0 : i32
    %dma_wait3A_629 = arith.constant 0 : i32
    %dma_wait3A_630 = tpu.memref_slice %arg6[%dma_wait3A_619, %dma_wait3A_628, %dma_wait3A_629] : memref<6x128x128xf32, #tpu.memory_space<vmem>> -> memref<1x128x128xf32, #tpu.memory_space<vmem>>
    %dma_wait3A_631 = tpu.memref_squeeze %dma_wait3A_630 : memref<1x128x128xf32, #tpu.memory_space<vmem>> -> memref<128x128xf32, #tpu.memory_space<vmem>>
    tpu.wait_dma2 semaphore(%arg8 : memref<!tpu.dma_semaphore, #tpu.memory_space<semaphore_mem>>) src(%dma_wait3A_631 : memref<128x128xf32, #tpu.memory_space<vmem>>) dst(%dma_wait3A_627 : memref<128x128xf32, #tpu.memory_space<hbm>>)
    %dma_start3A_632 = arith.constant 3 : i32
    %dma_start3A_633 = arith.constant 0 : i32
    %dma_start3A_634 = arith.constant 0 : i32
    %dma_start3A_635 = tpu.memref_slice %arg6[%dma_start3A_632, %dma_start3A_633, %dma_start3A_634] : memref<6x128x128xf32, #tpu.memory_space<vmem>> -> memref<1x128x128xf32, #tpu.memory_space<vmem>>
    %dma_start3A_636 = tpu.memref_squeeze %dma_start3A_635 : memref<1x128x128xf32, #tpu.memory_space<vmem>> -> memref<128x128xf32, #tpu.memory_space<vmem>>
    %dma_start3A_637 = arith.constant 1920 : i32
    %dma_start3A_638 = tpu.memref_slice %arg5[%dma_start3A_637] : memref<3328xi32, #tpu.memory_space<vmem>> -> memref<128xi32, #tpu.memory_space<vmem>>
    %dma_start3A_639 = arith.constant 0 : i32
    %dma_start3A_640 = arith.constant 0 : i32
    %dma_start3A_641 = tpu.memref_slice %arg2[%dma_start3A_639, %dma_start3A_640] : memref<1384448x128xf32, #tpu.memory_space<hbm>> -> memref<1384448x128xf32, #tpu.memory_space<hbm>>
    tpu.enqueue_indirect_dma source(%dma_start3A_641 : memref<1384448x128xf32, #tpu.memory_space<hbm>>) target(%dma_start3A_636 : memref<128x128xf32, #tpu.memory_space<vmem>>) offsets(%dma_start3A_638 : memref<128xi32, #tpu.memory_space<vmem>>) semaphore(%arg7 : memref<!tpu.dma_semaphore, #tpu.memory_space<semaphore_mem>>)
    %dma_wait3A_642 = arith.constant 1 : i32
    %dma_wait3A_643 = arith.constant 0 : i32
    %dma_wait3A_644 = arith.constant 0 : i32
    %dma_wait3A_645 = tpu.memref_slice %arg6[%dma_wait3A_642, %dma_wait3A_643, %dma_wait3A_644] : memref<6x128x128xf32, #tpu.memory_space<vmem>> -> memref<1x128x128xf32, #tpu.memory_space<vmem>>
    %dma_wait3A_646 = tpu.memref_squeeze %dma_wait3A_645 : memref<1x128x128xf32, #tpu.memory_space<vmem>> -> memref<128x128xf32, #tpu.memory_space<vmem>>
    %dma_wait3A_647 = arith.constant 1664 : i32
    %dma_wait3A_648 = tpu.memref_slice %arg5[%dma_wait3A_647] : memref<3328xi32, #tpu.memory_space<vmem>> -> memref<128xi32, #tpu.memory_space<vmem>>
    %dma_wait3A_649 = arith.constant 0 : i32
    %dma_wait3A_650 = arith.constant 0 : i32
    %dma_wait3A_651 = tpu.memref_slice %arg2[%dma_wait3A_649, %dma_wait3A_650] : memref<1384448x128xf32, #tpu.memory_space<hbm>> -> memref<1384448x128xf32, #tpu.memory_space<hbm>>
    tpu.wait_indirect_dma semaphore(%arg7 : memref<!tpu.dma_semaphore, #tpu.memory_space<semaphore_mem>>) src(%dma_wait3A_651 : memref<1384448x128xf32, #tpu.memory_space<hbm>>) dst(%dma_wait3A_646 : memref<128x128xf32, #tpu.memory_space<vmem>>)
    %mul3A_652 = arith.constant 3328 : i32
    %mul3A_653 = arith.muli %add3A, %mul3A_652 : i32
    %add3A_654 = arith.constant 1664 : i32
    %add3A_655 = arith.addi %mul3A_653, %add3A_654 : i32
    %dma_start3A_656 = arith.constant 1 : i32
    %dma_start3A_657 = arith.constant 0 : i32
    %dma_start3A_658 = arith.constant 0 : i32
    %dma_start3A_659 = tpu.memref_slice %arg6[%dma_start3A_656, %dma_start3A_657, %dma_start3A_658] : memref<6x128x128xf32, #tpu.memory_space<vmem>> -> memref<1x128x128xf32, #tpu.memory_space<vmem>>
    %dma_start3A_660 = tpu.memref_squeeze %dma_start3A_659 : memref<1x128x128xf32, #tpu.memory_space<vmem>> -> memref<128x128xf32, #tpu.memory_space<vmem>>
    %dma_start3A_661 = arith.constant 0 : i32
    %dma_start3A_662 = tpu.memref_slice %arg4[%add3A_655, %dma_start3A_661] : memref<106496x128xf32, #tpu.memory_space<hbm>> -> memref<128x128xf32, #tpu.memory_space<hbm>>
    %dma_start3A_663 = arith.constant 0 : i32
    %dma_start3A_664 = tpu.memref_slice %arg4[%add3A_655, %dma_start3A_663] : memref<106496x128xf32, #tpu.memory_space<hbm>> -> memref<128x128xf32, #tpu.memory_space<hbm>>
    %dma_start3A_665 = arith.constant 0 : i32
    %dma_start3A_666 = arith.constant 0 : i32
    %dma_start3A_667 = tpu.memref_slice %arg6[%dma_start3A_656, %dma_start3A_665, %dma_start3A_666] : memref<6x128x128xf32, #tpu.memory_space<vmem>> -> memref<1x128x128xf32, #tpu.memory_space<vmem>>
    %dma_start3A_668 = tpu.memref_squeeze %dma_start3A_667 : memref<1x128x128xf32, #tpu.memory_space<vmem>> -> memref<128x128xf32, #tpu.memory_space<vmem>>
    tpu.enqueue_dma source(%dma_start3A_668 : memref<128x128xf32, #tpu.memory_space<vmem>>) target(%dma_start3A_664 : memref<128x128xf32, #tpu.memory_space<hbm>>) target_semaphore(%arg8 : memref<!tpu.dma_semaphore, #tpu.memory_space<semaphore_mem>>)
    %dma_wait3A_669 = arith.constant 4 : i32
    %dma_wait3A_670 = arith.constant 0 : i32
    %dma_wait3A_671 = arith.constant 0 : i32
    %dma_wait3A_672 = tpu.memref_slice %arg6[%dma_wait3A_669, %dma_wait3A_670, %dma_wait3A_671] : memref<6x128x128xf32, #tpu.memory_space<vmem>> -> memref<1x128x128xf32, #tpu.memory_space<vmem>>
    %dma_wait3A_673 = tpu.memref_squeeze %dma_wait3A_672 : memref<1x128x128xf32, #tpu.memory_space<vmem>> -> memref<128x128xf32, #tpu.memory_space<vmem>>
    %dma_wait3A_674 = arith.constant 0 : i32
    %dma_wait3A_675 = tpu.memref_slice %arg4[%add3A_505, %dma_wait3A_674] : memref<106496x128xf32, #tpu.memory_space<hbm>> -> memref<128x128xf32, #tpu.memory_space<hbm>>
    %dma_wait3A_676 = arith.constant 0 : i32
    %dma_wait3A_677 = tpu.memref_slice %arg4[%add3A_505, %dma_wait3A_676] : memref<106496x128xf32, #tpu.memory_space<hbm>> -> memref<128x128xf32, #tpu.memory_space<hbm>>
    %dma_wait3A_678 = arith.constant 0 : i32
    %dma_wait3A_679 = arith.constant 0 : i32
    %dma_wait3A_680 = tpu.memref_slice %arg6[%dma_wait3A_669, %dma_wait3A_678, %dma_wait3A_679] : memref<6x128x128xf32, #tpu.memory_space<vmem>> -> memref<1x128x128xf32, #tpu.memory_space<vmem>>
    %dma_wait3A_681 = tpu.memref_squeeze %dma_wait3A_680 : memref<1x128x128xf32, #tpu.memory_space<vmem>> -> memref<128x128xf32, #tpu.memory_space<vmem>>
    tpu.wait_dma2 semaphore(%arg8 : memref<!tpu.dma_semaphore, #tpu.memory_space<semaphore_mem>>) src(%dma_wait3A_681 : memref<128x128xf32, #tpu.memory_space<vmem>>) dst(%dma_wait3A_677 : memref<128x128xf32, #tpu.memory_space<hbm>>)
    %dma_start3A_682 = arith.constant 4 : i32
    %dma_start3A_683 = arith.constant 0 : i32
    %dma_start3A_684 = arith.constant 0 : i32
    %dma_start3A_685 = tpu.memref_slice %arg6[%dma_start3A_682, %dma_start3A_683, %dma_start3A_684] : memref<6x128x128xf32, #tpu.memory_space<vmem>> -> memref<1x128x128xf32, #tpu.memory_space<vmem>>
    %dma_start3A_686 = tpu.memref_squeeze %dma_start3A_685 : memref<1x128x128xf32, #tpu.memory_space<vmem>> -> memref<128x128xf32, #tpu.memory_space<vmem>>
    %dma_start3A_687 = arith.constant 2048 : i32
    %dma_start3A_688 = tpu.memref_slice %arg5[%dma_start3A_687] : memref<3328xi32, #tpu.memory_space<vmem>> -> memref<128xi32, #tpu.memory_space<vmem>>
    %dma_start3A_689 = arith.constant 0 : i32
    %dma_start3A_690 = arith.constant 0 : i32
    %dma_start3A_691 = tpu.memref_slice %arg2[%dma_start3A_689, %dma_start3A_690] : memref<1384448x128xf32, #tpu.memory_space<hbm>> -> memref<1384448x128xf32, #tpu.memory_space<hbm>>
    tpu.enqueue_indirect_dma source(%dma_start3A_691 : memref<1384448x128xf32, #tpu.memory_space<hbm>>) target(%dma_start3A_686 : memref<128x128xf32, #tpu.memory_space<vmem>>) offsets(%dma_start3A_688 : memref<128xi32, #tpu.memory_space<vmem>>) semaphore(%arg7 : memref<!tpu.dma_semaphore, #tpu.memory_space<semaphore_mem>>)
    %dma_wait3A_692 = arith.constant 2 : i32
    %dma_wait3A_693 = arith.constant 0 : i32
    %dma_wait3A_694 = arith.constant 0 : i32
    %dma_wait3A_695 = tpu.memref_slice %arg6[%dma_wait3A_692, %dma_wait3A_693, %dma_wait3A_694] : memref<6x128x128xf32, #tpu.memory_space<vmem>> -> memref<1x128x128xf32, #tpu.memory_space<vmem>>
    %dma_wait3A_696 = tpu.memref_squeeze %dma_wait3A_695 : memref<1x128x128xf32, #tpu.memory_space<vmem>> -> memref<128x128xf32, #tpu.memory_space<vmem>>
    %dma_wait3A_697 = arith.constant 1792 : i32
    %dma_wait3A_698 = tpu.memref_slice %arg5[%dma_wait3A_697] : memref<3328xi32, #tpu.memory_space<vmem>> -> memref<128xi32, #tpu.memory_space<vmem>>
    %dma_wait3A_699 = arith.constant 0 : i32
    %dma_wait3A_700 = arith.constant 0 : i32
    %dma_wait3A_701 = tpu.memref_slice %arg2[%dma_wait3A_699, %dma_wait3A_700] : memref<1384448x128xf32, #tpu.memory_space<hbm>> -> memref<1384448x128xf32, #tpu.memory_space<hbm>>
    tpu.wait_indirect_dma semaphore(%arg7 : memref<!tpu.dma_semaphore, #tpu.memory_space<semaphore_mem>>) src(%dma_wait3A_701 : memref<1384448x128xf32, #tpu.memory_space<hbm>>) dst(%dma_wait3A_696 : memref<128x128xf32, #tpu.memory_space<vmem>>)
    %mul3A_702 = arith.constant 3328 : i32
    %mul3A_703 = arith.muli %add3A, %mul3A_702 : i32
    %add3A_704 = arith.constant 1792 : i32
    %add3A_705 = arith.addi %mul3A_703, %add3A_704 : i32
    %dma_start3A_706 = arith.constant 2 : i32
    %dma_start3A_707 = arith.constant 0 : i32
    %dma_start3A_708 = arith.constant 0 : i32
    %dma_start3A_709 = tpu.memref_slice %arg6[%dma_start3A_706, %dma_start3A_707, %dma_start3A_708] : memref<6x128x128xf32, #tpu.memory_space<vmem>> -> memref<1x128x128xf32, #tpu.memory_space<vmem>>
    %dma_start3A_710 = tpu.memref_squeeze %dma_start3A_709 : memref<1x128x128xf32, #tpu.memory_space<vmem>> -> memref<128x128xf32, #tpu.memory_space<vmem>>
    %dma_start3A_711 = arith.constant 0 : i32
    %dma_start3A_712 = tpu.memref_slice %arg4[%add3A_705, %dma_start3A_711] : memref<106496x128xf32, #tpu.memory_space<hbm>> -> memref<128x128xf32, #tpu.memory_space<hbm>>
    %dma_start3A_713 = arith.constant 0 : i32
    %dma_start3A_714 = tpu.memref_slice %arg4[%add3A_705, %dma_start3A_713] : memref<106496x128xf32, #tpu.memory_space<hbm>> -> memref<128x128xf32, #tpu.memory_space<hbm>>
    %dma_start3A_715 = arith.constant 0 : i32
    %dma_start3A_716 = arith.constant 0 : i32
    %dma_start3A_717 = tpu.memref_slice %arg6[%dma_start3A_706, %dma_start3A_715, %dma_start3A_716] : memref<6x128x128xf32, #tpu.memory_space<vmem>> -> memref<1x128x128xf32, #tpu.memory_space<vmem>>
    %dma_start3A_718 = tpu.memref_squeeze %dma_start3A_717 : memref<1x128x128xf32, #tpu.memory_space<vmem>> -> memref<128x128xf32, #tpu.memory_space<vmem>>
    tpu.enqueue_dma source(%dma_start3A_718 : memref<128x128xf32, #tpu.memory_space<vmem>>) target(%dma_start3A_714 : memref<128x128xf32, #tpu.memory_space<hbm>>) target_semaphore(%arg8 : memref<!tpu.dma_semaphore, #tpu.memory_space<semaphore_mem>>)
    %dma_wait3A_719 = arith.constant 5 : i32
    %dma_wait3A_720 = arith.constant 0 : i32
    %dma_wait3A_721 = arith.constant 0 : i32
    %dma_wait3A_722 = tpu.memref_slice %arg6[%dma_wait3A_719, %dma_wait3A_720, %dma_wait3A_721] : memref<6x128x128xf32, #tpu.memory_space<vmem>> -> memref<1x128x128xf32, #tpu.memory_space<vmem>>
    %dma_wait3A_723 = tpu.memref_squeeze %dma_wait3A_722 : memref<1x128x128xf32, #tpu.memory_space<vmem>> -> memref<128x128xf32, #tpu.memory_space<vmem>>
    %dma_wait3A_724 = arith.constant 0 : i32
    %dma_wait3A_725 = tpu.memref_slice %arg4[%add3A_555, %dma_wait3A_724] : memref<106496x128xf32, #tpu.memory_space<hbm>> -> memref<128x128xf32, #tpu.memory_space<hbm>>
    %dma_wait3A_726 = arith.constant 0 : i32
    %dma_wait3A_727 = tpu.memref_slice %arg4[%add3A_555, %dma_wait3A_726] : memref<106496x128xf32, #tpu.memory_space<hbm>> -> memref<128x128xf32, #tpu.memory_space<hbm>>
    %dma_wait3A_728 = arith.constant 0 : i32
    %dma_wait3A_729 = arith.constant 0 : i32
    %dma_wait3A_730 = tpu.memref_slice %arg6[%dma_wait3A_719, %dma_wait3A_728, %dma_wait3A_729] : memref<6x128x128xf32, #tpu.memory_space<vmem>> -> memref<1x128x128xf32, #tpu.memory_space<vmem>>
    %dma_wait3A_731 = tpu.memref_squeeze %dma_wait3A_730 : memref<1x128x128xf32, #tpu.memory_space<vmem>> -> memref<128x128xf32, #tpu.memory_space<vmem>>
    tpu.wait_dma2 semaphore(%arg8 : memref<!tpu.dma_semaphore, #tpu.memory_space<semaphore_mem>>) src(%dma_wait3A_731 : memref<128x128xf32, #tpu.memory_space<vmem>>) dst(%dma_wait3A_727 : memref<128x128xf32, #tpu.memory_space<hbm>>)
    %dma_start3A_732 = arith.constant 5 : i32
    %dma_start3A_733 = arith.constant 0 : i32
    %dma_start3A_734 = arith.constant 0 : i32
    %dma_start3A_735 = tpu.memref_slice %arg6[%dma_start3A_732, %dma_start3A_733, %dma_start3A_734] : memref<6x128x128xf32, #tpu.memory_space<vmem>> -> memref<1x128x128xf32, #tpu.memory_space<vmem>>
    %dma_start3A_736 = tpu.memref_squeeze %dma_start3A_735 : memref<1x128x128xf32, #tpu.memory_space<vmem>> -> memref<128x128xf32, #tpu.memory_space<vmem>>
    %dma_start3A_737 = arith.constant 2176 : i32
    %dma_start3A_738 = tpu.memref_slice %arg5[%dma_start3A_737] : memref<3328xi32, #tpu.memory_space<vmem>> -> memref<128xi32, #tpu.memory_space<vmem>>
    %dma_start3A_739 = arith.constant 0 : i32
    %dma_start3A_740 = arith.constant 0 : i32
    %dma_start3A_741 = tpu.memref_slice %arg2[%dma_start3A_739, %dma_start3A_740] : memref<1384448x128xf32, #tpu.memory_space<hbm>> -> memref<1384448x128xf32, #tpu.memory_space<hbm>>
    tpu.enqueue_indirect_dma source(%dma_start3A_741 : memref<1384448x128xf32, #tpu.memory_space<hbm>>) target(%dma_start3A_736 : memref<128x128xf32, #tpu.memory_space<vmem>>) offsets(%dma_start3A_738 : memref<128xi32, #tpu.memory_space<vmem>>) semaphore(%arg7 : memref<!tpu.dma_semaphore, #tpu.memory_space<semaphore_mem>>)
    %dma_wait3A_742 = arith.constant 3 : i32
    %dma_wait3A_743 = arith.constant 0 : i32
    %dma_wait3A_744 = arith.constant 0 : i32
    %dma_wait3A_745 = tpu.memref_slice %arg6[%dma_wait3A_742, %dma_wait3A_743, %dma_wait3A_744] : memref<6x128x128xf32, #tpu.memory_space<vmem>> -> memref<1x128x128xf32, #tpu.memory_space<vmem>>
    %dma_wait3A_746 = tpu.memref_squeeze %dma_wait3A_745 : memref<1x128x128xf32, #tpu.memory_space<vmem>> -> memref<128x128xf32, #tpu.memory_space<vmem>>
    %dma_wait3A_747 = arith.constant 1920 : i32
    %dma_wait3A_748 = tpu.memref_slice %arg5[%dma_wait3A_747] : memref<3328xi32, #tpu.memory_space<vmem>> -> memref<128xi32, #tpu.memory_space<vmem>>
    %dma_wait3A_749 = arith.constant 0 : i32
    %dma_wait3A_750 = arith.constant 0 : i32
    %dma_wait3A_751 = tpu.memref_slice %arg2[%dma_wait3A_749, %dma_wait3A_750] : memref<1384448x128xf32, #tpu.memory_space<hbm>> -> memref<1384448x128xf32, #tpu.memory_space<hbm>>
    tpu.wait_indirect_dma semaphore(%arg7 : memref<!tpu.dma_semaphore, #tpu.memory_space<semaphore_mem>>) src(%dma_wait3A_751 : memref<1384448x128xf32, #tpu.memory_space<hbm>>) dst(%dma_wait3A_746 : memref<128x128xf32, #tpu.memory_space<vmem>>)
    %mul3A_752 = arith.constant 3328 : i32
    %mul3A_753 = arith.muli %add3A, %mul3A_752 : i32
    %add3A_754 = arith.constant 1920 : i32
    %add3A_755 = arith.addi %mul3A_753, %add3A_754 : i32
    %dma_start3A_756 = arith.constant 3 : i32
    %dma_start3A_757 = arith.constant 0 : i32
    %dma_start3A_758 = arith.constant 0 : i32
    %dma_start3A_759 = tpu.memref_slice %arg6[%dma_start3A_756, %dma_start3A_757, %dma_start3A_758] : memref<6x128x128xf32, #tpu.memory_space<vmem>> -> memref<1x128x128xf32, #tpu.memory_space<vmem>>
    %dma_start3A_760 = tpu.memref_squeeze %dma_start3A_759 : memref<1x128x128xf32, #tpu.memory_space<vmem>> -> memref<128x128xf32, #tpu.memory_space<vmem>>
    %dma_start3A_761 = arith.constant 0 : i32
    %dma_start3A_762 = tpu.memref_slice %arg4[%add3A_755, %dma_start3A_761] : memref<106496x128xf32, #tpu.memory_space<hbm>> -> memref<128x128xf32, #tpu.memory_space<hbm>>
    %dma_start3A_763 = arith.constant 0 : i32
    %dma_start3A_764 = tpu.memref_slice %arg4[%add3A_755, %dma_start3A_763] : memref<106496x128xf32, #tpu.memory_space<hbm>> -> memref<128x128xf32, #tpu.memory_space<hbm>>
    %dma_start3A_765 = arith.constant 0 : i32
    %dma_start3A_766 = arith.constant 0 : i32
    %dma_start3A_767 = tpu.memref_slice %arg6[%dma_start3A_756, %dma_start3A_765, %dma_start3A_766] : memref<6x128x128xf32, #tpu.memory_space<vmem>> -> memref<1x128x128xf32, #tpu.memory_space<vmem>>
    %dma_start3A_768 = tpu.memref_squeeze %dma_start3A_767 : memref<1x128x128xf32, #tpu.memory_space<vmem>> -> memref<128x128xf32, #tpu.memory_space<vmem>>
    tpu.enqueue_dma source(%dma_start3A_768 : memref<128x128xf32, #tpu.memory_space<vmem>>) target(%dma_start3A_764 : memref<128x128xf32, #tpu.memory_space<hbm>>) target_semaphore(%arg8 : memref<!tpu.dma_semaphore, #tpu.memory_space<semaphore_mem>>)
    %dma_wait3A_769 = arith.constant 0 : i32
    %dma_wait3A_770 = arith.constant 0 : i32
    %dma_wait3A_771 = arith.constant 0 : i32
    %dma_wait3A_772 = tpu.memref_slice %arg6[%dma_wait3A_769, %dma_wait3A_770, %dma_wait3A_771] : memref<6x128x128xf32, #tpu.memory_space<vmem>> -> memref<1x128x128xf32, #tpu.memory_space<vmem>>
    %dma_wait3A_773 = tpu.memref_squeeze %dma_wait3A_772 : memref<1x128x128xf32, #tpu.memory_space<vmem>> -> memref<128x128xf32, #tpu.memory_space<vmem>>
    %dma_wait3A_774 = arith.constant 0 : i32
    %dma_wait3A_775 = tpu.memref_slice %arg4[%add3A_605, %dma_wait3A_774] : memref<106496x128xf32, #tpu.memory_space<hbm>> -> memref<128x128xf32, #tpu.memory_space<hbm>>
    %dma_wait3A_776 = arith.constant 0 : i32
    %dma_wait3A_777 = tpu.memref_slice %arg4[%add3A_605, %dma_wait3A_776] : memref<106496x128xf32, #tpu.memory_space<hbm>> -> memref<128x128xf32, #tpu.memory_space<hbm>>
    %dma_wait3A_778 = arith.constant 0 : i32
    %dma_wait3A_779 = arith.constant 0 : i32
    %dma_wait3A_780 = tpu.memref_slice %arg6[%dma_wait3A_769, %dma_wait3A_778, %dma_wait3A_779] : memref<6x128x128xf32, #tpu.memory_space<vmem>> -> memref<1x128x128xf32, #tpu.memory_space<vmem>>
    %dma_wait3A_781 = tpu.memref_squeeze %dma_wait3A_780 : memref<1x128x128xf32, #tpu.memory_space<vmem>> -> memref<128x128xf32, #tpu.memory_space<vmem>>
    tpu.wait_dma2 semaphore(%arg8 : memref<!tpu.dma_semaphore, #tpu.memory_space<semaphore_mem>>) src(%dma_wait3A_781 : memref<128x128xf32, #tpu.memory_space<vmem>>) dst(%dma_wait3A_777 : memref<128x128xf32, #tpu.memory_space<hbm>>)
    %dma_start3A_782 = arith.constant 0 : i32
    %dma_start3A_783 = arith.constant 0 : i32
    %dma_start3A_784 = arith.constant 0 : i32
    %dma_start3A_785 = tpu.memref_slice %arg6[%dma_start3A_782, %dma_start3A_783, %dma_start3A_784] : memref<6x128x128xf32, #tpu.memory_space<vmem>> -> memref<1x128x128xf32, #tpu.memory_space<vmem>>
    %dma_start3A_786 = tpu.memref_squeeze %dma_start3A_785 : memref<1x128x128xf32, #tpu.memory_space<vmem>> -> memref<128x128xf32, #tpu.memory_space<vmem>>
    %dma_start3A_787 = arith.constant 2304 : i32
    %dma_start3A_788 = tpu.memref_slice %arg5[%dma_start3A_787] : memref<3328xi32, #tpu.memory_space<vmem>> -> memref<128xi32, #tpu.memory_space<vmem>>
    %dma_start3A_789 = arith.constant 0 : i32
    %dma_start3A_790 = arith.constant 0 : i32
    %dma_start3A_791 = tpu.memref_slice %arg2[%dma_start3A_789, %dma_start3A_790] : memref<1384448x128xf32, #tpu.memory_space<hbm>> -> memref<1384448x128xf32, #tpu.memory_space<hbm>>
    tpu.enqueue_indirect_dma source(%dma_start3A_791 : memref<1384448x128xf32, #tpu.memory_space<hbm>>) target(%dma_start3A_786 : memref<128x128xf32, #tpu.memory_space<vmem>>) offsets(%dma_start3A_788 : memref<128xi32, #tpu.memory_space<vmem>>) semaphore(%arg7 : memref<!tpu.dma_semaphore, #tpu.memory_space<semaphore_mem>>)
    %dma_wait3A_792 = arith.constant 4 : i32
    %dma_wait3A_793 = arith.constant 0 : i32
    %dma_wait3A_794 = arith.constant 0 : i32
    %dma_wait3A_795 = tpu.memref_slice %arg6[%dma_wait3A_792, %dma_wait3A_793, %dma_wait3A_794] : memref<6x128x128xf32, #tpu.memory_space<vmem>> -> memref<1x128x128xf32, #tpu.memory_space<vmem>>
    %dma_wait3A_796 = tpu.memref_squeeze %dma_wait3A_795 : memref<1x128x128xf32, #tpu.memory_space<vmem>> -> memref<128x128xf32, #tpu.memory_space<vmem>>
    %dma_wait3A_797 = arith.constant 2048 : i32
    %dma_wait3A_798 = tpu.memref_slice %arg5[%dma_wait3A_797] : memref<3328xi32, #tpu.memory_space<vmem>> -> memref<128xi32, #tpu.memory_space<vmem>>
    %dma_wait3A_799 = arith.constant 0 : i32
    %dma_wait3A_800 = arith.constant 0 : i32
    %dma_wait3A_801 = tpu.memref_slice %arg2[%dma_wait3A_799, %dma_wait3A_800] : memref<1384448x128xf32, #tpu.memory_space<hbm>> -> memref<1384448x128xf32, #tpu.memory_space<hbm>>
    tpu.wait_indirect_dma semaphore(%arg7 : memref<!tpu.dma_semaphore, #tpu.memory_space<semaphore_mem>>) src(%dma_wait3A_801 : memref<1384448x128xf32, #tpu.memory_space<hbm>>) dst(%dma_wait3A_796 : memref<128x128xf32, #tpu.memory_space<vmem>>)
    %mul3A_802 = arith.constant 3328 : i32
    %mul3A_803 = arith.muli %add3A, %mul3A_802 : i32
    %add3A_804 = arith.constant 2048 : i32
    %add3A_805 = arith.addi %mul3A_803, %add3A_804 : i32
    %dma_start3A_806 = arith.constant 4 : i32
    %dma_start3A_807 = arith.constant 0 : i32
    %dma_start3A_808 = arith.constant 0 : i32
    %dma_start3A_809 = tpu.memref_slice %arg6[%dma_start3A_806, %dma_start3A_807, %dma_start3A_808] : memref<6x128x128xf32, #tpu.memory_space<vmem>> -> memref<1x128x128xf32, #tpu.memory_space<vmem>>
    %dma_start3A_810 = tpu.memref_squeeze %dma_start3A_809 : memref<1x128x128xf32, #tpu.memory_space<vmem>> -> memref<128x128xf32, #tpu.memory_space<vmem>>
    %dma_start3A_811 = arith.constant 0 : i32
    %dma_start3A_812 = tpu.memref_slice %arg4[%add3A_805, %dma_start3A_811] : memref<106496x128xf32, #tpu.memory_space<hbm>> -> memref<128x128xf32, #tpu.memory_space<hbm>>
    %dma_start3A_813 = arith.constant 0 : i32
    %dma_start3A_814 = tpu.memref_slice %arg4[%add3A_805, %dma_start3A_813] : memref<106496x128xf32, #tpu.memory_space<hbm>> -> memref<128x128xf32, #tpu.memory_space<hbm>>
    %dma_start3A_815 = arith.constant 0 : i32
    %dma_start3A_816 = arith.constant 0 : i32
    %dma_start3A_817 = tpu.memref_slice %arg6[%dma_start3A_806, %dma_start3A_815, %dma_start3A_816] : memref<6x128x128xf32, #tpu.memory_space<vmem>> -> memref<1x128x128xf32, #tpu.memory_space<vmem>>
    %dma_start3A_818 = tpu.memref_squeeze %dma_start3A_817 : memref<1x128x128xf32, #tpu.memory_space<vmem>> -> memref<128x128xf32, #tpu.memory_space<vmem>>
    tpu.enqueue_dma source(%dma_start3A_818 : memref<128x128xf32, #tpu.memory_space<vmem>>) target(%dma_start3A_814 : memref<128x128xf32, #tpu.memory_space<hbm>>) target_semaphore(%arg8 : memref<!tpu.dma_semaphore, #tpu.memory_space<semaphore_mem>>)
    %dma_wait3A_819 = arith.constant 1 : i32
    %dma_wait3A_820 = arith.constant 0 : i32
    %dma_wait3A_821 = arith.constant 0 : i32
    %dma_wait3A_822 = tpu.memref_slice %arg6[%dma_wait3A_819, %dma_wait3A_820, %dma_wait3A_821] : memref<6x128x128xf32, #tpu.memory_space<vmem>> -> memref<1x128x128xf32, #tpu.memory_space<vmem>>
    %dma_wait3A_823 = tpu.memref_squeeze %dma_wait3A_822 : memref<1x128x128xf32, #tpu.memory_space<vmem>> -> memref<128x128xf32, #tpu.memory_space<vmem>>
    %dma_wait3A_824 = arith.constant 0 : i32
    %dma_wait3A_825 = tpu.memref_slice %arg4[%add3A_655, %dma_wait3A_824] : memref<106496x128xf32, #tpu.memory_space<hbm>> -> memref<128x128xf32, #tpu.memory_space<hbm>>
    %dma_wait3A_826 = arith.constant 0 : i32
    %dma_wait3A_827 = tpu.memref_slice %arg4[%add3A_655, %dma_wait3A_826] : memref<106496x128xf32, #tpu.memory_space<hbm>> -> memref<128x128xf32, #tpu.memory_space<hbm>>
    %dma_wait3A_828 = arith.constant 0 : i32
    %dma_wait3A_829 = arith.constant 0 : i32
    %dma_wait3A_830 = tpu.memref_slice %arg6[%dma_wait3A_819, %dma_wait3A_828, %dma_wait3A_829] : memref<6x128x128xf32, #tpu.memory_space<vmem>> -> memref<1x128x128xf32, #tpu.memory_space<vmem>>
    %dma_wait3A_831 = tpu.memref_squeeze %dma_wait3A_830 : memref<1x128x128xf32, #tpu.memory_space<vmem>> -> memref<128x128xf32, #tpu.memory_space<vmem>>
    tpu.wait_dma2 semaphore(%arg8 : memref<!tpu.dma_semaphore, #tpu.memory_space<semaphore_mem>>) src(%dma_wait3A_831 : memref<128x128xf32, #tpu.memory_space<vmem>>) dst(%dma_wait3A_827 : memref<128x128xf32, #tpu.memory_space<hbm>>)
    %dma_start3A_832 = arith.constant 1 : i32
    %dma_start3A_833 = arith.constant 0 : i32
    %dma_start3A_834 = arith.constant 0 : i32
    %dma_start3A_835 = tpu.memref_slice %arg6[%dma_start3A_832, %dma_start3A_833, %dma_start3A_834] : memref<6x128x128xf32, #tpu.memory_space<vmem>> -> memref<1x128x128xf32, #tpu.memory_space<vmem>>
    %dma_start3A_836 = tpu.memref_squeeze %dma_start3A_835 : memref<1x128x128xf32, #tpu.memory_space<vmem>> -> memref<128x128xf32, #tpu.memory_space<vmem>>
    %dma_start3A_837 = arith.constant 2432 : i32
    %dma_start3A_838 = tpu.memref_slice %arg5[%dma_start3A_837] : memref<3328xi32, #tpu.memory_space<vmem>> -> memref<128xi32, #tpu.memory_space<vmem>>
    %dma_start3A_839 = arith.constant 0 : i32
    %dma_start3A_840 = arith.constant 0 : i32
    %dma_start3A_841 = tpu.memref_slice %arg2[%dma_start3A_839, %dma_start3A_840] : memref<1384448x128xf32, #tpu.memory_space<hbm>> -> memref<1384448x128xf32, #tpu.memory_space<hbm>>
    tpu.enqueue_indirect_dma source(%dma_start3A_841 : memref<1384448x128xf32, #tpu.memory_space<hbm>>) target(%dma_start3A_836 : memref<128x128xf32, #tpu.memory_space<vmem>>) offsets(%dma_start3A_838 : memref<128xi32, #tpu.memory_space<vmem>>) semaphore(%arg7 : memref<!tpu.dma_semaphore, #tpu.memory_space<semaphore_mem>>)
    %dma_wait3A_842 = arith.constant 5 : i32
    %dma_wait3A_843 = arith.constant 0 : i32
    %dma_wait3A_844 = arith.constant 0 : i32
    %dma_wait3A_845 = tpu.memref_slice %arg6[%dma_wait3A_842, %dma_wait3A_843, %dma_wait3A_844] : memref<6x128x128xf32, #tpu.memory_space<vmem>> -> memref<1x128x128xf32, #tpu.memory_space<vmem>>
    %dma_wait3A_846 = tpu.memref_squeeze %dma_wait3A_845 : memref<1x128x128xf32, #tpu.memory_space<vmem>> -> memref<128x128xf32, #tpu.memory_space<vmem>>
    %dma_wait3A_847 = arith.constant 2176 : i32
    %dma_wait3A_848 = tpu.memref_slice %arg5[%dma_wait3A_847] : memref<3328xi32, #tpu.memory_space<vmem>> -> memref<128xi32, #tpu.memory_space<vmem>>
    %dma_wait3A_849 = arith.constant 0 : i32
    %dma_wait3A_850 = arith.constant 0 : i32
    %dma_wait3A_851 = tpu.memref_slice %arg2[%dma_wait3A_849, %dma_wait3A_850] : memref<1384448x128xf32, #tpu.memory_space<hbm>> -> memref<1384448x128xf32, #tpu.memory_space<hbm>>
    tpu.wait_indirect_dma semaphore(%arg7 : memref<!tpu.dma_semaphore, #tpu.memory_space<semaphore_mem>>) src(%dma_wait3A_851 : memref<1384448x128xf32, #tpu.memory_space<hbm>>) dst(%dma_wait3A_846 : memref<128x128xf32, #tpu.memory_space<vmem>>)
    %mul3A_852 = arith.constant 3328 : i32
    %mul3A_853 = arith.muli %add3A, %mul3A_852 : i32
    %add3A_854 = arith.constant 2176 : i32
    %add3A_855 = arith.addi %mul3A_853, %add3A_854 : i32
    %dma_start3A_856 = arith.constant 5 : i32
    %dma_start3A_857 = arith.constant 0 : i32
    %dma_start3A_858 = arith.constant 0 : i32
    %dma_start3A_859 = tpu.memref_slice %arg6[%dma_start3A_856, %dma_start3A_857, %dma_start3A_858] : memref<6x128x128xf32, #tpu.memory_space<vmem>> -> memref<1x128x128xf32, #tpu.memory_space<vmem>>
    %dma_start3A_860 = tpu.memref_squeeze %dma_start3A_859 : memref<1x128x128xf32, #tpu.memory_space<vmem>> -> memref<128x128xf32, #tpu.memory_space<vmem>>
    %dma_start3A_861 = arith.constant 0 : i32
    %dma_start3A_862 = tpu.memref_slice %arg4[%add3A_855, %dma_start3A_861] : memref<106496x128xf32, #tpu.memory_space<hbm>> -> memref<128x128xf32, #tpu.memory_space<hbm>>
    %dma_start3A_863 = arith.constant 0 : i32
    %dma_start3A_864 = tpu.memref_slice %arg4[%add3A_855, %dma_start3A_863] : memref<106496x128xf32, #tpu.memory_space<hbm>> -> memref<128x128xf32, #tpu.memory_space<hbm>>
    %dma_start3A_865 = arith.constant 0 : i32
    %dma_start3A_866 = arith.constant 0 : i32
    %dma_start3A_867 = tpu.memref_slice %arg6[%dma_start3A_856, %dma_start3A_865, %dma_start3A_866] : memref<6x128x128xf32, #tpu.memory_space<vmem>> -> memref<1x128x128xf32, #tpu.memory_space<vmem>>
    %dma_start3A_868 = tpu.memref_squeeze %dma_start3A_867 : memref<1x128x128xf32, #tpu.memory_space<vmem>> -> memref<128x128xf32, #tpu.memory_space<vmem>>
    tpu.enqueue_dma source(%dma_start3A_868 : memref<128x128xf32, #tpu.memory_space<vmem>>) target(%dma_start3A_864 : memref<128x128xf32, #tpu.memory_space<hbm>>) target_semaphore(%arg8 : memref<!tpu.dma_semaphore, #tpu.memory_space<semaphore_mem>>)
    %dma_wait3A_869 = arith.constant 2 : i32
    %dma_wait3A_870 = arith.constant 0 : i32
    %dma_wait3A_871 = arith.constant 0 : i32
    %dma_wait3A_872 = tpu.memref_slice %arg6[%dma_wait3A_869, %dma_wait3A_870, %dma_wait3A_871] : memref<6x128x128xf32, #tpu.memory_space<vmem>> -> memref<1x128x128xf32, #tpu.memory_space<vmem>>
    %dma_wait3A_873 = tpu.memref_squeeze %dma_wait3A_872 : memref<1x128x128xf32, #tpu.memory_space<vmem>> -> memref<128x128xf32, #tpu.memory_space<vmem>>
    %dma_wait3A_874 = arith.constant 0 : i32
    %dma_wait3A_875 = tpu.memref_slice %arg4[%add3A_705, %dma_wait3A_874] : memref<106496x128xf32, #tpu.memory_space<hbm>> -> memref<128x128xf32, #tpu.memory_space<hbm>>
    %dma_wait3A_876 = arith.constant 0 : i32
    %dma_wait3A_877 = tpu.memref_slice %arg4[%add3A_705, %dma_wait3A_876] : memref<106496x128xf32, #tpu.memory_space<hbm>> -> memref<128x128xf32, #tpu.memory_space<hbm>>
    %dma_wait3A_878 = arith.constant 0 : i32
    %dma_wait3A_879 = arith.constant 0 : i32
    %dma_wait3A_880 = tpu.memref_slice %arg6[%dma_wait3A_869, %dma_wait3A_878, %dma_wait3A_879] : memref<6x128x128xf32, #tpu.memory_space<vmem>> -> memref<1x128x128xf32, #tpu.memory_space<vmem>>
    %dma_wait3A_881 = tpu.memref_squeeze %dma_wait3A_880 : memref<1x128x128xf32, #tpu.memory_space<vmem>> -> memref<128x128xf32, #tpu.memory_space<vmem>>
    tpu.wait_dma2 semaphore(%arg8 : memref<!tpu.dma_semaphore, #tpu.memory_space<semaphore_mem>>) src(%dma_wait3A_881 : memref<128x128xf32, #tpu.memory_space<vmem>>) dst(%dma_wait3A_877 : memref<128x128xf32, #tpu.memory_space<hbm>>)
    %dma_start3A_882 = arith.constant 2 : i32
    %dma_start3A_883 = arith.constant 0 : i32
    %dma_start3A_884 = arith.constant 0 : i32
    %dma_start3A_885 = tpu.memref_slice %arg6[%dma_start3A_882, %dma_start3A_883, %dma_start3A_884] : memref<6x128x128xf32, #tpu.memory_space<vmem>> -> memref<1x128x128xf32, #tpu.memory_space<vmem>>
    %dma_start3A_886 = tpu.memref_squeeze %dma_start3A_885 : memref<1x128x128xf32, #tpu.memory_space<vmem>> -> memref<128x128xf32, #tpu.memory_space<vmem>>
    %dma_start3A_887 = arith.constant 2560 : i32
    %dma_start3A_888 = tpu.memref_slice %arg5[%dma_start3A_887] : memref<3328xi32, #tpu.memory_space<vmem>> -> memref<128xi32, #tpu.memory_space<vmem>>
    %dma_start3A_889 = arith.constant 0 : i32
    %dma_start3A_890 = arith.constant 0 : i32
    %dma_start3A_891 = tpu.memref_slice %arg2[%dma_start3A_889, %dma_start3A_890] : memref<1384448x128xf32, #tpu.memory_space<hbm>> -> memref<1384448x128xf32, #tpu.memory_space<hbm>>
    tpu.enqueue_indirect_dma source(%dma_start3A_891 : memref<1384448x128xf32, #tpu.memory_space<hbm>>) target(%dma_start3A_886 : memref<128x128xf32, #tpu.memory_space<vmem>>) offsets(%dma_start3A_888 : memref<128xi32, #tpu.memory_space<vmem>>) semaphore(%arg7 : memref<!tpu.dma_semaphore, #tpu.memory_space<semaphore_mem>>)
    %dma_wait3A_892 = arith.constant 0 : i32
    %dma_wait3A_893 = arith.constant 0 : i32
    %dma_wait3A_894 = arith.constant 0 : i32
    %dma_wait3A_895 = tpu.memref_slice %arg6[%dma_wait3A_892, %dma_wait3A_893, %dma_wait3A_894] : memref<6x128x128xf32, #tpu.memory_space<vmem>> -> memref<1x128x128xf32, #tpu.memory_space<vmem>>
    %dma_wait3A_896 = tpu.memref_squeeze %dma_wait3A_895 : memref<1x128x128xf32, #tpu.memory_space<vmem>> -> memref<128x128xf32, #tpu.memory_space<vmem>>
    %dma_wait3A_897 = arith.constant 2304 : i32
    %dma_wait3A_898 = tpu.memref_slice %arg5[%dma_wait3A_897] : memref<3328xi32, #tpu.memory_space<vmem>> -> memref<128xi32, #tpu.memory_space<vmem>>
    %dma_wait3A_899 = arith.constant 0 : i32
    %dma_wait3A_900 = arith.constant 0 : i32
    %dma_wait3A_901 = tpu.memref_slice %arg2[%dma_wait3A_899, %dma_wait3A_900] : memref<1384448x128xf32, #tpu.memory_space<hbm>> -> memref<1384448x128xf32, #tpu.memory_space<hbm>>
    tpu.wait_indirect_dma semaphore(%arg7 : memref<!tpu.dma_semaphore, #tpu.memory_space<semaphore_mem>>) src(%dma_wait3A_901 : memref<1384448x128xf32, #tpu.memory_space<hbm>>) dst(%dma_wait3A_896 : memref<128x128xf32, #tpu.memory_space<vmem>>)
    %mul3A_902 = arith.constant 3328 : i32
    %mul3A_903 = arith.muli %add3A, %mul3A_902 : i32
    %add3A_904 = arith.constant 2304 : i32
    %add3A_905 = arith.addi %mul3A_903, %add3A_904 : i32
    %dma_start3A_906 = arith.constant 0 : i32
    %dma_start3A_907 = arith.constant 0 : i32
    %dma_start3A_908 = arith.constant 0 : i32
    %dma_start3A_909 = tpu.memref_slice %arg6[%dma_start3A_906, %dma_start3A_907, %dma_start3A_908] : memref<6x128x128xf32, #tpu.memory_space<vmem>> -> memref<1x128x128xf32, #tpu.memory_space<vmem>>
    %dma_start3A_910 = tpu.memref_squeeze %dma_start3A_909 : memref<1x128x128xf32, #tpu.memory_space<vmem>> -> memref<128x128xf32, #tpu.memory_space<vmem>>
    %dma_start3A_911 = arith.constant 0 : i32
    %dma_start3A_912 = tpu.memref_slice %arg4[%add3A_905, %dma_start3A_911] : memref<106496x128xf32, #tpu.memory_space<hbm>> -> memref<128x128xf32, #tpu.memory_space<hbm>>
    %dma_start3A_913 = arith.constant 0 : i32
    %dma_start3A_914 = tpu.memref_slice %arg4[%add3A_905, %dma_start3A_913] : memref<106496x128xf32, #tpu.memory_space<hbm>> -> memref<128x128xf32, #tpu.memory_space<hbm>>
    %dma_start3A_915 = arith.constant 0 : i32
    %dma_start3A_916 = arith.constant 0 : i32
    %dma_start3A_917 = tpu.memref_slice %arg6[%dma_start3A_906, %dma_start3A_915, %dma_start3A_916] : memref<6x128x128xf32, #tpu.memory_space<vmem>> -> memref<1x128x128xf32, #tpu.memory_space<vmem>>
    %dma_start3A_918 = tpu.memref_squeeze %dma_start3A_917 : memref<1x128x128xf32, #tpu.memory_space<vmem>> -> memref<128x128xf32, #tpu.memory_space<vmem>>
    tpu.enqueue_dma source(%dma_start3A_918 : memref<128x128xf32, #tpu.memory_space<vmem>>) target(%dma_start3A_914 : memref<128x128xf32, #tpu.memory_space<hbm>>) target_semaphore(%arg8 : memref<!tpu.dma_semaphore, #tpu.memory_space<semaphore_mem>>)
    %dma_wait3A_919 = arith.constant 3 : i32
    %dma_wait3A_920 = arith.constant 0 : i32
    %dma_wait3A_921 = arith.constant 0 : i32
    %dma_wait3A_922 = tpu.memref_slice %arg6[%dma_wait3A_919, %dma_wait3A_920, %dma_wait3A_921] : memref<6x128x128xf32, #tpu.memory_space<vmem>> -> memref<1x128x128xf32, #tpu.memory_space<vmem>>
    %dma_wait3A_923 = tpu.memref_squeeze %dma_wait3A_922 : memref<1x128x128xf32, #tpu.memory_space<vmem>> -> memref<128x128xf32, #tpu.memory_space<vmem>>
    %dma_wait3A_924 = arith.constant 0 : i32
    %dma_wait3A_925 = tpu.memref_slice %arg4[%add3A_755, %dma_wait3A_924] : memref<106496x128xf32, #tpu.memory_space<hbm>> -> memref<128x128xf32, #tpu.memory_space<hbm>>
    %dma_wait3A_926 = arith.constant 0 : i32
    %dma_wait3A_927 = tpu.memref_slice %arg4[%add3A_755, %dma_wait3A_926] : memref<106496x128xf32, #tpu.memory_space<hbm>> -> memref<128x128xf32, #tpu.memory_space<hbm>>
    %dma_wait3A_928 = arith.constant 0 : i32
    %dma_wait3A_929 = arith.constant 0 : i32
    %dma_wait3A_930 = tpu.memref_slice %arg6[%dma_wait3A_919, %dma_wait3A_928, %dma_wait3A_929] : memref<6x128x128xf32, #tpu.memory_space<vmem>> -> memref<1x128x128xf32, #tpu.memory_space<vmem>>
    %dma_wait3A_931 = tpu.memref_squeeze %dma_wait3A_930 : memref<1x128x128xf32, #tpu.memory_space<vmem>> -> memref<128x128xf32, #tpu.memory_space<vmem>>
    tpu.wait_dma2 semaphore(%arg8 : memref<!tpu.dma_semaphore, #tpu.memory_space<semaphore_mem>>) src(%dma_wait3A_931 : memref<128x128xf32, #tpu.memory_space<vmem>>) dst(%dma_wait3A_927 : memref<128x128xf32, #tpu.memory_space<hbm>>)
    %dma_start3A_932 = arith.constant 3 : i32
    %dma_start3A_933 = arith.constant 0 : i32
    %dma_start3A_934 = arith.constant 0 : i32
    %dma_start3A_935 = tpu.memref_slice %arg6[%dma_start3A_932, %dma_start3A_933, %dma_start3A_934] : memref<6x128x128xf32, #tpu.memory_space<vmem>> -> memref<1x128x128xf32, #tpu.memory_space<vmem>>
    %dma_start3A_936 = tpu.memref_squeeze %dma_start3A_935 : memref<1x128x128xf32, #tpu.memory_space<vmem>> -> memref<128x128xf32, #tpu.memory_space<vmem>>
    %dma_start3A_937 = arith.constant 2688 : i32
    %dma_start3A_938 = tpu.memref_slice %arg5[%dma_start3A_937] : memref<3328xi32, #tpu.memory_space<vmem>> -> memref<128xi32, #tpu.memory_space<vmem>>
    %dma_start3A_939 = arith.constant 0 : i32
    %dma_start3A_940 = arith.constant 0 : i32
    %dma_start3A_941 = tpu.memref_slice %arg2[%dma_start3A_939, %dma_start3A_940] : memref<1384448x128xf32, #tpu.memory_space<hbm>> -> memref<1384448x128xf32, #tpu.memory_space<hbm>>
    tpu.enqueue_indirect_dma source(%dma_start3A_941 : memref<1384448x128xf32, #tpu.memory_space<hbm>>) target(%dma_start3A_936 : memref<128x128xf32, #tpu.memory_space<vmem>>) offsets(%dma_start3A_938 : memref<128xi32, #tpu.memory_space<vmem>>) semaphore(%arg7 : memref<!tpu.dma_semaphore, #tpu.memory_space<semaphore_mem>>)
    %dma_wait3A_942 = arith.constant 1 : i32
    %dma_wait3A_943 = arith.constant 0 : i32
    %dma_wait3A_944 = arith.constant 0 : i32
    %dma_wait3A_945 = tpu.memref_slice %arg6[%dma_wait3A_942, %dma_wait3A_943, %dma_wait3A_944] : memref<6x128x128xf32, #tpu.memory_space<vmem>> -> memref<1x128x128xf32, #tpu.memory_space<vmem>>
    %dma_wait3A_946 = tpu.memref_squeeze %dma_wait3A_945 : memref<1x128x128xf32, #tpu.memory_space<vmem>> -> memref<128x128xf32, #tpu.memory_space<vmem>>
    %dma_wait3A_947 = arith.constant 2432 : i32
    %dma_wait3A_948 = tpu.memref_slice %arg5[%dma_wait3A_947] : memref<3328xi32, #tpu.memory_space<vmem>> -> memref<128xi32, #tpu.memory_space<vmem>>
    %dma_wait3A_949 = arith.constant 0 : i32
    %dma_wait3A_950 = arith.constant 0 : i32
    %dma_wait3A_951 = tpu.memref_slice %arg2[%dma_wait3A_949, %dma_wait3A_950] : memref<1384448x128xf32, #tpu.memory_space<hbm>> -> memref<1384448x128xf32, #tpu.memory_space<hbm>>
    tpu.wait_indirect_dma semaphore(%arg7 : memref<!tpu.dma_semaphore, #tpu.memory_space<semaphore_mem>>) src(%dma_wait3A_951 : memref<1384448x128xf32, #tpu.memory_space<hbm>>) dst(%dma_wait3A_946 : memref<128x128xf32, #tpu.memory_space<vmem>>)
    %mul3A_952 = arith.constant 3328 : i32
    %mul3A_953 = arith.muli %add3A, %mul3A_952 : i32
    %add3A_954 = arith.constant 2432 : i32
    %add3A_955 = arith.addi %mul3A_953, %add3A_954 : i32
    %dma_start3A_956 = arith.constant 1 : i32
    %dma_start3A_957 = arith.constant 0 : i32
    %dma_start3A_958 = arith.constant 0 : i32
    %dma_start3A_959 = tpu.memref_slice %arg6[%dma_start3A_956, %dma_start3A_957, %dma_start3A_958] : memref<6x128x128xf32, #tpu.memory_space<vmem>> -> memref<1x128x128xf32, #tpu.memory_space<vmem>>
    %dma_start3A_960 = tpu.memref_squeeze %dma_start3A_959 : memref<1x128x128xf32, #tpu.memory_space<vmem>> -> memref<128x128xf32, #tpu.memory_space<vmem>>
    %dma_start3A_961 = arith.constant 0 : i32
    %dma_start3A_962 = tpu.memref_slice %arg4[%add3A_955, %dma_start3A_961] : memref<106496x128xf32, #tpu.memory_space<hbm>> -> memref<128x128xf32, #tpu.memory_space<hbm>>
    %dma_start3A_963 = arith.constant 0 : i32
    %dma_start3A_964 = tpu.memref_slice %arg4[%add3A_955, %dma_start3A_963] : memref<106496x128xf32, #tpu.memory_space<hbm>> -> memref<128x128xf32, #tpu.memory_space<hbm>>
    %dma_start3A_965 = arith.constant 0 : i32
    %dma_start3A_966 = arith.constant 0 : i32
    %dma_start3A_967 = tpu.memref_slice %arg6[%dma_start3A_956, %dma_start3A_965, %dma_start3A_966] : memref<6x128x128xf32, #tpu.memory_space<vmem>> -> memref<1x128x128xf32, #tpu.memory_space<vmem>>
    %dma_start3A_968 = tpu.memref_squeeze %dma_start3A_967 : memref<1x128x128xf32, #tpu.memory_space<vmem>> -> memref<128x128xf32, #tpu.memory_space<vmem>>
    tpu.enqueue_dma source(%dma_start3A_968 : memref<128x128xf32, #tpu.memory_space<vmem>>) target(%dma_start3A_964 : memref<128x128xf32, #tpu.memory_space<hbm>>) target_semaphore(%arg8 : memref<!tpu.dma_semaphore, #tpu.memory_space<semaphore_mem>>)
    %dma_wait3A_969 = arith.constant 4 : i32
    %dma_wait3A_970 = arith.constant 0 : i32
    %dma_wait3A_971 = arith.constant 0 : i32
    %dma_wait3A_972 = tpu.memref_slice %arg6[%dma_wait3A_969, %dma_wait3A_970, %dma_wait3A_971] : memref<6x128x128xf32, #tpu.memory_space<vmem>> -> memref<1x128x128xf32, #tpu.memory_space<vmem>>
    %dma_wait3A_973 = tpu.memref_squeeze %dma_wait3A_972 : memref<1x128x128xf32, #tpu.memory_space<vmem>> -> memref<128x128xf32, #tpu.memory_space<vmem>>
    %dma_wait3A_974 = arith.constant 0 : i32
    %dma_wait3A_975 = tpu.memref_slice %arg4[%add3A_805, %dma_wait3A_974] : memref<106496x128xf32, #tpu.memory_space<hbm>> -> memref<128x128xf32, #tpu.memory_space<hbm>>
    %dma_wait3A_976 = arith.constant 0 : i32
    %dma_wait3A_977 = tpu.memref_slice %arg4[%add3A_805, %dma_wait3A_976] : memref<106496x128xf32, #tpu.memory_space<hbm>> -> memref<128x128xf32, #tpu.memory_space<hbm>>
    %dma_wait3A_978 = arith.constant 0 : i32
    %dma_wait3A_979 = arith.constant 0 : i32
    %dma_wait3A_980 = tpu.memref_slice %arg6[%dma_wait3A_969, %dma_wait3A_978, %dma_wait3A_979] : memref<6x128x128xf32, #tpu.memory_space<vmem>> -> memref<1x128x128xf32, #tpu.memory_space<vmem>>
    %dma_wait3A_981 = tpu.memref_squeeze %dma_wait3A_980 : memref<1x128x128xf32, #tpu.memory_space<vmem>> -> memref<128x128xf32, #tpu.memory_space<vmem>>
    tpu.wait_dma2 semaphore(%arg8 : memref<!tpu.dma_semaphore, #tpu.memory_space<semaphore_mem>>) src(%dma_wait3A_981 : memref<128x128xf32, #tpu.memory_space<vmem>>) dst(%dma_wait3A_977 : memref<128x128xf32, #tpu.memory_space<hbm>>)
    %dma_start3A_982 = arith.constant 4 : i32
    %dma_start3A_983 = arith.constant 0 : i32
    %dma_start3A_984 = arith.constant 0 : i32
    %dma_start3A_985 = tpu.memref_slice %arg6[%dma_start3A_982, %dma_start3A_983, %dma_start3A_984] : memref<6x128x128xf32, #tpu.memory_space<vmem>> -> memref<1x128x128xf32, #tpu.memory_space<vmem>>
    %dma_start3A_986 = tpu.memref_squeeze %dma_start3A_985 : memref<1x128x128xf32, #tpu.memory_space<vmem>> -> memref<128x128xf32, #tpu.memory_space<vmem>>
    %dma_start3A_987 = arith.constant 2816 : i32
    %dma_start3A_988 = tpu.memref_slice %arg5[%dma_start3A_987] : memref<3328xi32, #tpu.memory_space<vmem>> -> memref<128xi32, #tpu.memory_space<vmem>>
    %dma_start3A_989 = arith.constant 0 : i32
    %dma_start3A_990 = arith.constant 0 : i32
    %dma_start3A_991 = tpu.memref_slice %arg2[%dma_start3A_989, %dma_start3A_990] : memref<1384448x128xf32, #tpu.memory_space<hbm>> -> memref<1384448x128xf32, #tpu.memory_space<hbm>>
    tpu.enqueue_indirect_dma source(%dma_start3A_991 : memref<1384448x128xf32, #tpu.memory_space<hbm>>) target(%dma_start3A_986 : memref<128x128xf32, #tpu.memory_space<vmem>>) offsets(%dma_start3A_988 : memref<128xi32, #tpu.memory_space<vmem>>) semaphore(%arg7 : memref<!tpu.dma_semaphore, #tpu.memory_space<semaphore_mem>>)
    %dma_wait3A_992 = arith.constant 2 : i32
    %dma_wait3A_993 = arith.constant 0 : i32
    %dma_wait3A_994 = arith.constant 0 : i32
    %dma_wait3A_995 = tpu.memref_slice %arg6[%dma_wait3A_992, %dma_wait3A_993, %dma_wait3A_994] : memref<6x128x128xf32, #tpu.memory_space<vmem>> -> memref<1x128x128xf32, #tpu.memory_space<vmem>>
    %dma_wait3A_996 = tpu.memref_squeeze %dma_wait3A_995 : memref<1x128x128xf32, #tpu.memory_space<vmem>> -> memref<128x128xf32, #tpu.memory_space<vmem>>
    %dma_wait3A_997 = arith.constant 2560 : i32
    %dma_wait3A_998 = tpu.memref_slice %arg5[%dma_wait3A_997] : memref<3328xi32, #tpu.memory_space<vmem>> -> memref<128xi32, #tpu.memory_space<vmem>>
    %dma_wait3A_999 = arith.constant 0 : i32
    %dma_wait3A_1000 = arith.constant 0 : i32
    %dma_wait3A_1001 = tpu.memref_slice %arg2[%dma_wait3A_999, %dma_wait3A_1000] : memref<1384448x128xf32, #tpu.memory_space<hbm>> -> memref<1384448x128xf32, #tpu.memory_space<hbm>>
    tpu.wait_indirect_dma semaphore(%arg7 : memref<!tpu.dma_semaphore, #tpu.memory_space<semaphore_mem>>) src(%dma_wait3A_1001 : memref<1384448x128xf32, #tpu.memory_space<hbm>>) dst(%dma_wait3A_996 : memref<128x128xf32, #tpu.memory_space<vmem>>)
    %mul3A_1002 = arith.constant 3328 : i32
    %mul3A_1003 = arith.muli %add3A, %mul3A_1002 : i32
    %add3A_1004 = arith.constant 2560 : i32
    %add3A_1005 = arith.addi %mul3A_1003, %add3A_1004 : i32
    %dma_start3A_1006 = arith.constant 2 : i32
    %dma_start3A_1007 = arith.constant 0 : i32
    %dma_start3A_1008 = arith.constant 0 : i32
    %dma_start3A_1009 = tpu.memref_slice %arg6[%dma_start3A_1006, %dma_start3A_1007, %dma_start3A_1008] : memref<6x128x128xf32, #tpu.memory_space<vmem>> -> memref<1x128x128xf32, #tpu.memory_space<vmem>>
    %dma_start3A_1010 = tpu.memref_squeeze %dma_start3A_1009 : memref<1x128x128xf32, #tpu.memory_space<vmem>> -> memref<128x128xf32, #tpu.memory_space<vmem>>
    %dma_start3A_1011 = arith.constant 0 : i32
    %dma_start3A_1012 = tpu.memref_slice %arg4[%add3A_1005, %dma_start3A_1011] : memref<106496x128xf32, #tpu.memory_space<hbm>> -> memref<128x128xf32, #tpu.memory_space<hbm>>
    %dma_start3A_1013 = arith.constant 0 : i32
    %dma_start3A_1014 = tpu.memref_slice %arg4[%add3A_1005, %dma_start3A_1013] : memref<106496x128xf32, #tpu.memory_space<hbm>> -> memref<128x128xf32, #tpu.memory_space<hbm>>
    %dma_start3A_1015 = arith.constant 0 : i32
    %dma_start3A_1016 = arith.constant 0 : i32
    %dma_start3A_1017 = tpu.memref_slice %arg6[%dma_start3A_1006, %dma_start3A_1015, %dma_start3A_1016] : memref<6x128x128xf32, #tpu.memory_space<vmem>> -> memref<1x128x128xf32, #tpu.memory_space<vmem>>
    %dma_start3A_1018 = tpu.memref_squeeze %dma_start3A_1017 : memref<1x128x128xf32, #tpu.memory_space<vmem>> -> memref<128x128xf32, #tpu.memory_space<vmem>>
    tpu.enqueue_dma source(%dma_start3A_1018 : memref<128x128xf32, #tpu.memory_space<vmem>>) target(%dma_start3A_1014 : memref<128x128xf32, #tpu.memory_space<hbm>>) target_semaphore(%arg8 : memref<!tpu.dma_semaphore, #tpu.memory_space<semaphore_mem>>)
    %dma_wait3A_1019 = arith.constant 5 : i32
    %dma_wait3A_1020 = arith.constant 0 : i32
    %dma_wait3A_1021 = arith.constant 0 : i32
    %dma_wait3A_1022 = tpu.memref_slice %arg6[%dma_wait3A_1019, %dma_wait3A_1020, %dma_wait3A_1021] : memref<6x128x128xf32, #tpu.memory_space<vmem>> -> memref<1x128x128xf32, #tpu.memory_space<vmem>>
    %dma_wait3A_1023 = tpu.memref_squeeze %dma_wait3A_1022 : memref<1x128x128xf32, #tpu.memory_space<vmem>> -> memref<128x128xf32, #tpu.memory_space<vmem>>
    %dma_wait3A_1024 = arith.constant 0 : i32
    %dma_wait3A_1025 = tpu.memref_slice %arg4[%add3A_855, %dma_wait3A_1024] : memref<106496x128xf32, #tpu.memory_space<hbm>> -> memref<128x128xf32, #tpu.memory_space<hbm>>
    %dma_wait3A_1026 = arith.constant 0 : i32
    %dma_wait3A_1027 = tpu.memref_slice %arg4[%add3A_855, %dma_wait3A_1026] : memref<106496x128xf32, #tpu.memory_space<hbm>> -> memref<128x128xf32, #tpu.memory_space<hbm>>
    %dma_wait3A_1028 = arith.constant 0 : i32
    %dma_wait3A_1029 = arith.constant 0 : i32
    %dma_wait3A_1030 = tpu.memref_slice %arg6[%dma_wait3A_1019, %dma_wait3A_1028, %dma_wait3A_1029] : memref<6x128x128xf32, #tpu.memory_space<vmem>> -> memref<1x128x128xf32, #tpu.memory_space<vmem>>
    %dma_wait3A_1031 = tpu.memref_squeeze %dma_wait3A_1030 : memref<1x128x128xf32, #tpu.memory_space<vmem>> -> memref<128x128xf32, #tpu.memory_space<vmem>>
    tpu.wait_dma2 semaphore(%arg8 : memref<!tpu.dma_semaphore, #tpu.memory_space<semaphore_mem>>) src(%dma_wait3A_1031 : memref<128x128xf32, #tpu.memory_space<vmem>>) dst(%dma_wait3A_1027 : memref<128x128xf32, #tpu.memory_space<hbm>>)
    %dma_start3A_1032 = arith.constant 5 : i32
    %dma_start3A_1033 = arith.constant 0 : i32
    %dma_start3A_1034 = arith.constant 0 : i32
    %dma_start3A_1035 = tpu.memref_slice %arg6[%dma_start3A_1032, %dma_start3A_1033, %dma_start3A_1034] : memref<6x128x128xf32, #tpu.memory_space<vmem>> -> memref<1x128x128xf32, #tpu.memory_space<vmem>>
    %dma_start3A_1036 = tpu.memref_squeeze %dma_start3A_1035 : memref<1x128x128xf32, #tpu.memory_space<vmem>> -> memref<128x128xf32, #tpu.memory_space<vmem>>
    %dma_start3A_1037 = arith.constant 2944 : i32
    %dma_start3A_1038 = tpu.memref_slice %arg5[%dma_start3A_1037] : memref<3328xi32, #tpu.memory_space<vmem>> -> memref<128xi32, #tpu.memory_space<vmem>>
    %dma_start3A_1039 = arith.constant 0 : i32
    %dma_start3A_1040 = arith.constant 0 : i32
    %dma_start3A_1041 = tpu.memref_slice %arg2[%dma_start3A_1039, %dma_start3A_1040] : memref<1384448x128xf32, #tpu.memory_space<hbm>> -> memref<1384448x128xf32, #tpu.memory_space<hbm>>
    tpu.enqueue_indirect_dma source(%dma_start3A_1041 : memref<1384448x128xf32, #tpu.memory_space<hbm>>) target(%dma_start3A_1036 : memref<128x128xf32, #tpu.memory_space<vmem>>) offsets(%dma_start3A_1038 : memref<128xi32, #tpu.memory_space<vmem>>) semaphore(%arg7 : memref<!tpu.dma_semaphore, #tpu.memory_space<semaphore_mem>>)
    %dma_wait3A_1042 = arith.constant 3 : i32
    %dma_wait3A_1043 = arith.constant 0 : i32
    %dma_wait3A_1044 = arith.constant 0 : i32
    %dma_wait3A_1045 = tpu.memref_slice %arg6[%dma_wait3A_1042, %dma_wait3A_1043, %dma_wait3A_1044] : memref<6x128x128xf32, #tpu.memory_space<vmem>> -> memref<1x128x128xf32, #tpu.memory_space<vmem>>
    %dma_wait3A_1046 = tpu.memref_squeeze %dma_wait3A_1045 : memref<1x128x128xf32, #tpu.memory_space<vmem>> -> memref<128x128xf32, #tpu.memory_space<vmem>>
    %dma_wait3A_1047 = arith.constant 2688 : i32
    %dma_wait3A_1048 = tpu.memref_slice %arg5[%dma_wait3A_1047] : memref<3328xi32, #tpu.memory_space<vmem>> -> memref<128xi32, #tpu.memory_space<vmem>>
    %dma_wait3A_1049 = arith.constant 0 : i32
    %dma_wait3A_1050 = arith.constant 0 : i32
    %dma_wait3A_1051 = tpu.memref_slice %arg2[%dma_wait3A_1049, %dma_wait3A_1050] : memref<1384448x128xf32, #tpu.memory_space<hbm>> -> memref<1384448x128xf32, #tpu.memory_space<hbm>>
    tpu.wait_indirect_dma semaphore(%arg7 : memref<!tpu.dma_semaphore, #tpu.memory_space<semaphore_mem>>) src(%dma_wait3A_1051 : memref<1384448x128xf32, #tpu.memory_space<hbm>>) dst(%dma_wait3A_1046 : memref<128x128xf32, #tpu.memory_space<vmem>>)
    %mul3A_1052 = arith.constant 3328 : i32
    %mul3A_1053 = arith.muli %add3A, %mul3A_1052 : i32
    %add3A_1054 = arith.constant 2688 : i32
    %add3A_1055 = arith.addi %mul3A_1053, %add3A_1054 : i32
    %dma_start3A_1056 = arith.constant 3 : i32
    %dma_start3A_1057 = arith.constant 0 : i32
    %dma_start3A_1058 = arith.constant 0 : i32
    %dma_start3A_1059 = tpu.memref_slice %arg6[%dma_start3A_1056, %dma_start3A_1057, %dma_start3A_1058] : memref<6x128x128xf32, #tpu.memory_space<vmem>> -> memref<1x128x128xf32, #tpu.memory_space<vmem>>
    %dma_start3A_1060 = tpu.memref_squeeze %dma_start3A_1059 : memref<1x128x128xf32, #tpu.memory_space<vmem>> -> memref<128x128xf32, #tpu.memory_space<vmem>>
    %dma_start3A_1061 = arith.constant 0 : i32
    %dma_start3A_1062 = tpu.memref_slice %arg4[%add3A_1055, %dma_start3A_1061] : memref<106496x128xf32, #tpu.memory_space<hbm>> -> memref<128x128xf32, #tpu.memory_space<hbm>>
    %dma_start3A_1063 = arith.constant 0 : i32
    %dma_start3A_1064 = tpu.memref_slice %arg4[%add3A_1055, %dma_start3A_1063] : memref<106496x128xf32, #tpu.memory_space<hbm>> -> memref<128x128xf32, #tpu.memory_space<hbm>>
    %dma_start3A_1065 = arith.constant 0 : i32
    %dma_start3A_1066 = arith.constant 0 : i32
    %dma_start3A_1067 = tpu.memref_slice %arg6[%dma_start3A_1056, %dma_start3A_1065, %dma_start3A_1066] : memref<6x128x128xf32, #tpu.memory_space<vmem>> -> memref<1x128x128xf32, #tpu.memory_space<vmem>>
    %dma_start3A_1068 = tpu.memref_squeeze %dma_start3A_1067 : memref<1x128x128xf32, #tpu.memory_space<vmem>> -> memref<128x128xf32, #tpu.memory_space<vmem>>
    tpu.enqueue_dma source(%dma_start3A_1068 : memref<128x128xf32, #tpu.memory_space<vmem>>) target(%dma_start3A_1064 : memref<128x128xf32, #tpu.memory_space<hbm>>) target_semaphore(%arg8 : memref<!tpu.dma_semaphore, #tpu.memory_space<semaphore_mem>>)
    %dma_wait3A_1069 = arith.constant 0 : i32
    %dma_wait3A_1070 = arith.constant 0 : i32
    %dma_wait3A_1071 = arith.constant 0 : i32
    %dma_wait3A_1072 = tpu.memref_slice %arg6[%dma_wait3A_1069, %dma_wait3A_1070, %dma_wait3A_1071] : memref<6x128x128xf32, #tpu.memory_space<vmem>> -> memref<1x128x128xf32, #tpu.memory_space<vmem>>
    %dma_wait3A_1073 = tpu.memref_squeeze %dma_wait3A_1072 : memref<1x128x128xf32, #tpu.memory_space<vmem>> -> memref<128x128xf32, #tpu.memory_space<vmem>>
    %dma_wait3A_1074 = arith.constant 0 : i32
    %dma_wait3A_1075 = tpu.memref_slice %arg4[%add3A_905, %dma_wait3A_1074] : memref<106496x128xf32, #tpu.memory_space<hbm>> -> memref<128x128xf32, #tpu.memory_space<hbm>>
    %dma_wait3A_1076 = arith.constant 0 : i32
    %dma_wait3A_1077 = tpu.memref_slice %arg4[%add3A_905, %dma_wait3A_1076] : memref<106496x128xf32, #tpu.memory_space<hbm>> -> memref<128x128xf32, #tpu.memory_space<hbm>>
    %dma_wait3A_1078 = arith.constant 0 : i32
    %dma_wait3A_1079 = arith.constant 0 : i32
    %dma_wait3A_1080 = tpu.memref_slice %arg6[%dma_wait3A_1069, %dma_wait3A_1078, %dma_wait3A_1079] : memref<6x128x128xf32, #tpu.memory_space<vmem>> -> memref<1x128x128xf32, #tpu.memory_space<vmem>>
    %dma_wait3A_1081 = tpu.memref_squeeze %dma_wait3A_1080 : memref<1x128x128xf32, #tpu.memory_space<vmem>> -> memref<128x128xf32, #tpu.memory_space<vmem>>
    tpu.wait_dma2 semaphore(%arg8 : memref<!tpu.dma_semaphore, #tpu.memory_space<semaphore_mem>>) src(%dma_wait3A_1081 : memref<128x128xf32, #tpu.memory_space<vmem>>) dst(%dma_wait3A_1077 : memref<128x128xf32, #tpu.memory_space<hbm>>)
    %dma_start3A_1082 = arith.constant 0 : i32
    %dma_start3A_1083 = arith.constant 0 : i32
    %dma_start3A_1084 = arith.constant 0 : i32
    %dma_start3A_1085 = tpu.memref_slice %arg6[%dma_start3A_1082, %dma_start3A_1083, %dma_start3A_1084] : memref<6x128x128xf32, #tpu.memory_space<vmem>> -> memref<1x128x128xf32, #tpu.memory_space<vmem>>
    %dma_start3A_1086 = tpu.memref_squeeze %dma_start3A_1085 : memref<1x128x128xf32, #tpu.memory_space<vmem>> -> memref<128x128xf32, #tpu.memory_space<vmem>>
    %dma_start3A_1087 = arith.constant 3072 : i32
    %dma_start3A_1088 = tpu.memref_slice %arg5[%dma_start3A_1087] : memref<3328xi32, #tpu.memory_space<vmem>> -> memref<128xi32, #tpu.memory_space<vmem>>
    %dma_start3A_1089 = arith.constant 0 : i32
    %dma_start3A_1090 = arith.constant 0 : i32
    %dma_start3A_1091 = tpu.memref_slice %arg2[%dma_start3A_1089, %dma_start3A_1090] : memref<1384448x128xf32, #tpu.memory_space<hbm>> -> memref<1384448x128xf32, #tpu.memory_space<hbm>>
    tpu.enqueue_indirect_dma source(%dma_start3A_1091 : memref<1384448x128xf32, #tpu.memory_space<hbm>>) target(%dma_start3A_1086 : memref<128x128xf32, #tpu.memory_space<vmem>>) offsets(%dma_start3A_1088 : memref<128xi32, #tpu.memory_space<vmem>>) semaphore(%arg7 : memref<!tpu.dma_semaphore, #tpu.memory_space<semaphore_mem>>)
    %dma_wait3A_1092 = arith.constant 4 : i32
    %dma_wait3A_1093 = arith.constant 0 : i32
    %dma_wait3A_1094 = arith.constant 0 : i32
    %dma_wait3A_1095 = tpu.memref_slice %arg6[%dma_wait3A_1092, %dma_wait3A_1093, %dma_wait3A_1094] : memref<6x128x128xf32, #tpu.memory_space<vmem>> -> memref<1x128x128xf32, #tpu.memory_space<vmem>>
    %dma_wait3A_1096 = tpu.memref_squeeze %dma_wait3A_1095 : memref<1x128x128xf32, #tpu.memory_space<vmem>> -> memref<128x128xf32, #tpu.memory_space<vmem>>
    %dma_wait3A_1097 = arith.constant 2816 : i32
    %dma_wait3A_1098 = tpu.memref_slice %arg5[%dma_wait3A_1097] : memref<3328xi32, #tpu.memory_space<vmem>> -> memref<128xi32, #tpu.memory_space<vmem>>
    %dma_wait3A_1099 = arith.constant 0 : i32
    %dma_wait3A_1100 = arith.constant 0 : i32
    %dma_wait3A_1101 = tpu.memref_slice %arg2[%dma_wait3A_1099, %dma_wait3A_1100] : memref<1384448x128xf32, #tpu.memory_space<hbm>> -> memref<1384448x128xf32, #tpu.memory_space<hbm>>
    tpu.wait_indirect_dma semaphore(%arg7 : memref<!tpu.dma_semaphore, #tpu.memory_space<semaphore_mem>>) src(%dma_wait3A_1101 : memref<1384448x128xf32, #tpu.memory_space<hbm>>) dst(%dma_wait3A_1096 : memref<128x128xf32, #tpu.memory_space<vmem>>)
    %mul3A_1102 = arith.constant 3328 : i32
    %mul3A_1103 = arith.muli %add3A, %mul3A_1102 : i32
    %add3A_1104 = arith.constant 2816 : i32
    %add3A_1105 = arith.addi %mul3A_1103, %add3A_1104 : i32
    %dma_start3A_1106 = arith.constant 4 : i32
    %dma_start3A_1107 = arith.constant 0 : i32
    %dma_start3A_1108 = arith.constant 0 : i32
    %dma_start3A_1109 = tpu.memref_slice %arg6[%dma_start3A_1106, %dma_start3A_1107, %dma_start3A_1108] : memref<6x128x128xf32, #tpu.memory_space<vmem>> -> memref<1x128x128xf32, #tpu.memory_space<vmem>>
    %dma_start3A_1110 = tpu.memref_squeeze %dma_start3A_1109 : memref<1x128x128xf32, #tpu.memory_space<vmem>> -> memref<128x128xf32, #tpu.memory_space<vmem>>
    %dma_start3A_1111 = arith.constant 0 : i32
    %dma_start3A_1112 = tpu.memref_slice %arg4[%add3A_1105, %dma_start3A_1111] : memref<106496x128xf32, #tpu.memory_space<hbm>> -> memref<128x128xf32, #tpu.memory_space<hbm>>
    %dma_start3A_1113 = arith.constant 0 : i32
    %dma_start3A_1114 = tpu.memref_slice %arg4[%add3A_1105, %dma_start3A_1113] : memref<106496x128xf32, #tpu.memory_space<hbm>> -> memref<128x128xf32, #tpu.memory_space<hbm>>
    %dma_start3A_1115 = arith.constant 0 : i32
    %dma_start3A_1116 = arith.constant 0 : i32
    %dma_start3A_1117 = tpu.memref_slice %arg6[%dma_start3A_1106, %dma_start3A_1115, %dma_start3A_1116] : memref<6x128x128xf32, #tpu.memory_space<vmem>> -> memref<1x128x128xf32, #tpu.memory_space<vmem>>
    %dma_start3A_1118 = tpu.memref_squeeze %dma_start3A_1117 : memref<1x128x128xf32, #tpu.memory_space<vmem>> -> memref<128x128xf32, #tpu.memory_space<vmem>>
    tpu.enqueue_dma source(%dma_start3A_1118 : memref<128x128xf32, #tpu.memory_space<vmem>>) target(%dma_start3A_1114 : memref<128x128xf32, #tpu.memory_space<hbm>>) target_semaphore(%arg8 : memref<!tpu.dma_semaphore, #tpu.memory_space<semaphore_mem>>)
    %dma_wait3A_1119 = arith.constant 1 : i32
    %dma_wait3A_1120 = arith.constant 0 : i32
    %dma_wait3A_1121 = arith.constant 0 : i32
    %dma_wait3A_1122 = tpu.memref_slice %arg6[%dma_wait3A_1119, %dma_wait3A_1120, %dma_wait3A_1121] : memref<6x128x128xf32, #tpu.memory_space<vmem>> -> memref<1x128x128xf32, #tpu.memory_space<vmem>>
    %dma_wait3A_1123 = tpu.memref_squeeze %dma_wait3A_1122 : memref<1x128x128xf32, #tpu.memory_space<vmem>> -> memref<128x128xf32, #tpu.memory_space<vmem>>
    %dma_wait3A_1124 = arith.constant 0 : i32
    %dma_wait3A_1125 = tpu.memref_slice %arg4[%add3A_955, %dma_wait3A_1124] : memref<106496x128xf32, #tpu.memory_space<hbm>> -> memref<128x128xf32, #tpu.memory_space<hbm>>
    %dma_wait3A_1126 = arith.constant 0 : i32
    %dma_wait3A_1127 = tpu.memref_slice %arg4[%add3A_955, %dma_wait3A_1126] : memref<106496x128xf32, #tpu.memory_space<hbm>> -> memref<128x128xf32, #tpu.memory_space<hbm>>
    %dma_wait3A_1128 = arith.constant 0 : i32
    %dma_wait3A_1129 = arith.constant 0 : i32
    %dma_wait3A_1130 = tpu.memref_slice %arg6[%dma_wait3A_1119, %dma_wait3A_1128, %dma_wait3A_1129] : memref<6x128x128xf32, #tpu.memory_space<vmem>> -> memref<1x128x128xf32, #tpu.memory_space<vmem>>
    %dma_wait3A_1131 = tpu.memref_squeeze %dma_wait3A_1130 : memref<1x128x128xf32, #tpu.memory_space<vmem>> -> memref<128x128xf32, #tpu.memory_space<vmem>>
    tpu.wait_dma2 semaphore(%arg8 : memref<!tpu.dma_semaphore, #tpu.memory_space<semaphore_mem>>) src(%dma_wait3A_1131 : memref<128x128xf32, #tpu.memory_space<vmem>>) dst(%dma_wait3A_1127 : memref<128x128xf32, #tpu.memory_space<hbm>>)
    %dma_start3A_1132 = arith.constant 1 : i32
    %dma_start3A_1133 = arith.constant 0 : i32
    %dma_start3A_1134 = arith.constant 0 : i32
    %dma_start3A_1135 = tpu.memref_slice %arg6[%dma_start3A_1132, %dma_start3A_1133, %dma_start3A_1134] : memref<6x128x128xf32, #tpu.memory_space<vmem>> -> memref<1x128x128xf32, #tpu.memory_space<vmem>>
    %dma_start3A_1136 = tpu.memref_squeeze %dma_start3A_1135 : memref<1x128x128xf32, #tpu.memory_space<vmem>> -> memref<128x128xf32, #tpu.memory_space<vmem>>
    %dma_start3A_1137 = arith.constant 3200 : i32
    %dma_start3A_1138 = tpu.memref_slice %arg5[%dma_start3A_1137] : memref<3328xi32, #tpu.memory_space<vmem>> -> memref<128xi32, #tpu.memory_space<vmem>>
    %dma_start3A_1139 = arith.constant 0 : i32
    %dma_start3A_1140 = arith.constant 0 : i32
    %dma_start3A_1141 = tpu.memref_slice %arg2[%dma_start3A_1139, %dma_start3A_1140] : memref<1384448x128xf32, #tpu.memory_space<hbm>> -> memref<1384448x128xf32, #tpu.memory_space<hbm>>
    tpu.enqueue_indirect_dma source(%dma_start3A_1141 : memref<1384448x128xf32, #tpu.memory_space<hbm>>) target(%dma_start3A_1136 : memref<128x128xf32, #tpu.memory_space<vmem>>) offsets(%dma_start3A_1138 : memref<128xi32, #tpu.memory_space<vmem>>) semaphore(%arg7 : memref<!tpu.dma_semaphore, #tpu.memory_space<semaphore_mem>>)
    %dma_wait3A_1142 = arith.constant 5 : i32
    %dma_wait3A_1143 = arith.constant 0 : i32
    %dma_wait3A_1144 = arith.constant 0 : i32
    %dma_wait3A_1145 = tpu.memref_slice %arg6[%dma_wait3A_1142, %dma_wait3A_1143, %dma_wait3A_1144] : memref<6x128x128xf32, #tpu.memory_space<vmem>> -> memref<1x128x128xf32, #tpu.memory_space<vmem>>
    %dma_wait3A_1146 = tpu.memref_squeeze %dma_wait3A_1145 : memref<1x128x128xf32, #tpu.memory_space<vmem>> -> memref<128x128xf32, #tpu.memory_space<vmem>>
    %dma_wait3A_1147 = arith.constant 2944 : i32
    %dma_wait3A_1148 = tpu.memref_slice %arg5[%dma_wait3A_1147] : memref<3328xi32, #tpu.memory_space<vmem>> -> memref<128xi32, #tpu.memory_space<vmem>>
    %dma_wait3A_1149 = arith.constant 0 : i32
    %dma_wait3A_1150 = arith.constant 0 : i32
    %dma_wait3A_1151 = tpu.memref_slice %arg2[%dma_wait3A_1149, %dma_wait3A_1150] : memref<1384448x128xf32, #tpu.memory_space<hbm>> -> memref<1384448x128xf32, #tpu.memory_space<hbm>>
    tpu.wait_indirect_dma semaphore(%arg7 : memref<!tpu.dma_semaphore, #tpu.memory_space<semaphore_mem>>) src(%dma_wait3A_1151 : memref<1384448x128xf32, #tpu.memory_space<hbm>>) dst(%dma_wait3A_1146 : memref<128x128xf32, #tpu.memory_space<vmem>>)
    %mul3A_1152 = arith.constant 3328 : i32
    %mul3A_1153 = arith.muli %add3A, %mul3A_1152 : i32
    %add3A_1154 = arith.constant 2944 : i32
    %add3A_1155 = arith.addi %mul3A_1153, %add3A_1154 : i32
    %dma_start3A_1156 = arith.constant 5 : i32
    %dma_start3A_1157 = arith.constant 0 : i32
    %dma_start3A_1158 = arith.constant 0 : i32
    %dma_start3A_1159 = tpu.memref_slice %arg6[%dma_start3A_1156, %dma_start3A_1157, %dma_start3A_1158] : memref<6x128x128xf32, #tpu.memory_space<vmem>> -> memref<1x128x128xf32, #tpu.memory_space<vmem>>
    %dma_start3A_1160 = tpu.memref_squeeze %dma_start3A_1159 : memref<1x128x128xf32, #tpu.memory_space<vmem>> -> memref<128x128xf32, #tpu.memory_space<vmem>>
    %dma_start3A_1161 = arith.constant 0 : i32
    %dma_start3A_1162 = tpu.memref_slice %arg4[%add3A_1155, %dma_start3A_1161] : memref<106496x128xf32, #tpu.memory_space<hbm>> -> memref<128x128xf32, #tpu.memory_space<hbm>>
    %dma_start3A_1163 = arith.constant 0 : i32
    %dma_start3A_1164 = tpu.memref_slice %arg4[%add3A_1155, %dma_start3A_1163] : memref<106496x128xf32, #tpu.memory_space<hbm>> -> memref<128x128xf32, #tpu.memory_space<hbm>>
    %dma_start3A_1165 = arith.constant 0 : i32
    %dma_start3A_1166 = arith.constant 0 : i32
    %dma_start3A_1167 = tpu.memref_slice %arg6[%dma_start3A_1156, %dma_start3A_1165, %dma_start3A_1166] : memref<6x128x128xf32, #tpu.memory_space<vmem>> -> memref<1x128x128xf32, #tpu.memory_space<vmem>>
    %dma_start3A_1168 = tpu.memref_squeeze %dma_start3A_1167 : memref<1x128x128xf32, #tpu.memory_space<vmem>> -> memref<128x128xf32, #tpu.memory_space<vmem>>
    tpu.enqueue_dma source(%dma_start3A_1168 : memref<128x128xf32, #tpu.memory_space<vmem>>) target(%dma_start3A_1164 : memref<128x128xf32, #tpu.memory_space<hbm>>) target_semaphore(%arg8 : memref<!tpu.dma_semaphore, #tpu.memory_space<semaphore_mem>>)
    %dma_wait3A_1169 = arith.constant 0 : i32
    %dma_wait3A_1170 = arith.constant 0 : i32
    %dma_wait3A_1171 = arith.constant 0 : i32
    %dma_wait3A_1172 = tpu.memref_slice %arg6[%dma_wait3A_1169, %dma_wait3A_1170, %dma_wait3A_1171] : memref<6x128x128xf32, #tpu.memory_space<vmem>> -> memref<1x128x128xf32, #tpu.memory_space<vmem>>
    %dma_wait3A_1173 = tpu.memref_squeeze %dma_wait3A_1172 : memref<1x128x128xf32, #tpu.memory_space<vmem>> -> memref<128x128xf32, #tpu.memory_space<vmem>>
    %dma_wait3A_1174 = arith.constant 3072 : i32
    %dma_wait3A_1175 = tpu.memref_slice %arg5[%dma_wait3A_1174] : memref<3328xi32, #tpu.memory_space<vmem>> -> memref<128xi32, #tpu.memory_space<vmem>>
    %dma_wait3A_1176 = arith.constant 0 : i32
    %dma_wait3A_1177 = arith.constant 0 : i32
    %dma_wait3A_1178 = tpu.memref_slice %arg2[%dma_wait3A_1176, %dma_wait3A_1177] : memref<1384448x128xf32, #tpu.memory_space<hbm>> -> memref<1384448x128xf32, #tpu.memory_space<hbm>>
    tpu.wait_indirect_dma semaphore(%arg7 : memref<!tpu.dma_semaphore, #tpu.memory_space<semaphore_mem>>) src(%dma_wait3A_1178 : memref<1384448x128xf32, #tpu.memory_space<hbm>>) dst(%dma_wait3A_1173 : memref<128x128xf32, #tpu.memory_space<vmem>>)
    %mul3A_1179 = arith.constant 3328 : i32
    %mul3A_1180 = arith.muli %add3A, %mul3A_1179 : i32
    %add3A_1181 = arith.constant 3072 : i32
    %add3A_1182 = arith.addi %mul3A_1180, %add3A_1181 : i32
    %dma_start3A_1183 = arith.constant 0 : i32
    %dma_start3A_1184 = arith.constant 0 : i32
    %dma_start3A_1185 = arith.constant 0 : i32
    %dma_start3A_1186 = tpu.memref_slice %arg6[%dma_start3A_1183, %dma_start3A_1184, %dma_start3A_1185] : memref<6x128x128xf32, #tpu.memory_space<vmem>> -> memref<1x128x128xf32, #tpu.memory_space<vmem>>
    %dma_start3A_1187 = tpu.memref_squeeze %dma_start3A_1186 : memref<1x128x128xf32, #tpu.memory_space<vmem>> -> memref<128x128xf32, #tpu.memory_space<vmem>>
    %dma_start3A_1188 = arith.constant 0 : i32
    %dma_start3A_1189 = tpu.memref_slice %arg4[%add3A_1182, %dma_start3A_1188] : memref<106496x128xf32, #tpu.memory_space<hbm>> -> memref<128x128xf32, #tpu.memory_space<hbm>>
    %dma_start3A_1190 = arith.constant 0 : i32
    %dma_start3A_1191 = tpu.memref_slice %arg4[%add3A_1182, %dma_start3A_1190] : memref<106496x128xf32, #tpu.memory_space<hbm>> -> memref<128x128xf32, #tpu.memory_space<hbm>>
    %dma_start3A_1192 = arith.constant 0 : i32
    %dma_start3A_1193 = arith.constant 0 : i32
    %dma_start3A_1194 = tpu.memref_slice %arg6[%dma_start3A_1183, %dma_start3A_1192, %dma_start3A_1193] : memref<6x128x128xf32, #tpu.memory_space<vmem>> -> memref<1x128x128xf32, #tpu.memory_space<vmem>>
    %dma_start3A_1195 = tpu.memref_squeeze %dma_start3A_1194 : memref<1x128x128xf32, #tpu.memory_space<vmem>> -> memref<128x128xf32, #tpu.memory_space<vmem>>
    tpu.enqueue_dma source(%dma_start3A_1195 : memref<128x128xf32, #tpu.memory_space<vmem>>) target(%dma_start3A_1191 : memref<128x128xf32, #tpu.memory_space<hbm>>) target_semaphore(%arg8 : memref<!tpu.dma_semaphore, #tpu.memory_space<semaphore_mem>>)
    %dma_wait3A_1196 = arith.constant 1 : i32
    %dma_wait3A_1197 = arith.constant 0 : i32
    %dma_wait3A_1198 = arith.constant 0 : i32
    %dma_wait3A_1199 = tpu.memref_slice %arg6[%dma_wait3A_1196, %dma_wait3A_1197, %dma_wait3A_1198] : memref<6x128x128xf32, #tpu.memory_space<vmem>> -> memref<1x128x128xf32, #tpu.memory_space<vmem>>
    %dma_wait3A_1200 = tpu.memref_squeeze %dma_wait3A_1199 : memref<1x128x128xf32, #tpu.memory_space<vmem>> -> memref<128x128xf32, #tpu.memory_space<vmem>>
    %dma_wait3A_1201 = arith.constant 3200 : i32
    %dma_wait3A_1202 = tpu.memref_slice %arg5[%dma_wait3A_1201] : memref<3328xi32, #tpu.memory_space<vmem>> -> memref<128xi32, #tpu.memory_space<vmem>>
    %dma_wait3A_1203 = arith.constant 0 : i32
    %dma_wait3A_1204 = arith.constant 0 : i32
    %dma_wait3A_1205 = tpu.memref_slice %arg2[%dma_wait3A_1203, %dma_wait3A_1204] : memref<1384448x128xf32, #tpu.memory_space<hbm>> -> memref<1384448x128xf32, #tpu.memory_space<hbm>>
    tpu.wait_indirect_dma semaphore(%arg7 : memref<!tpu.dma_semaphore, #tpu.memory_space<semaphore_mem>>) src(%dma_wait3A_1205 : memref<1384448x128xf32, #tpu.memory_space<hbm>>) dst(%dma_wait3A_1200 : memref<128x128xf32, #tpu.memory_space<vmem>>)
    %mul3A_1206 = arith.constant 3328 : i32
    %mul3A_1207 = arith.muli %add3A, %mul3A_1206 : i32
    %add3A_1208 = arith.constant 3200 : i32
    %add3A_1209 = arith.addi %mul3A_1207, %add3A_1208 : i32
    %dma_start3A_1210 = arith.constant 1 : i32
    %dma_start3A_1211 = arith.constant 0 : i32
    %dma_start3A_1212 = arith.constant 0 : i32
    %dma_start3A_1213 = tpu.memref_slice %arg6[%dma_start3A_1210, %dma_start3A_1211, %dma_start3A_1212] : memref<6x128x128xf32, #tpu.memory_space<vmem>> -> memref<1x128x128xf32, #tpu.memory_space<vmem>>
    %dma_start3A_1214 = tpu.memref_squeeze %dma_start3A_1213 : memref<1x128x128xf32, #tpu.memory_space<vmem>> -> memref<128x128xf32, #tpu.memory_space<vmem>>
    %dma_start3A_1215 = arith.constant 0 : i32
    %dma_start3A_1216 = tpu.memref_slice %arg4[%add3A_1209, %dma_start3A_1215] : memref<106496x128xf32, #tpu.memory_space<hbm>> -> memref<128x128xf32, #tpu.memory_space<hbm>>
    %dma_start3A_1217 = arith.constant 0 : i32
    %dma_start3A_1218 = tpu.memref_slice %arg4[%add3A_1209, %dma_start3A_1217] : memref<106496x128xf32, #tpu.memory_space<hbm>> -> memref<128x128xf32, #tpu.memory_space<hbm>>
    %dma_start3A_1219 = arith.constant 0 : i32
    %dma_start3A_1220 = arith.constant 0 : i32
    %dma_start3A_1221 = tpu.memref_slice %arg6[%dma_start3A_1210, %dma_start3A_1219, %dma_start3A_1220] : memref<6x128x128xf32, #tpu.memory_space<vmem>> -> memref<1x128x128xf32, #tpu.memory_space<vmem>>
    %dma_start3A_1222 = tpu.memref_squeeze %dma_start3A_1221 : memref<1x128x128xf32, #tpu.memory_space<vmem>> -> memref<128x128xf32, #tpu.memory_space<vmem>>
    tpu.enqueue_dma source(%dma_start3A_1222 : memref<128x128xf32, #tpu.memory_space<vmem>>) target(%dma_start3A_1218 : memref<128x128xf32, #tpu.memory_space<hbm>>) target_semaphore(%arg8 : memref<!tpu.dma_semaphore, #tpu.memory_space<semaphore_mem>>)
    %dma_wait3A_1223 = arith.constant 2 : i32
    %dma_wait3A_1224 = arith.constant 0 : i32
    %dma_wait3A_1225 = arith.constant 0 : i32
    %dma_wait3A_1226 = tpu.memref_slice %arg6[%dma_wait3A_1223, %dma_wait3A_1224, %dma_wait3A_1225] : memref<6x128x128xf32, #tpu.memory_space<vmem>> -> memref<1x128x128xf32, #tpu.memory_space<vmem>>
    %dma_wait3A_1227 = tpu.memref_squeeze %dma_wait3A_1226 : memref<1x128x128xf32, #tpu.memory_space<vmem>> -> memref<128x128xf32, #tpu.memory_space<vmem>>
    %dma_wait3A_1228 = arith.constant 0 : i32
    %dma_wait3A_1229 = tpu.memref_slice %arg4[%add3A_1005, %dma_wait3A_1228] : memref<106496x128xf32, #tpu.memory_space<hbm>> -> memref<128x128xf32, #tpu.memory_space<hbm>>
    %dma_wait3A_1230 = arith.constant 0 : i32
    %dma_wait3A_1231 = tpu.memref_slice %arg4[%add3A_1005, %dma_wait3A_1230] : memref<106496x128xf32, #tpu.memory_space<hbm>> -> memref<128x128xf32, #tpu.memory_space<hbm>>
    %dma_wait3A_1232 = arith.constant 0 : i32
    %dma_wait3A_1233 = arith.constant 0 : i32
    %dma_wait3A_1234 = tpu.memref_slice %arg6[%dma_wait3A_1223, %dma_wait3A_1232, %dma_wait3A_1233] : memref<6x128x128xf32, #tpu.memory_space<vmem>> -> memref<1x128x128xf32, #tpu.memory_space<vmem>>
    %dma_wait3A_1235 = tpu.memref_squeeze %dma_wait3A_1234 : memref<1x128x128xf32, #tpu.memory_space<vmem>> -> memref<128x128xf32, #tpu.memory_space<vmem>>
    tpu.wait_dma2 semaphore(%arg8 : memref<!tpu.dma_semaphore, #tpu.memory_space<semaphore_mem>>) src(%dma_wait3A_1235 : memref<128x128xf32, #tpu.memory_space<vmem>>) dst(%dma_wait3A_1231 : memref<128x128xf32, #tpu.memory_space<hbm>>)
    %dma_wait3A_1236 = arith.constant 3 : i32
    %dma_wait3A_1237 = arith.constant 0 : i32
    %dma_wait3A_1238 = arith.constant 0 : i32
    %dma_wait3A_1239 = tpu.memref_slice %arg6[%dma_wait3A_1236, %dma_wait3A_1237, %dma_wait3A_1238] : memref<6x128x128xf32, #tpu.memory_space<vmem>> -> memref<1x128x128xf32, #tpu.memory_space<vmem>>
    %dma_wait3A_1240 = tpu.memref_squeeze %dma_wait3A_1239 : memref<1x128x128xf32, #tpu.memory_space<vmem>> -> memref<128x128xf32, #tpu.memory_space<vmem>>
    %dma_wait3A_1241 = arith.constant 0 : i32
    %dma_wait3A_1242 = tpu.memref_slice %arg4[%add3A_1055, %dma_wait3A_1241] : memref<106496x128xf32, #tpu.memory_space<hbm>> -> memref<128x128xf32, #tpu.memory_space<hbm>>
    %dma_wait3A_1243 = arith.constant 0 : i32
    %dma_wait3A_1244 = tpu.memref_slice %arg4[%add3A_1055, %dma_wait3A_1243] : memref<106496x128xf32, #tpu.memory_space<hbm>> -> memref<128x128xf32, #tpu.memory_space<hbm>>
    %dma_wait3A_1245 = arith.constant 0 : i32
    %dma_wait3A_1246 = arith.constant 0 : i32
    %dma_wait3A_1247 = tpu.memref_slice %arg6[%dma_wait3A_1236, %dma_wait3A_1245, %dma_wait3A_1246] : memref<6x128x128xf32, #tpu.memory_space<vmem>> -> memref<1x128x128xf32, #tpu.memory_space<vmem>>
    %dma_wait3A_1248 = tpu.memref_squeeze %dma_wait3A_1247 : memref<1x128x128xf32, #tpu.memory_space<vmem>> -> memref<128x128xf32, #tpu.memory_space<vmem>>
    tpu.wait_dma2 semaphore(%arg8 : memref<!tpu.dma_semaphore, #tpu.memory_space<semaphore_mem>>) src(%dma_wait3A_1248 : memref<128x128xf32, #tpu.memory_space<vmem>>) dst(%dma_wait3A_1244 : memref<128x128xf32, #tpu.memory_space<hbm>>)
    %dma_wait3A_1249 = arith.constant 4 : i32
    %dma_wait3A_1250 = arith.constant 0 : i32
    %dma_wait3A_1251 = arith.constant 0 : i32
    %dma_wait3A_1252 = tpu.memref_slice %arg6[%dma_wait3A_1249, %dma_wait3A_1250, %dma_wait3A_1251] : memref<6x128x128xf32, #tpu.memory_space<vmem>> -> memref<1x128x128xf32, #tpu.memory_space<vmem>>
    %dma_wait3A_1253 = tpu.memref_squeeze %dma_wait3A_1252 : memref<1x128x128xf32, #tpu.memory_space<vmem>> -> memref<128x128xf32, #tpu.memory_space<vmem>>
    %dma_wait3A_1254 = arith.constant 0 : i32
    %dma_wait3A_1255 = tpu.memref_slice %arg4[%add3A_1105, %dma_wait3A_1254] : memref<106496x128xf32, #tpu.memory_space<hbm>> -> memref<128x128xf32, #tpu.memory_space<hbm>>
    %dma_wait3A_1256 = arith.constant 0 : i32
    %dma_wait3A_1257 = tpu.memref_slice %arg4[%add3A_1105, %dma_wait3A_1256] : memref<106496x128xf32, #tpu.memory_space<hbm>> -> memref<128x128xf32, #tpu.memory_space<hbm>>
    %dma_wait3A_1258 = arith.constant 0 : i32
    %dma_wait3A_1259 = arith.constant 0 : i32
    %dma_wait3A_1260 = tpu.memref_slice %arg6[%dma_wait3A_1249, %dma_wait3A_1258, %dma_wait3A_1259] : memref<6x128x128xf32, #tpu.memory_space<vmem>> -> memref<1x128x128xf32, #tpu.memory_space<vmem>>
    %dma_wait3A_1261 = tpu.memref_squeeze %dma_wait3A_1260 : memref<1x128x128xf32, #tpu.memory_space<vmem>> -> memref<128x128xf32, #tpu.memory_space<vmem>>
    tpu.wait_dma2 semaphore(%arg8 : memref<!tpu.dma_semaphore, #tpu.memory_space<semaphore_mem>>) src(%dma_wait3A_1261 : memref<128x128xf32, #tpu.memory_space<vmem>>) dst(%dma_wait3A_1257 : memref<128x128xf32, #tpu.memory_space<hbm>>)
    %dma_wait3A_1262 = arith.constant 5 : i32
    %dma_wait3A_1263 = arith.constant 0 : i32
    %dma_wait3A_1264 = arith.constant 0 : i32
    %dma_wait3A_1265 = tpu.memref_slice %arg6[%dma_wait3A_1262, %dma_wait3A_1263, %dma_wait3A_1264] : memref<6x128x128xf32, #tpu.memory_space<vmem>> -> memref<1x128x128xf32, #tpu.memory_space<vmem>>
    %dma_wait3A_1266 = tpu.memref_squeeze %dma_wait3A_1265 : memref<1x128x128xf32, #tpu.memory_space<vmem>> -> memref<128x128xf32, #tpu.memory_space<vmem>>
    %dma_wait3A_1267 = arith.constant 0 : i32
    %dma_wait3A_1268 = tpu.memref_slice %arg4[%add3A_1155, %dma_wait3A_1267] : memref<106496x128xf32, #tpu.memory_space<hbm>> -> memref<128x128xf32, #tpu.memory_space<hbm>>
    %dma_wait3A_1269 = arith.constant 0 : i32
    %dma_wait3A_1270 = tpu.memref_slice %arg4[%add3A_1155, %dma_wait3A_1269] : memref<106496x128xf32, #tpu.memory_space<hbm>> -> memref<128x128xf32, #tpu.memory_space<hbm>>
    %dma_wait3A_1271 = arith.constant 0 : i32
    %dma_wait3A_1272 = arith.constant 0 : i32
    %dma_wait3A_1273 = tpu.memref_slice %arg6[%dma_wait3A_1262, %dma_wait3A_1271, %dma_wait3A_1272] : memref<6x128x128xf32, #tpu.memory_space<vmem>> -> memref<1x128x128xf32, #tpu.memory_space<vmem>>
    %dma_wait3A_1274 = tpu.memref_squeeze %dma_wait3A_1273 : memref<1x128x128xf32, #tpu.memory_space<vmem>> -> memref<128x128xf32, #tpu.memory_space<vmem>>
    tpu.wait_dma2 semaphore(%arg8 : memref<!tpu.dma_semaphore, #tpu.memory_space<semaphore_mem>>) src(%dma_wait3A_1274 : memref<128x128xf32, #tpu.memory_space<vmem>>) dst(%dma_wait3A_1270 : memref<128x128xf32, #tpu.memory_space<hbm>>)
    %dma_wait3A_1275 = arith.constant 0 : i32
    %dma_wait3A_1276 = arith.constant 0 : i32
    %dma_wait3A_1277 = arith.constant 0 : i32
    %dma_wait3A_1278 = tpu.memref_slice %arg6[%dma_wait3A_1275, %dma_wait3A_1276, %dma_wait3A_1277] : memref<6x128x128xf32, #tpu.memory_space<vmem>> -> memref<1x128x128xf32, #tpu.memory_space<vmem>>
    %dma_wait3A_1279 = tpu.memref_squeeze %dma_wait3A_1278 : memref<1x128x128xf32, #tpu.memory_space<vmem>> -> memref<128x128xf32, #tpu.memory_space<vmem>>
    %dma_wait3A_1280 = arith.constant 0 : i32
    %dma_wait3A_1281 = tpu.memref_slice %arg4[%add3A_1182, %dma_wait3A_1280] : memref<106496x128xf32, #tpu.memory_space<hbm>> -> memref<128x128xf32, #tpu.memory_space<hbm>>
    %dma_wait3A_1282 = arith.constant 0 : i32
    %dma_wait3A_1283 = tpu.memref_slice %arg4[%add3A_1182, %dma_wait3A_1282] : memref<106496x128xf32, #tpu.memory_space<hbm>> -> memref<128x128xf32, #tpu.memory_space<hbm>>
    %dma_wait3A_1284 = arith.constant 0 : i32
    %dma_wait3A_1285 = arith.constant 0 : i32
    %dma_wait3A_1286 = tpu.memref_slice %arg6[%dma_wait3A_1275, %dma_wait3A_1284, %dma_wait3A_1285] : memref<6x128x128xf32, #tpu.memory_space<vmem>> -> memref<1x128x128xf32, #tpu.memory_space<vmem>>
    %dma_wait3A_1287 = tpu.memref_squeeze %dma_wait3A_1286 : memref<1x128x128xf32, #tpu.memory_space<vmem>> -> memref<128x128xf32, #tpu.memory_space<vmem>>
    tpu.wait_dma2 semaphore(%arg8 : memref<!tpu.dma_semaphore, #tpu.memory_space<semaphore_mem>>) src(%dma_wait3A_1287 : memref<128x128xf32, #tpu.memory_space<vmem>>) dst(%dma_wait3A_1283 : memref<128x128xf32, #tpu.memory_space<hbm>>)
    %dma_wait3A_1288 = arith.constant 1 : i32
    %dma_wait3A_1289 = arith.constant 0 : i32
    %dma_wait3A_1290 = arith.constant 0 : i32
    %dma_wait3A_1291 = tpu.memref_slice %arg6[%dma_wait3A_1288, %dma_wait3A_1289, %dma_wait3A_1290] : memref<6x128x128xf32, #tpu.memory_space<vmem>> -> memref<1x128x128xf32, #tpu.memory_space<vmem>>
    %dma_wait3A_1292 = tpu.memref_squeeze %dma_wait3A_1291 : memref<1x128x128xf32, #tpu.memory_space<vmem>> -> memref<128x128xf32, #tpu.memory_space<vmem>>
    %dma_wait3A_1293 = arith.constant 0 : i32
    %dma_wait3A_1294 = tpu.memref_slice %arg4[%add3A_1209, %dma_wait3A_1293] : memref<106496x128xf32, #tpu.memory_space<hbm>> -> memref<128x128xf32, #tpu.memory_space<hbm>>
    %dma_wait3A_1295 = arith.constant 0 : i32
    %dma_wait3A_1296 = tpu.memref_slice %arg4[%add3A_1209, %dma_wait3A_1295] : memref<106496x128xf32, #tpu.memory_space<hbm>> -> memref<128x128xf32, #tpu.memory_space<hbm>>
    %dma_wait3A_1297 = arith.constant 0 : i32
    %dma_wait3A_1298 = arith.constant 0 : i32
    %dma_wait3A_1299 = tpu.memref_slice %arg6[%dma_wait3A_1288, %dma_wait3A_1297, %dma_wait3A_1298] : memref<6x128x128xf32, #tpu.memory_space<vmem>> -> memref<1x128x128xf32, #tpu.memory_space<vmem>>
    %dma_wait3A_1300 = tpu.memref_squeeze %dma_wait3A_1299 : memref<1x128x128xf32, #tpu.memory_space<vmem>> -> memref<128x128xf32, #tpu.memory_space<vmem>>
    tpu.wait_dma2 semaphore(%arg8 : memref<!tpu.dma_semaphore, #tpu.memory_space<semaphore_mem>>) src(%dma_wait3A_1300 : memref<128x128xf32, #tpu.memory_space<vmem>>) dst(%dma_wait3A_1296 : memref<128x128xf32, #tpu.memory_space<hbm>>)
    return
  }
}

module attributes {stable_mosaic.version = 14 : i64} {
  func.func @_repack_body(%arg0: i32, %arg1: i32, %arg2: memref<1x64x103296xf32, #tpu.memory_space<vmem>>, %arg3: memref<1x4096x128xf32, #tpu.memory_space<vmem>>) attributes {dimension_semantics = [#tpu.dimension_semantics<arbitrary>, #tpu.dimension_semantics<arbitrary>], iteration_bounds = array<i64: 26, 13>, scalar_prefetch = 0 : i64, scratch_operands = 0 : i64, tpu.core_type = #tpu.core_type<tc>, window_params = [{transform_indices = @transform_0, window_bounds = array<i64: 1, 64, 103296>}, {transform_indices = @transform_1, window_bounds = array<i64: 1, 4096, 128>}]} {
    %mul3A = arith.constant 8192 : i32
    %mul3A_0 = arith.muli %arg1, %mul3A : i32
    %multiple_of3A = tpu.assume_multiple %mul3A_0, 128 : i32
    %mul3A_1 = arith.constant 8192 : i32
    %mul3A_2 = arith.muli %arg1, %mul3A_1 : i32
    %lt3A = arith.constant 12 : i32
    %lt3A_3 = arith.cmpi slt, %arg1, %lt3A : i32
    %jit3A = arith.constant 4096 : i32
    %jit3A_4 = arith.constant 896 : i32
    %select_n3A = arith.select %lt3A_3, %jit3A, %jit3A_4 : i32
    %add3A = arith.addi %mul3A_2, %select_n3A : i32
    %multiple_of3A_5 = tpu.assume_multiple %add3A, 128 : i32
    %get3A = arith.constant 0 : index
    %get3A_6 = arith.constant 0 : index
    %get3A_7 = arith.index_cast %multiple_of3A : i32 to index
    %get3A_8 = vector.load %arg2[%get3A, %get3A_6, %get3A_7] : memref<1x64x103296xf32, #tpu.memory_space<vmem>>, vector<1x64x4096xf32>
    %get3A_9 = vector.shape_cast %get3A_8 : vector<1x64x4096xf32> to vector<64x4096xf32>
    %get3A_10 = arith.constant 0 : index
    %get3A_11 = arith.constant 0 : index
    %get3A_12 = arith.index_cast %multiple_of3A_5 : i32 to index
    %get3A_13 = vector.load %arg2[%get3A_10, %get3A_11, %get3A_12] : memref<1x64x103296xf32, #tpu.memory_space<vmem>>, vector<1x64x4096xf32>
    %get3A_14 = vector.shape_cast %get3A_13 : vector<1x64x4096xf32> to vector<64x4096xf32>
    %concatenate3A = tpu.concatenate %get3A_9, %get3A_14 in 0 : vector<64x4096xf32>, vector<64x4096xf32> -> vector<128x4096xf32>
    %iota3A = tpu.iota {dimensions = array<i32: 0>} : vector<128x128xi32>
    %iota3A_15 = tpu.iota {dimensions = array<i32: 1>} : vector<128x128xi32>
    %eq3A = arith.cmpi eq, %iota3A, %iota3A_15 : vector<128x128xi32>
    %convert_element_type3A = arith.extui %eq3A : vector<128x128xi1> to vector<128x128xi32>
    %convert_element_type3A_16 = arith.sitofp %convert_element_type3A : vector<128x128xi32> to vector<128x128xf32>
    %dot_general3A = arith.constant dense<0.000000e+00> : vector<4096x128xf32>
    %dot_general3A_17 = tpu.matmul %concatenate3A, %convert_element_type3A_16, %dot_general3A {dimension_numbers = #tpu.dot_dimension_numbers<[0], [0], [1], [1], [0, 1, 1, 1], [], []>, transpose_lhs_hint = false} : vector<128x4096xf32>, vector<128x128xf32>, vector<4096x128xf32> -> vector<4096x128xf32>
    %swap3A = arith.constant 0 : index
    %swap3A_18 = arith.constant 0 : index
    %swap3A_19 = arith.constant 0 : index
    %swap3A_20 = vector.load %arg3[%swap3A, %swap3A_18, %swap3A_19] : memref<1x4096x128xf32, #tpu.memory_space<vmem>>, vector<1x4096x128xf32>
    %swap3A_21 = vector.shape_cast %swap3A_20 : vector<1x4096x128xf32> to vector<4096x128xf32>
    %swap3A_22 = vector.shape_cast %dot_general3A_17 : vector<4096x128xf32> to vector<1x4096x128xf32>
    tpu.vector_store %arg3[%swap3A, %swap3A_18, %swap3A_19], %swap3A_22 {strides = array<i32>} : memref<1x4096x128xf32, #tpu.memory_space<vmem>>, vector<1x4096x128xf32>,
    return
  }
  func.func @transform_0(%arg0: i32, %arg1: i32) -> (i32, i32, i32) {
    %c0_i32 = arith.constant 0 : i32
    %c0_i32_0 = arith.constant 0 : i32
    %c0_i32_1 = arith.constant 0 : i32
    return %arg0, %c0_i32, %c0_i32_0 : i32, i32, i32
  }
  func.func @transform_1(%arg0: i32, %arg1: i32) -> (i32, i32, i32) {
    %c0_i32 = arith.constant 0 : i32
    %c0_i32_0 = arith.constant 0 : i32
    return %arg0, %arg1, %c0_i32 : i32, i32, i32
  }
}

module attributes {stable_mosaic.version = 14 : i64} {
  func.func @_tc_body(%arg0: i32, %arg1: memref<256x13xf32, #tpu.memory_space<vmem>>, %arg2: memref<256x26x128xf32, #tpu.memory_space<vmem>>, %arg3: memref<256x26x1xf32, #tpu.memory_space<vmem>>, %arg4: memref<13x512xf32, #tpu.memory_space<vmem>>, %arg5: memref<1x512xf32, #tpu.memory_space<vmem>>, %arg6: memref<512x256xf32, #tpu.memory_space<vmem>>, %arg7: memref<1x256xf32, #tpu.memory_space<vmem>>, %arg8: memref<256x64xf32, #tpu.memory_space<vmem>>, %arg9: memref<1x64xf32, #tpu.memory_space<vmem>>, %arg10: memref<64x512xf32, #tpu.memory_space<vmem>>, %arg11: memref<27x27x512xf32, #tpu.memory_space<vmem>>, %arg12: memref<1x512xf32, #tpu.memory_space<vmem>>, %arg13: memref<512x256xf32, #tpu.memory_space<vmem>>, %arg14: memref<1x256xf32, #tpu.memory_space<vmem>>, %arg15: memref<256x1xf32, #tpu.memory_space<vmem>>, %arg16: memref<1x1xf32, #tpu.memory_space<vmem>>, %arg17: memref<256x1xf32, #tpu.memory_space<vmem>>) attributes {dimension_semantics = [#tpu.dimension_semantics<arbitrary>], iteration_bounds = array<i64: 16>, scalar_prefetch = 0 : i64, scratch_operands = 0 : i64, tpu.core_type = #tpu.core_type<tc>, window_params = [{transform_indices = @transform_0, window_bounds = array<i64: 256, 13>}, {transform_indices = @transform_1, window_bounds = array<i64: 256, 26, 128>}, {transform_indices = @transform_2, window_bounds = array<i64: 256, 26, 1>}, {pipeline_mode = #tpu.pipeline_mode<synchronous>, transform_indices = @transform_3, window_bounds = array<i64: 13, 512>}, {pipeline_mode = #tpu.pipeline_mode<synchronous>, transform_indices = @transform_4, window_bounds = array<i64: 1, 512>}, {pipeline_mode = #tpu.pipeline_mode<synchronous>, transform_indices = @transform_5, window_bounds = array<i64: 512, 256>}, {pipeline_mode = #tpu.pipeline_mode<synchronous>, transform_indices = @transform_6, window_bounds = array<i64: 1, 256>}, {pipeline_mode = #tpu.pipeline_mode<synchronous>, transform_indices = @transform_7, window_bounds = array<i64: 256, 64>}, {pipeline_mode = #tpu.pipeline_mode<synchronous>, transform_indices = @transform_8, window_bounds = array<i64: 1, 64>}, {pipeline_mode = #tpu.pipeline_mode<synchronous>, transform_indices = @transform_9, window_bounds = array<i64: 64, 512>}, {pipeline_mode = #tpu.pipeline_mode<synchronous>, transform_indices = @transform_10, window_bounds = array<i64: 27, 27, 512>}, {pipeline_mode = #tpu.pipeline_mode<synchronous>, transform_indices = @transform_11, window_bounds = array<i64: 1, 512>}, {pipeline_mode = #tpu.pipeline_mode<synchronous>, transform_indices = @transform_12, window_bounds = array<i64: 512, 256>}, {pipeline_mode = #tpu.pipeline_mode<synchronous>, transform_indices = @transform_13, window_bounds = array<i64: 1, 256>}, {pipeline_mode = #tpu.pipeline_mode<synchronous>, transform_indices = @transform_14, window_bounds = array<i64: 256, 1>}, {pipeline_mode = #tpu.pipeline_mode<synchronous>, transform_indices = @transform_15, window_bounds = array<i64: 1, 1>}, {transform_indices = @transform_16, window_bounds = array<i64: 256, 1>}]} {
    %get3A = arith.constant 0 : index
    %get3A_0 = arith.constant 0 : index
    %get3A_1 = vector.load %arg1[%get3A, %get3A_0] : memref<256x13xf32, #tpu.memory_space<vmem>>, vector<256x13xf32>
    %get3A_2 = arith.constant 0 : index
    %get3A_3 = arith.constant 0 : index
    %get3A_4 = vector.load %arg4[%get3A_2, %get3A_3] : memref<13x512xf32, #tpu.memory_space<vmem>>, vector<13x512xf32>
    %dot_general3A = arith.constant dense<0.000000e+00> : vector<256x512xf32>
    %dot_general3A_5 = tpu.matmul %get3A_1, %get3A_4, %dot_general3A {dimension_numbers = #tpu.dot_dimension_numbers<[1], [0], [0], [1], [0, 0, 1, 1], [], []>, transpose_lhs_hint = false} : vector<256x13xf32>, vector<13x512xf32>, vector<256x512xf32> -> vector<256x512xf32>
    %get3A_6 = arith.constant 0 : index
    %get3A_7 = arith.constant 0 : index
    %get3A_8 = vector.load %arg5[%get3A_6, %get3A_7] : memref<1x512xf32, #tpu.memory_space<vmem>>, vector<1x512xf32>
    %add3A = vector.broadcast %get3A_8 : vector<1x512xf32> to vector<256x512xf32>
    %add3A_9 = arith.addf %dot_general3A_5, %add3A : vector<256x512xf32>
    %max3A = arith.constant 0.000000e+00 : f32
    %max3A_10 = vector.broadcast %max3A : f32 to vector<256x512xf32>
    %max3A_11 = arith.maximumf %add3A_9, %max3A_10 : vector<256x512xf32>
    %get3A_12 = arith.constant 0 : index
    %get3A_13 = arith.constant 0 : index
    %get3A_14 = vector.load %arg6[%get3A_12, %get3A_13] : memref<512x256xf32, #tpu.memory_space<vmem>>, vector<512x256xf32>
    %dot_general3A_15 = arith.constant dense<0.000000e+00> : vector<256x256xf32>
    %dot_general3A_16 = tpu.matmul %max3A_11, %get3A_14, %dot_general3A_15 {dimension_numbers = #tpu.dot_dimension_numbers<[1], [0], [0], [1], [0, 0, 1, 1], [], []>, transpose_lhs_hint = false} : vector<256x512xf32>, vector<512x256xf32>, vector<256x256xf32> -> vector<256x256xf32>
    %get3A_17 = arith.constant 0 : index
    %get3A_18 = arith.constant 0 : index
    %get3A_19 = vector.load %arg7[%get3A_17, %get3A_18] : memref<1x256xf32, #tpu.memory_space<vmem>>, vector<1x256xf32>
    %add3A_20 = vector.broadcast %get3A_19 : vector<1x256xf32> to vector<256x256xf32>
    %add3A_21 = arith.addf %dot_general3A_16, %add3A_20 : vector<256x256xf32>
    %max3A_22 = arith.constant 0.000000e+00 : f32
    %max3A_23 = vector.broadcast %max3A_22 : f32 to vector<256x256xf32>
    %max3A_24 = arith.maximumf %add3A_21, %max3A_23 : vector<256x256xf32>
    %get3A_25 = arith.constant 0 : index
    %get3A_26 = arith.constant 0 : index
    %get3A_27 = vector.load %arg8[%get3A_25, %get3A_26] : memref<256x64xf32, #tpu.memory_space<vmem>>, vector<256x64xf32>
    %dot_general3A_28 = arith.constant dense<0.000000e+00> : vector<256x64xf32>
    %dot_general3A_29 = tpu.matmul %max3A_24, %get3A_27, %dot_general3A_28 {dimension_numbers = #tpu.dot_dimension_numbers<[1], [0], [0], [1], [0, 0, 1, 1], [], []>, transpose_lhs_hint = false} : vector<256x256xf32>, vector<256x64xf32>, vector<256x64xf32> -> vector<256x64xf32>
    %get3A_30 = arith.constant 0 : index
    %get3A_31 = arith.constant 0 : index
    %get3A_32 = vector.load %arg9[%get3A_30, %get3A_31] : memref<1x64xf32, #tpu.memory_space<vmem>>, vector<1x64xf32>
    %add3A_33 = vector.broadcast %get3A_32 : vector<1x64xf32> to vector<256x64xf32>
    %add3A_34 = arith.addf %dot_general3A_29, %add3A_33 : vector<256x64xf32>
    %max3A_35 = arith.constant 0.000000e+00 : f32
    %max3A_36 = vector.broadcast %max3A_35 : f32 to vector<256x64xf32>
    %max3A_37 = arith.maximumf %add3A_34, %max3A_36 : vector<256x64xf32>
    %get3A_38 = arith.constant 0 : index
    %get3A_39 = arith.constant 0 : index
    %get3A_40 = arith.constant 0 : index
    %get3A_41 = vector.load %arg2[%get3A_38, %get3A_39, %get3A_40] : memref<256x26x128xf32, #tpu.memory_space<vmem>>, vector<256x26x128xf32>
    %get3A_42 = arith.constant 0 : index
    %get3A_43 = arith.constant 0 : index
    %get3A_44 = arith.constant 0 : index
    %get3A_45 = vector.load %arg3[%get3A_42, %get3A_43, %get3A_44] : memref<256x26x1xf32, #tpu.memory_space<vmem>>, vector<256x26x1xf32>
    %gt3A = arith.constant 0.000000e+00 : f32
    %gt3A_46 = vector.broadcast %gt3A : f32 to vector<256x26x1xf32>
    %gt3A_47 = arith.cmpf ogt, %get3A_45, %gt3A_46 : vector<256x26x1xf32>
    %slice3A = vector.extract_strided_slice %get3A_41 {offsets = [0, 0, 64], sizes = [256, 26, 64], strides = [1, 1, 1]} : vector<256x26x128xf32> to vector<256x26x64xf32>
    %slice3A_48 = vector.extract_strided_slice %get3A_41 {offsets = [0, 0, 0], sizes = [256, 26, 64], strides = [1, 1, 1]} : vector<256x26x128xf32> to vector<256x26x64xf32>
    %broadcast_in_dim3A = vector.shape_cast %gt3A_47 : vector<256x26x1xi1> to vector<256x26x1xi1>
    %broadcast_in_dim3A_49 = vector.broadcast %broadcast_in_dim3A : vector<256x26x1xi1> to vector<256x26x64xi1>
    %select_n3A = arith.select %broadcast_in_dim3A_49, %slice3A, %slice3A_48 : vector<256x26x64xi1>, vector<256x26x64xf32>
    %reshape3A = vector.shape_cast %max3A_37 : vector<256x64xf32> to vector<256x1x64xf32>
    %concatenate3A = tpu.concatenate %reshape3A, %select_n3A in 1 : vector<256x1x64xf32>, vector<256x26x64xf32> -> vector<256x27x64xf32>
    %convert_element_type3A = arith.truncf %concatenate3A : vector<256x27x64xf32> to vector<256x27x64xbf16>
    %dot_general3A_50 = arith.constant dense<0.000000e+00> : vector<256x27x27xf32>
    %dot_general3A_51 = tpu.matmul %convert_element_type3A, %convert_element_type3A, %dot_general3A_50 {dimension_numbers = #tpu.dot_dimension_numbers<[2], [2], [1], [1], [0, 0, 0, 1, 1, 1], [0], [0]>, transpose_lhs_hint = false} : vector<256x27x64xbf16>, vector<256x27x64xbf16>, vector<256x27x27xf32> -> vector<256x27x27xf32>
    %convert_element_type3A_52 = arith.truncf %dot_general3A_51 : vector<256x27x27xf32> to vector<256x27x27xbf16>
    %get3A_53 = arith.constant 0 : index
    %get3A_54 = arith.constant 0 : index
    %get3A_55 = vector.load %arg10[%get3A_53, %get3A_54] : memref<64x512xf32, #tpu.memory_space<vmem>>, vector<64x512xf32>
    %dot_general3A_56 = arith.constant dense<0.000000e+00> : vector<256x512xf32>
    %dot_general3A_57 = tpu.matmul %max3A_37, %get3A_55, %dot_general3A_56 {dimension_numbers = #tpu.dot_dimension_numbers<[1], [0], [0], [1], [0, 0, 1, 1], [], []>, transpose_lhs_hint = false} : vector<256x64xf32>, vector<64x512xf32>, vector<256x512xf32> -> vector<256x512xf32>
    %get3A_58 = arith.constant 0 : index
    %get3A_59 = arith.constant 0 : index
    %get3A_60 = vector.load %arg12[%get3A_58, %get3A_59] : memref<1x512xf32, #tpu.memory_space<vmem>>, vector<1x512xf32>
    %add3A_61 = vector.broadcast %get3A_60 : vector<1x512xf32> to vector<256x512xf32>
    %add3A_62 = arith.addf %dot_general3A_57, %add3A_61 : vector<256x512xf32>
    %slice3A_63 = vector.extract_strided_slice %convert_element_type3A_52 {offsets = [0, 0, 0], sizes = [256, 1, 27], strides = [1, 1, 1]} : vector<256x27x27xbf16> to vector<256x1x27xbf16>
    %squeeze3A = vector.shape_cast %slice3A_63 : vector<256x1x27xbf16> to vector<256x27xbf16>
    %get3A_64 = arith.constant 0 : index
    %get3A_65 = arith.constant 0 : index
    %get3A_66 = arith.constant 0 : index
    %get3A_67 = vector.load %arg11[%get3A_64, %get3A_65, %get3A_66] : memref<27x27x512xf32, #tpu.memory_space<vmem>>, vector<1x27x512xf32>
    %get3A_68 = vector.shape_cast %get3A_67 : vector<1x27x512xf32> to vector<27x512xf32>
    %convert_element_type3A_69 = arith.truncf %get3A_68 : vector<27x512xf32> to vector<27x512xbf16>
    %dot_general3A_70 = arith.constant dense<0.000000e+00> : vector<256x512xf32>
    %dot_general3A_71 = tpu.matmul %squeeze3A, %convert_element_type3A_69, %dot_general3A_70 {dimension_numbers = #tpu.dot_dimension_numbers<[1], [0], [0], [1], [0, 0, 1, 1], [], []>, transpose_lhs_hint = false} : vector<256x27xbf16>, vector<27x512xbf16>, vector<256x512xf32> -> vector<256x512xf32>
    %add3A_72 = arith.addf %add3A_62, %dot_general3A_71 : vector<256x512xf32>
    %slice3A_73 = vector.extract_strided_slice %convert_element_type3A_52 {offsets = [0, 1, 0], sizes = [256, 1, 27], strides = [1, 1, 1]} : vector<256x27x27xbf16> to vector<256x1x27xbf16>
    %squeeze3A_74 = vector.shape_cast %slice3A_73 : vector<256x1x27xbf16> to vector<256x27xbf16>
    %get3A_75 = arith.constant 1 : index
    %get3A_76 = arith.constant 0 : index
    %get3A_77 = arith.constant 0 : index
    %get3A_78 = vector.load %arg11[%get3A_75, %get3A_76, %get3A_77] : memref<27x27x512xf32, #tpu.memory_space<vmem>>, vector<1x27x512xf32>
    %get3A_79 = vector.shape_cast %get3A_78 : vector<1x27x512xf32> to vector<27x512xf32>
    %convert_element_type3A_80 = arith.truncf %get3A_79 : vector<27x512xf32> to vector<27x512xbf16>
    %dot_general3A_81 = arith.constant dense<0.000000e+00> : vector<256x512xf32>
    %dot_general3A_82 = tpu.matmul %squeeze3A_74, %convert_element_type3A_80, %dot_general3A_81 {dimension_numbers = #tpu.dot_dimension_numbers<[1], [0], [0], [1], [0, 0, 1, 1], [], []>, transpose_lhs_hint = false} : vector<256x27xbf16>, vector<27x512xbf16>, vector<256x512xf32> -> vector<256x512xf32>
    %add3A_83 = arith.addf %add3A_72, %dot_general3A_82 : vector<256x512xf32>
    %slice3A_84 = vector.extract_strided_slice %convert_element_type3A_52 {offsets = [0, 2, 0], sizes = [256, 1, 27], strides = [1, 1, 1]} : vector<256x27x27xbf16> to vector<256x1x27xbf16>
    %squeeze3A_85 = vector.shape_cast %slice3A_84 : vector<256x1x27xbf16> to vector<256x27xbf16>
    %get3A_86 = arith.constant 2 : index
    %get3A_87 = arith.constant 0 : index
    %get3A_88 = arith.constant 0 : index
    %get3A_89 = vector.load %arg11[%get3A_86, %get3A_87, %get3A_88] : memref<27x27x512xf32, #tpu.memory_space<vmem>>, vector<1x27x512xf32>
    %get3A_90 = vector.shape_cast %get3A_89 : vector<1x27x512xf32> to vector<27x512xf32>
    %convert_element_type3A_91 = arith.truncf %get3A_90 : vector<27x512xf32> to vector<27x512xbf16>
    %dot_general3A_92 = arith.constant dense<0.000000e+00> : vector<256x512xf32>
    %dot_general3A_93 = tpu.matmul %squeeze3A_85, %convert_element_type3A_91, %dot_general3A_92 {dimension_numbers = #tpu.dot_dimension_numbers<[1], [0], [0], [1], [0, 0, 1, 1], [], []>, transpose_lhs_hint = false} : vector<256x27xbf16>, vector<27x512xbf16>, vector<256x512xf32> -> vector<256x512xf32>
    %add3A_94 = arith.addf %add3A_83, %dot_general3A_93 : vector<256x512xf32>
    %slice3A_95 = vector.extract_strided_slice %convert_element_type3A_52 {offsets = [0, 3, 0], sizes = [256, 1, 27], strides = [1, 1, 1]} : vector<256x27x27xbf16> to vector<256x1x27xbf16>
    %squeeze3A_96 = vector.shape_cast %slice3A_95 : vector<256x1x27xbf16> to vector<256x27xbf16>
    %get3A_97 = arith.constant 3 : index
    %get3A_98 = arith.constant 0 : index
    %get3A_99 = arith.constant 0 : index
    %get3A_100 = vector.load %arg11[%get3A_97, %get3A_98, %get3A_99] : memref<27x27x512xf32, #tpu.memory_space<vmem>>, vector<1x27x512xf32>
    %get3A_101 = vector.shape_cast %get3A_100 : vector<1x27x512xf32> to vector<27x512xf32>
    %convert_element_type3A_102 = arith.truncf %get3A_101 : vector<27x512xf32> to vector<27x512xbf16>
    %dot_general3A_103 = arith.constant dense<0.000000e+00> : vector<256x512xf32>
    %dot_general3A_104 = tpu.matmul %squeeze3A_96, %convert_element_type3A_102, %dot_general3A_103 {dimension_numbers = #tpu.dot_dimension_numbers<[1], [0], [0], [1], [0, 0, 1, 1], [], []>, transpose_lhs_hint = false} : vector<256x27xbf16>, vector<27x512xbf16>, vector<256x512xf32> -> vector<256x512xf32>
    %add3A_105 = arith.addf %add3A_94, %dot_general3A_104 : vector<256x512xf32>
    %slice3A_106 = vector.extract_strided_slice %convert_element_type3A_52 {offsets = [0, 4, 0], sizes = [256, 1, 27], strides = [1, 1, 1]} : vector<256x27x27xbf16> to vector<256x1x27xbf16>
    %squeeze3A_107 = vector.shape_cast %slice3A_106 : vector<256x1x27xbf16> to vector<256x27xbf16>
    %get3A_108 = arith.constant 4 : index
    %get3A_109 = arith.constant 0 : index
    %get3A_110 = arith.constant 0 : index
    %get3A_111 = vector.load %arg11[%get3A_108, %get3A_109, %get3A_110] : memref<27x27x512xf32, #tpu.memory_space<vmem>>, vector<1x27x512xf32>
    %get3A_112 = vector.shape_cast %get3A_111 : vector<1x27x512xf32> to vector<27x512xf32>
    %convert_element_type3A_113 = arith.truncf %get3A_112 : vector<27x512xf32> to vector<27x512xbf16>
    %dot_general3A_114 = arith.constant dense<0.000000e+00> : vector<256x512xf32>
    %dot_general3A_115 = tpu.matmul %squeeze3A_107, %convert_element_type3A_113, %dot_general3A_114 {dimension_numbers = #tpu.dot_dimension_numbers<[1], [0], [0], [1], [0, 0, 1, 1], [], []>, transpose_lhs_hint = false} : vector<256x27xbf16>, vector<27x512xbf16>, vector<256x512xf32> -> vector<256x512xf32>
    %add3A_116 = arith.addf %add3A_105, %dot_general3A_115 : vector<256x512xf32>
    %slice3A_117 = vector.extract_strided_slice %convert_element_type3A_52 {offsets = [0, 5, 0], sizes = [256, 1, 27], strides = [1, 1, 1]} : vector<256x27x27xbf16> to vector<256x1x27xbf16>
    %squeeze3A_118 = vector.shape_cast %slice3A_117 : vector<256x1x27xbf16> to vector<256x27xbf16>
    %get3A_119 = arith.constant 5 : index
    %get3A_120 = arith.constant 0 : index
    %get3A_121 = arith.constant 0 : index
    %get3A_122 = vector.load %arg11[%get3A_119, %get3A_120, %get3A_121] : memref<27x27x512xf32, #tpu.memory_space<vmem>>, vector<1x27x512xf32>
    %get3A_123 = vector.shape_cast %get3A_122 : vector<1x27x512xf32> to vector<27x512xf32>
    %convert_element_type3A_124 = arith.truncf %get3A_123 : vector<27x512xf32> to vector<27x512xbf16>
    %dot_general3A_125 = arith.constant dense<0.000000e+00> : vector<256x512xf32>
    %dot_general3A_126 = tpu.matmul %squeeze3A_118, %convert_element_type3A_124, %dot_general3A_125 {dimension_numbers = #tpu.dot_dimension_numbers<[1], [0], [0], [1], [0, 0, 1, 1], [], []>, transpose_lhs_hint = false} : vector<256x27xbf16>, vector<27x512xbf16>, vector<256x512xf32> -> vector<256x512xf32>
    %add3A_127 = arith.addf %add3A_116, %dot_general3A_126 : vector<256x512xf32>
    %slice3A_128 = vector.extract_strided_slice %convert_element_type3A_52 {offsets = [0, 6, 0], sizes = [256, 1, 27], strides = [1, 1, 1]} : vector<256x27x27xbf16> to vector<256x1x27xbf16>
    %squeeze3A_129 = vector.shape_cast %slice3A_128 : vector<256x1x27xbf16> to vector<256x27xbf16>
    %get3A_130 = arith.constant 6 : index
    %get3A_131 = arith.constant 0 : index
    %get3A_132 = arith.constant 0 : index
    %get3A_133 = vector.load %arg11[%get3A_130, %get3A_131, %get3A_132] : memref<27x27x512xf32, #tpu.memory_space<vmem>>, vector<1x27x512xf32>
    %get3A_134 = vector.shape_cast %get3A_133 : vector<1x27x512xf32> to vector<27x512xf32>
    %convert_element_type3A_135 = arith.truncf %get3A_134 : vector<27x512xf32> to vector<27x512xbf16>
    %dot_general3A_136 = arith.constant dense<0.000000e+00> : vector<256x512xf32>
    %dot_general3A_137 = tpu.matmul %squeeze3A_129, %convert_element_type3A_135, %dot_general3A_136 {dimension_numbers = #tpu.dot_dimension_numbers<[1], [0], [0], [1], [0, 0, 1, 1], [], []>, transpose_lhs_hint = false} : vector<256x27xbf16>, vector<27x512xbf16>, vector<256x512xf32> -> vector<256x512xf32>
    %add3A_138 = arith.addf %add3A_127, %dot_general3A_137 : vector<256x512xf32>
    %slice3A_139 = vector.extract_strided_slice %convert_element_type3A_52 {offsets = [0, 7, 0], sizes = [256, 1, 27], strides = [1, 1, 1]} : vector<256x27x27xbf16> to vector<256x1x27xbf16>
    %squeeze3A_140 = vector.shape_cast %slice3A_139 : vector<256x1x27xbf16> to vector<256x27xbf16>
    %get3A_141 = arith.constant 7 : index
    %get3A_142 = arith.constant 0 : index
    %get3A_143 = arith.constant 0 : index
    %get3A_144 = vector.load %arg11[%get3A_141, %get3A_142, %get3A_143] : memref<27x27x512xf32, #tpu.memory_space<vmem>>, vector<1x27x512xf32>
    %get3A_145 = vector.shape_cast %get3A_144 : vector<1x27x512xf32> to vector<27x512xf32>
    %convert_element_type3A_146 = arith.truncf %get3A_145 : vector<27x512xf32> to vector<27x512xbf16>
    %dot_general3A_147 = arith.constant dense<0.000000e+00> : vector<256x512xf32>
    %dot_general3A_148 = tpu.matmul %squeeze3A_140, %convert_element_type3A_146, %dot_general3A_147 {dimension_numbers = #tpu.dot_dimension_numbers<[1], [0], [0], [1], [0, 0, 1, 1], [], []>, transpose_lhs_hint = false} : vector<256x27xbf16>, vector<27x512xbf16>, vector<256x512xf32> -> vector<256x512xf32>
    %add3A_149 = arith.addf %add3A_138, %dot_general3A_148 : vector<256x512xf32>
    %slice3A_150 = vector.extract_strided_slice %convert_element_type3A_52 {offsets = [0, 8, 0], sizes = [256, 1, 27], strides = [1, 1, 1]} : vector<256x27x27xbf16> to vector<256x1x27xbf16>
    %squeeze3A_151 = vector.shape_cast %slice3A_150 : vector<256x1x27xbf16> to vector<256x27xbf16>
    %get3A_152 = arith.constant 8 : index
    %get3A_153 = arith.constant 0 : index
    %get3A_154 = arith.constant 0 : index
    %get3A_155 = vector.load %arg11[%get3A_152, %get3A_153, %get3A_154] : memref<27x27x512xf32, #tpu.memory_space<vmem>>, vector<1x27x512xf32>
    %get3A_156 = vector.shape_cast %get3A_155 : vector<1x27x512xf32> to vector<27x512xf32>
    %convert_element_type3A_157 = arith.truncf %get3A_156 : vector<27x512xf32> to vector<27x512xbf16>
    %dot_general3A_158 = arith.constant dense<0.000000e+00> : vector<256x512xf32>
    %dot_general3A_159 = tpu.matmul %squeeze3A_151, %convert_element_type3A_157, %dot_general3A_158 {dimension_numbers = #tpu.dot_dimension_numbers<[1], [0], [0], [1], [0, 0, 1, 1], [], []>, transpose_lhs_hint = false} : vector<256x27xbf16>, vector<27x512xbf16>, vector<256x512xf32> -> vector<256x512xf32>
    %add3A_160 = arith.addf %add3A_149, %dot_general3A_159 : vector<256x512xf32>
    %slice3A_161 = vector.extract_strided_slice %convert_element_type3A_52 {offsets = [0, 9, 0], sizes = [256, 1, 27], strides = [1, 1, 1]} : vector<256x27x27xbf16> to vector<256x1x27xbf16>
    %squeeze3A_162 = vector.shape_cast %slice3A_161 : vector<256x1x27xbf16> to vector<256x27xbf16>
    %get3A_163 = arith.constant 9 : index
    %get3A_164 = arith.constant 0 : index
    %get3A_165 = arith.constant 0 : index
    %get3A_166 = vector.load %arg11[%get3A_163, %get3A_164, %get3A_165] : memref<27x27x512xf32, #tpu.memory_space<vmem>>, vector<1x27x512xf32>
    %get3A_167 = vector.shape_cast %get3A_166 : vector<1x27x512xf32> to vector<27x512xf32>
    %convert_element_type3A_168 = arith.truncf %get3A_167 : vector<27x512xf32> to vector<27x512xbf16>
    %dot_general3A_169 = arith.constant dense<0.000000e+00> : vector<256x512xf32>
    %dot_general3A_170 = tpu.matmul %squeeze3A_162, %convert_element_type3A_168, %dot_general3A_169 {dimension_numbers = #tpu.dot_dimension_numbers<[1], [0], [0], [1], [0, 0, 1, 1], [], []>, transpose_lhs_hint = false} : vector<256x27xbf16>, vector<27x512xbf16>, vector<256x512xf32> -> vector<256x512xf32>
    %add3A_171 = arith.addf %add3A_160, %dot_general3A_170 : vector<256x512xf32>
    %slice3A_172 = vector.extract_strided_slice %convert_element_type3A_52 {offsets = [0, 10, 0], sizes = [256, 1, 27], strides = [1, 1, 1]} : vector<256x27x27xbf16> to vector<256x1x27xbf16>
    %squeeze3A_173 = vector.shape_cast %slice3A_172 : vector<256x1x27xbf16> to vector<256x27xbf16>
    %get3A_174 = arith.constant 10 : index
    %get3A_175 = arith.constant 0 : index
    %get3A_176 = arith.constant 0 : index
    %get3A_177 = vector.load %arg11[%get3A_174, %get3A_175, %get3A_176] : memref<27x27x512xf32, #tpu.memory_space<vmem>>, vector<1x27x512xf32>
    %get3A_178 = vector.shape_cast %get3A_177 : vector<1x27x512xf32> to vector<27x512xf32>
    %convert_element_type3A_179 = arith.truncf %get3A_178 : vector<27x512xf32> to vector<27x512xbf16>
    %dot_general3A_180 = arith.constant dense<0.000000e+00> : vector<256x512xf32>
    %dot_general3A_181 = tpu.matmul %squeeze3A_173, %convert_element_type3A_179, %dot_general3A_180 {dimension_numbers = #tpu.dot_dimension_numbers<[1], [0], [0], [1], [0, 0, 1, 1], [], []>, transpose_lhs_hint = false} : vector<256x27xbf16>, vector<27x512xbf16>, vector<256x512xf32> -> vector<256x512xf32>
    %add3A_182 = arith.addf %add3A_171, %dot_general3A_181 : vector<256x512xf32>
    %slice3A_183 = vector.extract_strided_slice %convert_element_type3A_52 {offsets = [0, 11, 0], sizes = [256, 1, 27], strides = [1, 1, 1]} : vector<256x27x27xbf16> to vector<256x1x27xbf16>
    %squeeze3A_184 = vector.shape_cast %slice3A_183 : vector<256x1x27xbf16> to vector<256x27xbf16>
    %get3A_185 = arith.constant 11 : index
    %get3A_186 = arith.constant 0 : index
    %get3A_187 = arith.constant 0 : index
    %get3A_188 = vector.load %arg11[%get3A_185, %get3A_186, %get3A_187] : memref<27x27x512xf32, #tpu.memory_space<vmem>>, vector<1x27x512xf32>
    %get3A_189 = vector.shape_cast %get3A_188 : vector<1x27x512xf32> to vector<27x512xf32>
    %convert_element_type3A_190 = arith.truncf %get3A_189 : vector<27x512xf32> to vector<27x512xbf16>
    %dot_general3A_191 = arith.constant dense<0.000000e+00> : vector<256x512xf32>
    %dot_general3A_192 = tpu.matmul %squeeze3A_184, %convert_element_type3A_190, %dot_general3A_191 {dimension_numbers = #tpu.dot_dimension_numbers<[1], [0], [0], [1], [0, 0, 1, 1], [], []>, transpose_lhs_hint = false} : vector<256x27xbf16>, vector<27x512xbf16>, vector<256x512xf32> -> vector<256x512xf32>
    %add3A_193 = arith.addf %add3A_182, %dot_general3A_192 : vector<256x512xf32>
    %slice3A_194 = vector.extract_strided_slice %convert_element_type3A_52 {offsets = [0, 12, 0], sizes = [256, 1, 27], strides = [1, 1, 1]} : vector<256x27x27xbf16> to vector<256x1x27xbf16>
    %squeeze3A_195 = vector.shape_cast %slice3A_194 : vector<256x1x27xbf16> to vector<256x27xbf16>
    %get3A_196 = arith.constant 12 : index
    %get3A_197 = arith.constant 0 : index
    %get3A_198 = arith.constant 0 : index
    %get3A_199 = vector.load %arg11[%get3A_196, %get3A_197, %get3A_198] : memref<27x27x512xf32, #tpu.memory_space<vmem>>, vector<1x27x512xf32>
    %get3A_200 = vector.shape_cast %get3A_199 : vector<1x27x512xf32> to vector<27x512xf32>
    %convert_element_type3A_201 = arith.truncf %get3A_200 : vector<27x512xf32> to vector<27x512xbf16>
    %dot_general3A_202 = arith.constant dense<0.000000e+00> : vector<256x512xf32>
    %dot_general3A_203 = tpu.matmul %squeeze3A_195, %convert_element_type3A_201, %dot_general3A_202 {dimension_numbers = #tpu.dot_dimension_numbers<[1], [0], [0], [1], [0, 0, 1, 1], [], []>, transpose_lhs_hint = false} : vector<256x27xbf16>, vector<27x512xbf16>, vector<256x512xf32> -> vector<256x512xf32>
    %add3A_204 = arith.addf %add3A_193, %dot_general3A_203 : vector<256x512xf32>
    %slice3A_205 = vector.extract_strided_slice %convert_element_type3A_52 {offsets = [0, 13, 0], sizes = [256, 1, 27], strides = [1, 1, 1]} : vector<256x27x27xbf16> to vector<256x1x27xbf16>
    %squeeze3A_206 = vector.shape_cast %slice3A_205 : vector<256x1x27xbf16> to vector<256x27xbf16>
    %get3A_207 = arith.constant 13 : index
    %get3A_208 = arith.constant 0 : index
    %get3A_209 = arith.constant 0 : index
    %get3A_210 = vector.load %arg11[%get3A_207, %get3A_208, %get3A_209] : memref<27x27x512xf32, #tpu.memory_space<vmem>>, vector<1x27x512xf32>
    %get3A_211 = vector.shape_cast %get3A_210 : vector<1x27x512xf32> to vector<27x512xf32>
    %convert_element_type3A_212 = arith.truncf %get3A_211 : vector<27x512xf32> to vector<27x512xbf16>
    %dot_general3A_213 = arith.constant dense<0.000000e+00> : vector<256x512xf32>
    %dot_general3A_214 = tpu.matmul %squeeze3A_206, %convert_element_type3A_212, %dot_general3A_213 {dimension_numbers = #tpu.dot_dimension_numbers<[1], [0], [0], [1], [0, 0, 1, 1], [], []>, transpose_lhs_hint = false} : vector<256x27xbf16>, vector<27x512xbf16>, vector<256x512xf32> -> vector<256x512xf32>
    %add3A_215 = arith.addf %add3A_204, %dot_general3A_214 : vector<256x512xf32>
    %slice3A_216 = vector.extract_strided_slice %convert_element_type3A_52 {offsets = [0, 14, 0], sizes = [256, 1, 27], strides = [1, 1, 1]} : vector<256x27x27xbf16> to vector<256x1x27xbf16>
    %squeeze3A_217 = vector.shape_cast %slice3A_216 : vector<256x1x27xbf16> to vector<256x27xbf16>
    %get3A_218 = arith.constant 14 : index
    %get3A_219 = arith.constant 0 : index
    %get3A_220 = arith.constant 0 : index
    %get3A_221 = vector.load %arg11[%get3A_218, %get3A_219, %get3A_220] : memref<27x27x512xf32, #tpu.memory_space<vmem>>, vector<1x27x512xf32>
    %get3A_222 = vector.shape_cast %get3A_221 : vector<1x27x512xf32> to vector<27x512xf32>
    %convert_element_type3A_223 = arith.truncf %get3A_222 : vector<27x512xf32> to vector<27x512xbf16>
    %dot_general3A_224 = arith.constant dense<0.000000e+00> : vector<256x512xf32>
    %dot_general3A_225 = tpu.matmul %squeeze3A_217, %convert_element_type3A_223, %dot_general3A_224 {dimension_numbers = #tpu.dot_dimension_numbers<[1], [0], [0], [1], [0, 0, 1, 1], [], []>, transpose_lhs_hint = false} : vector<256x27xbf16>, vector<27x512xbf16>, vector<256x512xf32> -> vector<256x512xf32>
    %add3A_226 = arith.addf %add3A_215, %dot_general3A_225 : vector<256x512xf32>
    %slice3A_227 = vector.extract_strided_slice %convert_element_type3A_52 {offsets = [0, 15, 0], sizes = [256, 1, 27], strides = [1, 1, 1]} : vector<256x27x27xbf16> to vector<256x1x27xbf16>
    %squeeze3A_228 = vector.shape_cast %slice3A_227 : vector<256x1x27xbf16> to vector<256x27xbf16>
    %get3A_229 = arith.constant 15 : index
    %get3A_230 = arith.constant 0 : index
    %get3A_231 = arith.constant 0 : index
    %get3A_232 = vector.load %arg11[%get3A_229, %get3A_230, %get3A_231] : memref<27x27x512xf32, #tpu.memory_space<vmem>>, vector<1x27x512xf32>
    %get3A_233 = vector.shape_cast %get3A_232 : vector<1x27x512xf32> to vector<27x512xf32>
    %convert_element_type3A_234 = arith.truncf %get3A_233 : vector<27x512xf32> to vector<27x512xbf16>
    %dot_general3A_235 = arith.constant dense<0.000000e+00> : vector<256x512xf32>
    %dot_general3A_236 = tpu.matmul %squeeze3A_228, %convert_element_type3A_234, %dot_general3A_235 {dimension_numbers = #tpu.dot_dimension_numbers<[1], [0], [0], [1], [0, 0, 1, 1], [], []>, transpose_lhs_hint = false} : vector<256x27xbf16>, vector<27x512xbf16>, vector<256x512xf32> -> vector<256x512xf32>
    %add3A_237 = arith.addf %add3A_226, %dot_general3A_236 : vector<256x512xf32>
    %slice3A_238 = vector.extract_strided_slice %convert_element_type3A_52 {offsets = [0, 16, 0], sizes = [256, 1, 27], strides = [1, 1, 1]} : vector<256x27x27xbf16> to vector<256x1x27xbf16>
    %squeeze3A_239 = vector.shape_cast %slice3A_238 : vector<256x1x27xbf16> to vector<256x27xbf16>
    %get3A_240 = arith.constant 16 : index
    %get3A_241 = arith.constant 0 : index
    %get3A_242 = arith.constant 0 : index
    %get3A_243 = vector.load %arg11[%get3A_240, %get3A_241, %get3A_242] : memref<27x27x512xf32, #tpu.memory_space<vmem>>, vector<1x27x512xf32>
    %get3A_244 = vector.shape_cast %get3A_243 : vector<1x27x512xf32> to vector<27x512xf32>
    %convert_element_type3A_245 = arith.truncf %get3A_244 : vector<27x512xf32> to vector<27x512xbf16>
    %dot_general3A_246 = arith.constant dense<0.000000e+00> : vector<256x512xf32>
    %dot_general3A_247 = tpu.matmul %squeeze3A_239, %convert_element_type3A_245, %dot_general3A_246 {dimension_numbers = #tpu.dot_dimension_numbers<[1], [0], [0], [1], [0, 0, 1, 1], [], []>, transpose_lhs_hint = false} : vector<256x27xbf16>, vector<27x512xbf16>, vector<256x512xf32> -> vector<256x512xf32>
    %add3A_248 = arith.addf %add3A_237, %dot_general3A_247 : vector<256x512xf32>
    %slice3A_249 = vector.extract_strided_slice %convert_element_type3A_52 {offsets = [0, 17, 0], sizes = [256, 1, 27], strides = [1, 1, 1]} : vector<256x27x27xbf16> to vector<256x1x27xbf16>
    %squeeze3A_250 = vector.shape_cast %slice3A_249 : vector<256x1x27xbf16> to vector<256x27xbf16>
    %get3A_251 = arith.constant 17 : index
    %get3A_252 = arith.constant 0 : index
    %get3A_253 = arith.constant 0 : index
    %get3A_254 = vector.load %arg11[%get3A_251, %get3A_252, %get3A_253] : memref<27x27x512xf32, #tpu.memory_space<vmem>>, vector<1x27x512xf32>
    %get3A_255 = vector.shape_cast %get3A_254 : vector<1x27x512xf32> to vector<27x512xf32>
    %convert_element_type3A_256 = arith.truncf %get3A_255 : vector<27x512xf32> to vector<27x512xbf16>
    %dot_general3A_257 = arith.constant dense<0.000000e+00> : vector<256x512xf32>
    %dot_general3A_258 = tpu.matmul %squeeze3A_250, %convert_element_type3A_256, %dot_general3A_257 {dimension_numbers = #tpu.dot_dimension_numbers<[1], [0], [0], [1], [0, 0, 1, 1], [], []>, transpose_lhs_hint = false} : vector<256x27xbf16>, vector<27x512xbf16>, vector<256x512xf32> -> vector<256x512xf32>
    %add3A_259 = arith.addf %add3A_248, %dot_general3A_258 : vector<256x512xf32>
    %slice3A_260 = vector.extract_strided_slice %convert_element_type3A_52 {offsets = [0, 18, 0], sizes = [256, 1, 27], strides = [1, 1, 1]} : vector<256x27x27xbf16> to vector<256x1x27xbf16>
    %squeeze3A_261 = vector.shape_cast %slice3A_260 : vector<256x1x27xbf16> to vector<256x27xbf16>
    %get3A_262 = arith.constant 18 : index
    %get3A_263 = arith.constant 0 : index
    %get3A_264 = arith.constant 0 : index
    %get3A_265 = vector.load %arg11[%get3A_262, %get3A_263, %get3A_264] : memref<27x27x512xf32, #tpu.memory_space<vmem>>, vector<1x27x512xf32>
    %get3A_266 = vector.shape_cast %get3A_265 : vector<1x27x512xf32> to vector<27x512xf32>
    %convert_element_type3A_267 = arith.truncf %get3A_266 : vector<27x512xf32> to vector<27x512xbf16>
    %dot_general3A_268 = arith.constant dense<0.000000e+00> : vector<256x512xf32>
    %dot_general3A_269 = tpu.matmul %squeeze3A_261, %convert_element_type3A_267, %dot_general3A_268 {dimension_numbers = #tpu.dot_dimension_numbers<[1], [0], [0], [1], [0, 0, 1, 1], [], []>, transpose_lhs_hint = false} : vector<256x27xbf16>, vector<27x512xbf16>, vector<256x512xf32> -> vector<256x512xf32>
    %add3A_270 = arith.addf %add3A_259, %dot_general3A_269 : vector<256x512xf32>
    %slice3A_271 = vector.extract_strided_slice %convert_element_type3A_52 {offsets = [0, 19, 0], sizes = [256, 1, 27], strides = [1, 1, 1]} : vector<256x27x27xbf16> to vector<256x1x27xbf16>
    %squeeze3A_272 = vector.shape_cast %slice3A_271 : vector<256x1x27xbf16> to vector<256x27xbf16>
    %get3A_273 = arith.constant 19 : index
    %get3A_274 = arith.constant 0 : index
    %get3A_275 = arith.constant 0 : index
    %get3A_276 = vector.load %arg11[%get3A_273, %get3A_274, %get3A_275] : memref<27x27x512xf32, #tpu.memory_space<vmem>>, vector<1x27x512xf32>
    %get3A_277 = vector.shape_cast %get3A_276 : vector<1x27x512xf32> to vector<27x512xf32>
    %convert_element_type3A_278 = arith.truncf %get3A_277 : vector<27x512xf32> to vector<27x512xbf16>
    %dot_general3A_279 = arith.constant dense<0.000000e+00> : vector<256x512xf32>
    %dot_general3A_280 = tpu.matmul %squeeze3A_272, %convert_element_type3A_278, %dot_general3A_279 {dimension_numbers = #tpu.dot_dimension_numbers<[1], [0], [0], [1], [0, 0, 1, 1], [], []>, transpose_lhs_hint = false} : vector<256x27xbf16>, vector<27x512xbf16>, vector<256x512xf32> -> vector<256x512xf32>
    %add3A_281 = arith.addf %add3A_270, %dot_general3A_280 : vector<256x512xf32>
    %slice3A_282 = vector.extract_strided_slice %convert_element_type3A_52 {offsets = [0, 20, 0], sizes = [256, 1, 27], strides = [1, 1, 1]} : vector<256x27x27xbf16> to vector<256x1x27xbf16>
    %squeeze3A_283 = vector.shape_cast %slice3A_282 : vector<256x1x27xbf16> to vector<256x27xbf16>
    %get3A_284 = arith.constant 20 : index
    %get3A_285 = arith.constant 0 : index
    %get3A_286 = arith.constant 0 : index
    %get3A_287 = vector.load %arg11[%get3A_284, %get3A_285, %get3A_286] : memref<27x27x512xf32, #tpu.memory_space<vmem>>, vector<1x27x512xf32>
    %get3A_288 = vector.shape_cast %get3A_287 : vector<1x27x512xf32> to vector<27x512xf32>
    %convert_element_type3A_289 = arith.truncf %get3A_288 : vector<27x512xf32> to vector<27x512xbf16>
    %dot_general3A_290 = arith.constant dense<0.000000e+00> : vector<256x512xf32>
    %dot_general3A_291 = tpu.matmul %squeeze3A_283, %convert_element_type3A_289, %dot_general3A_290 {dimension_numbers = #tpu.dot_dimension_numbers<[1], [0], [0], [1], [0, 0, 1, 1], [], []>, transpose_lhs_hint = false} : vector<256x27xbf16>, vector<27x512xbf16>, vector<256x512xf32> -> vector<256x512xf32>
    %add3A_292 = arith.addf %add3A_281, %dot_general3A_291 : vector<256x512xf32>
    %slice3A_293 = vector.extract_strided_slice %convert_element_type3A_52 {offsets = [0, 21, 0], sizes = [256, 1, 27], strides = [1, 1, 1]} : vector<256x27x27xbf16> to vector<256x1x27xbf16>
    %squeeze3A_294 = vector.shape_cast %slice3A_293 : vector<256x1x27xbf16> to vector<256x27xbf16>
    %get3A_295 = arith.constant 21 : index
    %get3A_296 = arith.constant 0 : index
    %get3A_297 = arith.constant 0 : index
    %get3A_298 = vector.load %arg11[%get3A_295, %get3A_296, %get3A_297] : memref<27x27x512xf32, #tpu.memory_space<vmem>>, vector<1x27x512xf32>
    %get3A_299 = vector.shape_cast %get3A_298 : vector<1x27x512xf32> to vector<27x512xf32>
    %convert_element_type3A_300 = arith.truncf %get3A_299 : vector<27x512xf32> to vector<27x512xbf16>
    %dot_general3A_301 = arith.constant dense<0.000000e+00> : vector<256x512xf32>
    %dot_general3A_302 = tpu.matmul %squeeze3A_294, %convert_element_type3A_300, %dot_general3A_301 {dimension_numbers = #tpu.dot_dimension_numbers<[1], [0], [0], [1], [0, 0, 1, 1], [], []>, transpose_lhs_hint = false} : vector<256x27xbf16>, vector<27x512xbf16>, vector<256x512xf32> -> vector<256x512xf32>
    %add3A_303 = arith.addf %add3A_292, %dot_general3A_302 : vector<256x512xf32>
    %slice3A_304 = vector.extract_strided_slice %convert_element_type3A_52 {offsets = [0, 22, 0], sizes = [256, 1, 27], strides = [1, 1, 1]} : vector<256x27x27xbf16> to vector<256x1x27xbf16>
    %squeeze3A_305 = vector.shape_cast %slice3A_304 : vector<256x1x27xbf16> to vector<256x27xbf16>
    %get3A_306 = arith.constant 22 : index
    %get3A_307 = arith.constant 0 : index
    %get3A_308 = arith.constant 0 : index
    %get3A_309 = vector.load %arg11[%get3A_306, %get3A_307, %get3A_308] : memref<27x27x512xf32, #tpu.memory_space<vmem>>, vector<1x27x512xf32>
    %get3A_310 = vector.shape_cast %get3A_309 : vector<1x27x512xf32> to vector<27x512xf32>
    %convert_element_type3A_311 = arith.truncf %get3A_310 : vector<27x512xf32> to vector<27x512xbf16>
    %dot_general3A_312 = arith.constant dense<0.000000e+00> : vector<256x512xf32>
    %dot_general3A_313 = tpu.matmul %squeeze3A_305, %convert_element_type3A_311, %dot_general3A_312 {dimension_numbers = #tpu.dot_dimension_numbers<[1], [0], [0], [1], [0, 0, 1, 1], [], []>, transpose_lhs_hint = false} : vector<256x27xbf16>, vector<27x512xbf16>, vector<256x512xf32> -> vector<256x512xf32>
    %add3A_314 = arith.addf %add3A_303, %dot_general3A_313 : vector<256x512xf32>
    %slice3A_315 = vector.extract_strided_slice %convert_element_type3A_52 {offsets = [0, 23, 0], sizes = [256, 1, 27], strides = [1, 1, 1]} : vector<256x27x27xbf16> to vector<256x1x27xbf16>
    %squeeze3A_316 = vector.shape_cast %slice3A_315 : vector<256x1x27xbf16> to vector<256x27xbf16>
    %get3A_317 = arith.constant 23 : index
    %get3A_318 = arith.constant 0 : index
    %get3A_319 = arith.constant 0 : index
    %get3A_320 = vector.load %arg11[%get3A_317, %get3A_318, %get3A_319] : memref<27x27x512xf32, #tpu.memory_space<vmem>>, vector<1x27x512xf32>
    %get3A_321 = vector.shape_cast %get3A_320 : vector<1x27x512xf32> to vector<27x512xf32>
    %convert_element_type3A_322 = arith.truncf %get3A_321 : vector<27x512xf32> to vector<27x512xbf16>
    %dot_general3A_323 = arith.constant dense<0.000000e+00> : vector<256x512xf32>
    %dot_general3A_324 = tpu.matmul %squeeze3A_316, %convert_element_type3A_322, %dot_general3A_323 {dimension_numbers = #tpu.dot_dimension_numbers<[1], [0], [0], [1], [0, 0, 1, 1], [], []>, transpose_lhs_hint = false} : vector<256x27xbf16>, vector<27x512xbf16>, vector<256x512xf32> -> vector<256x512xf32>
    %add3A_325 = arith.addf %add3A_314, %dot_general3A_324 : vector<256x512xf32>
    %slice3A_326 = vector.extract_strided_slice %convert_element_type3A_52 {offsets = [0, 24, 0], sizes = [256, 1, 27], strides = [1, 1, 1]} : vector<256x27x27xbf16> to vector<256x1x27xbf16>
    %squeeze3A_327 = vector.shape_cast %slice3A_326 : vector<256x1x27xbf16> to vector<256x27xbf16>
    %get3A_328 = arith.constant 24 : index
    %get3A_329 = arith.constant 0 : index
    %get3A_330 = arith.constant 0 : index
    %get3A_331 = vector.load %arg11[%get3A_328, %get3A_329, %get3A_330] : memref<27x27x512xf32, #tpu.memory_space<vmem>>, vector<1x27x512xf32>
    %get3A_332 = vector.shape_cast %get3A_331 : vector<1x27x512xf32> to vector<27x512xf32>
    %convert_element_type3A_333 = arith.truncf %get3A_332 : vector<27x512xf32> to vector<27x512xbf16>
    %dot_general3A_334 = arith.constant dense<0.000000e+00> : vector<256x512xf32>
    %dot_general3A_335 = tpu.matmul %squeeze3A_327, %convert_element_type3A_333, %dot_general3A_334 {dimension_numbers = #tpu.dot_dimension_numbers<[1], [0], [0], [1], [0, 0, 1, 1], [], []>, transpose_lhs_hint = false} : vector<256x27xbf16>, vector<27x512xbf16>, vector<256x512xf32> -> vector<256x512xf32>
    %add3A_336 = arith.addf %add3A_325, %dot_general3A_335 : vector<256x512xf32>
    %slice3A_337 = vector.extract_strided_slice %convert_element_type3A_52 {offsets = [0, 25, 0], sizes = [256, 1, 27], strides = [1, 1, 1]} : vector<256x27x27xbf16> to vector<256x1x27xbf16>
    %squeeze3A_338 = vector.shape_cast %slice3A_337 : vector<256x1x27xbf16> to vector<256x27xbf16>
    %get3A_339 = arith.constant 25 : index
    %get3A_340 = arith.constant 0 : index
    %get3A_341 = arith.constant 0 : index
    %get3A_342 = vector.load %arg11[%get3A_339, %get3A_340, %get3A_341] : memref<27x27x512xf32, #tpu.memory_space<vmem>>, vector<1x27x512xf32>
    %get3A_343 = vector.shape_cast %get3A_342 : vector<1x27x512xf32> to vector<27x512xf32>
    %convert_element_type3A_344 = arith.truncf %get3A_343 : vector<27x512xf32> to vector<27x512xbf16>
    %dot_general3A_345 = arith.constant dense<0.000000e+00> : vector<256x512xf32>
    %dot_general3A_346 = tpu.matmul %squeeze3A_338, %convert_element_type3A_344, %dot_general3A_345 {dimension_numbers = #tpu.dot_dimension_numbers<[1], [0], [0], [1], [0, 0, 1, 1], [], []>, transpose_lhs_hint = false} : vector<256x27xbf16>, vector<27x512xbf16>, vector<256x512xf32> -> vector<256x512xf32>
    %add3A_347 = arith.addf %add3A_336, %dot_general3A_346 : vector<256x512xf32>
    %slice3A_348 = vector.extract_strided_slice %convert_element_type3A_52 {offsets = [0, 26, 0], sizes = [256, 1, 27], strides = [1, 1, 1]} : vector<256x27x27xbf16> to vector<256x1x27xbf16>
    %squeeze3A_349 = vector.shape_cast %slice3A_348 : vector<256x1x27xbf16> to vector<256x27xbf16>
    %get3A_350 = arith.constant 26 : index
    %get3A_351 = arith.constant 0 : index
    %get3A_352 = arith.constant 0 : index
    %get3A_353 = vector.load %arg11[%get3A_350, %get3A_351, %get3A_352] : memref<27x27x512xf32, #tpu.memory_space<vmem>>, vector<1x27x512xf32>
    %get3A_354 = vector.shape_cast %get3A_353 : vector<1x27x512xf32> to vector<27x512xf32>
    %convert_element_type3A_355 = arith.truncf %get3A_354 : vector<27x512xf32> to vector<27x512xbf16>
    %dot_general3A_356 = arith.constant dense<0.000000e+00> : vector<256x512xf32>
    %dot_general3A_357 = tpu.matmul %squeeze3A_349, %convert_element_type3A_355, %dot_general3A_356 {dimension_numbers = #tpu.dot_dimension_numbers<[1], [0], [0], [1], [0, 0, 1, 1], [], []>, transpose_lhs_hint = false} : vector<256x27xbf16>, vector<27x512xbf16>, vector<256x512xf32> -> vector<256x512xf32>
    %add3A_358 = arith.addf %add3A_347, %dot_general3A_357 : vector<256x512xf32>
    %max3A_359 = arith.constant 0.000000e+00 : f32
    %max3A_360 = vector.broadcast %max3A_359 : f32 to vector<256x512xf32>
    %max3A_361 = arith.maximumf %add3A_358, %max3A_360 : vector<256x512xf32>
    %get3A_362 = arith.constant 0 : index
    %get3A_363 = arith.constant 0 : index
    %get3A_364 = vector.load %arg13[%get3A_362, %get3A_363] : memref<512x256xf32, #tpu.memory_space<vmem>>, vector<512x256xf32>
    %dot_general3A_365 = arith.constant dense<0.000000e+00> : vector<256x256xf32>
    %dot_general3A_366 = tpu.matmul %max3A_361, %get3A_364, %dot_general3A_365 {dimension_numbers = #tpu.dot_dimension_numbers<[1], [0], [0], [1], [0, 0, 1, 1], [], []>, transpose_lhs_hint = false} : vector<256x512xf32>, vector<512x256xf32>, vector<256x256xf32> -> vector<256x256xf32>
    %get3A_367 = arith.constant 0 : index
    %get3A_368 = arith.constant 0 : index
    %get3A_369 = vector.load %arg14[%get3A_367, %get3A_368] : memref<1x256xf32, #tpu.memory_space<vmem>>, vector<1x256xf32>
    %add3A_370 = vector.broadcast %get3A_369 : vector<1x256xf32> to vector<256x256xf32>
    %add3A_371 = arith.addf %dot_general3A_366, %add3A_370 : vector<256x256xf32>
    %max3A_372 = arith.constant 0.000000e+00 : f32
    %max3A_373 = vector.broadcast %max3A_372 : f32 to vector<256x256xf32>
    %max3A_374 = arith.maximumf %add3A_371, %max3A_373 : vector<256x256xf32>
    %get3A_375 = arith.constant 0 : index
    %get3A_376 = arith.constant 0 : index
    %get3A_377 = vector.load %arg15[%get3A_375, %get3A_376] : memref<256x1xf32, #tpu.memory_space<vmem>>, vector<256x1xf32>
    %dot_general3A_378 = arith.constant dense<0.000000e+00> : vector<256x1xf32>
    %dot_general3A_379 = tpu.matmul %max3A_374, %get3A_377, %dot_general3A_378 {dimension_numbers = #tpu.dot_dimension_numbers<[1], [0], [0], [1], [0, 0, 1, 1], [], []>, transpose_lhs_hint = false} : vector<256x256xf32>, vector<256x1xf32>, vector<256x1xf32> -> vector<256x1xf32>
    %get3A_380 = arith.constant 0 : index
    %get3A_381 = arith.constant 0 : index
    %get3A_382 = vector.load %arg16[%get3A_380, %get3A_381] : memref<1x1xf32, #tpu.memory_space<vmem>>, vector<1x1xf32>
    %add3A_383 = vector.broadcast %get3A_382 : vector<1x1xf32> to vector<256x1xf32>
    %add3A_384 = arith.addf %dot_general3A_379, %add3A_383 : vector<256x1xf32>
    %max3A_385 = arith.constant 0.000000e+00 : f32
    %max3A_386 = vector.broadcast %max3A_385 : f32 to vector<256x1xf32>
    %max3A_387 = arith.maximumf %add3A_384, %max3A_386 : vector<256x1xf32>
    %swap3A = arith.constant 0 : index
    %swap3A_388 = arith.constant 0 : index
    %swap3A_389 = vector.load %arg17[%swap3A, %swap3A_388] : memref<256x1xf32, #tpu.memory_space<vmem>>, vector<256x1xf32>
    tpu.vector_store %arg17[%swap3A, %swap3A_388], %max3A_387 {strides = array<i32>} : memref<256x1xf32, #tpu.memory_space<vmem>>, vector<256x1xf32>,
    return
  }
  func.func @transform_0(%arg0: i32) -> (i32, i32) {
    %c0_i32 = arith.constant 0 : i32
    %c0_i32_0 = arith.constant 0 : i32
    return %arg0, %c0_i32 : i32, i32
  }
  func.func @transform_1(%arg0: i32) -> (i32, i32, i32) {
    %c0_i32 = arith.constant 0 : i32
    %c0_i32_0 = arith.constant 0 : i32
    %c0_i32_1 = arith.constant 0 : i32
    return %arg0, %c0_i32, %c0_i32_0 : i32, i32, i32
  }
  func.func @transform_2(%arg0: i32) -> (i32, i32, i32) {
    %c0_i32 = arith.constant 0 : i32
    %c0_i32_0 = arith.constant 0 : i32
    %c0_i32_1 = arith.constant 0 : i32
    return %arg0, %c0_i32, %c0_i32_0 : i32, i32, i32
  }
  func.func @transform_3(%arg0: i32) -> (i32, i32) {
    %c0_i32 = arith.constant 0 : i32
    %c0_i32_0 = arith.constant 0 : i32
    %c0_i32_1 = arith.constant 0 : i32
    return %c0_i32, %c0_i32_0 : i32, i32
  }
  func.func @transform_4(%arg0: i32) -> (i32, i32) {
    %c0_i32 = arith.constant 0 : i32
    %c0_i32_0 = arith.constant 0 : i32
    %c0_i32_1 = arith.constant 0 : i32
    return %c0_i32, %c0_i32_0 : i32, i32
  }
  func.func @transform_5(%arg0: i32) -> (i32, i32) {
    %c0_i32 = arith.constant 0 : i32
    %c0_i32_0 = arith.constant 0 : i32
    %c0_i32_1 = arith.constant 0 : i32
    return %c0_i32, %c0_i32_0 : i32, i32
  }
  func.func @transform_6(%arg0: i32) -> (i32, i32) {
    %c0_i32 = arith.constant 0 : i32
    %c0_i32_0 = arith.constant 0 : i32
    %c0_i32_1 = arith.constant 0 : i32
    return %c0_i32, %c0_i32_0 : i32, i32
  }
  func.func @transform_7(%arg0: i32) -> (i32, i32) {
    %c0_i32 = arith.constant 0 : i32
    %c0_i32_0 = arith.constant 0 : i32
    %c0_i32_1 = arith.constant 0 : i32
    return %c0_i32, %c0_i32_0 : i32, i32
  }
  func.func @transform_8(%arg0: i32) -> (i32, i32) {
    %c0_i32 = arith.constant 0 : i32
    %c0_i32_0 = arith.constant 0 : i32
    %c0_i32_1 = arith.constant 0 : i32
    return %c0_i32, %c0_i32_0 : i32, i32
  }
  func.func @transform_9(%arg0: i32) -> (i32, i32) {
    %c0_i32 = arith.constant 0 : i32
    %c0_i32_0 = arith.constant 0 : i32
    %c0_i32_1 = arith.constant 0 : i32
    return %c0_i32, %c0_i32_0 : i32, i32
  }
  func.func @transform_10(%arg0: i32) -> (i32, i32, i32) {
    %c0_i32 = arith.constant 0 : i32
    %c0_i32_0 = arith.constant 0 : i32
    %c0_i32_1 = arith.constant 0 : i32
    %c0_i32_2 = arith.constant 0 : i32
    return %c0_i32, %c0_i32_0, %c0_i32_1 : i32, i32, i32
  }
  func.func @transform_11(%arg0: i32) -> (i32, i32) {
    %c0_i32 = arith.constant 0 : i32
    %c0_i32_0 = arith.constant 0 : i32
    %c0_i32_1 = arith.constant 0 : i32
    return %c0_i32, %c0_i32_0 : i32, i32
  }
  func.func @transform_12(%arg0: i32) -> (i32, i32) {
    %c0_i32 = arith.constant 0 : i32
    %c0_i32_0 = arith.constant 0 : i32
    %c0_i32_1 = arith.constant 0 : i32
    return %c0_i32, %c0_i32_0 : i32, i32
  }
  func.func @transform_13(%arg0: i32) -> (i32, i32) {
    %c0_i32 = arith.constant 0 : i32
    %c0_i32_0 = arith.constant 0 : i32
    %c0_i32_1 = arith.constant 0 : i32
    return %c0_i32, %c0_i32_0 : i32, i32
  }
  func.func @transform_14(%arg0: i32) -> (i32, i32) {
    %c0_i32 = arith.constant 0 : i32
    %c0_i32_0 = arith.constant 0 : i32
    %c0_i32_1 = arith.constant 0 : i32
    return %c0_i32, %c0_i32_0 : i32, i32
  }
  func.func @transform_15(%arg0: i32) -> (i32, i32) {
    %c0_i32 = arith.constant 0 : i32
    %c0_i32_0 = arith.constant 0 : i32
    %c0_i32_1 = arith.constant 0 : i32
    return %c0_i32, %c0_i32_0 : i32, i32
  }
  func.func @transform_16(%arg0: i32) -> (i32, i32) {
    %c0_i32 = arith.constant 0 : i32
    %c0_i32_0 = arith.constant 0 : i32
    return %arg0, %c0_i32 : i32, i32
  }
}

</mosaic_0001>

<sc_bundles>
// kernel: kernel.5.cloned.1.call-start
scs
__scs_entry_jumppad:
0x0: {  	(pc) =	sbr.rel $0x88, $3  }
0x1: {  	(tag) =	ssettag $0x0;
	lr =	simm.s32 $0x1  }
0x2: {  	[smem:$0x3F92] =	sst lr;
	_ =	strace $0xD0000000  }
0x3: {  	_ = 	snop  }
0x4: {  	_ = 	snop  }
0x5: {  	_ = 	snop  }
0x6: {  	_ = 	snop  }
0x7: {  	_ = 	snop  }
__scs_overlays_trampoline_lowered:
0x8: {  	[smem:$0x3FA1] =	sst s0  }
0x9: {  	[smem:$0x3FA2] =	sst s1  }
0xa: {  	[smem:$0x3FA3] =	sst s2  }
0xb: {  	[smem:$0x3FA4] =	sst s3  }
0xc: {  	[smem:$0x3FA5] =	sst s4  }
0xd: {  	[smem:$0x3FA6] =	sst s5  }
0xe: {  	[smem:$0x3FA7] =	sst s6  }
0xf: {  	[smem:$0x3FA8] =	sst s7  }
0x10: {  	[smem:$0x3FA9] =	sst s8  }
0x11: {  	[smem:$0x3FAA] =	sst s9;
	s0 =	simm.s32 @!p0 $0x0  }
0x12: {  	s1 =	sld [smem:$0x3F90];
	s0 =	simm.s32 @p0 $0x1  }
0x13: {  	[smem:$0x3FAB] =	sst s0;
	s0 =	simm.s32 @!p1 $0x0  }
0x14: {  	s2 =	sld [smem:$0x3F8F];
	s0 =	simm.s32 @p1 $0x1  }
0x15: {  	[smem:$0x3FAC] =	sst s0;
	s0 =	simm.s32 @!p2 $0x0  }
0x16: {  	s3 =	sld [smem:$0x3FDB];
	s0 =	simm.s32 @p2 $0x1  }
0x17: {  	s4 =	simm.s32 $0x1BF5;
	[smem:$0x3FAE] =	sst s0  }
0x18: {  	s0 =	sld [smem:$0x3F91];
	_ =	swait.ge [sflag:s4], $0x0  }
0x19: {  	s7 =	sld [smem:$0x3F92]  }
0x1a: {  	s8 =	sadd.s32 $0xFFFFE003, lr  }
0x1b: {  	s9 =	sadd.s32 $0xFFFFFEF7, lr;
	s5 =	simm.s32 $0xFFFFFFFF;
	p2 =	slt.u32 s8, $0xFFFFF086  }
0x1c: {  	p1 =	slt.u32 s9, $0xF7A;
	s5 =	simm.s32 @!p2 $0x0  }
0x1d: {  	s5 =	simm.s32 @p1 $0x1;
	p0 =	seq.s32 s7, s2  }
0x1e: {  	s7 =	smul.u32 @!p0 $0xF7A, s2;
	p2 =	seq.s32 @!p0 s5, $0x0  }
0x1f: {  	s9 =	smul.u32 $0xF7A, s1;
	s8 =	simm.s32 @!p0 $0x1BF5;
	p2 =	por !p2, p0  }
0x20: {  	[sflag:s8] =	ssyncset.s32 @!p0 $0xFFFFF086;
	s6 =	sadd.s32 @!p0 s3, s7;
	s7 =	simm.s32 @!p0 $0x108  }
0x21: {  	s3 =	sadd.s32 s3, s9;
	s6 =	sadd.s32 @!p0 $0x88, s6;
	s7 =	simm.s32 @p2 $0x1082  }
0x22: {  	[simem:s7], [sflag:s8] =	dma.local @!p0 [hbm:s6], $0xF7A  }
0x23: {  	s9 =	sor.u32 $0xD0000000, s2;
	s6 =	simm.s32 $0x108;
	_ =	swait.ge @!p0 [sflag:s8], $0x0  }
0x24: {  	s3 =	sadd.s32 $0x88, s3;
	s6 =	simm.s32 @!p1 $0x1082;
	[sflag:s4] =	ssyncset.s32 $0xFFFFF086  }
0x25: {  	[simem:s6], [sflag:s4] =	dma.local [hbm:s3], $0xF7A  }
0x26: {  	[smem:$0x3F92] =	sst s1;
	(tag) =	ssettag s2;
	_ =	strace s9  }
0x27: {  	s1 =	sld [smem:$0x3FA2]  }
0x28: {  	s2 =	sld [smem:$0x3FA3]  }
0x29: {  	s4 =	sld [smem:$0x3FA5]  }
0x2a: {  	p0 =	seq.s32 s5, $0x0;
	s5 =	sld [smem:$0x3FA6]  }
0x2b: {  	s6 =	sld [smem:$0x3FA7]  }
0x2c: {  	s7 =	sld [smem:$0x3FA8]  }
0x2d: {  	s3 =	simm.s32 $0x108;
	s8 =	sld [smem:$0x3FA9]  }
0x2e: {  	s3 =	simm.s32 @!p0 $0x1082;
	s9 =	sld [smem:$0x3FAA]  }
0x2f: {  	lr =	sadd.s32 s0, s3;
	s0 =	sld [smem:$0x3FA1]  }
0x30: {  	s3 =	sld [smem:$0x3FA4]  }
0x31: {  	[smem:$0x3FAD] =	sst s10  }
0x32: {  	s10 =	sld [smem:$0x3FAB];
	_ =	sdelay $0x3  }
0x33: {  	p0 =	seq.s32 s10, $0x1;
	s10 =	sld [smem:$0x3FAD];
	_ =	sdelay $0x3  }
0x34: {  	[smem:$0x3FAD] =	sst s10  }
0x35: {  	s10 =	sld [smem:$0x3FAC];
	_ =	sdelay $0x3  }
0x36: {  	p1 =	seq.s32 s10, $0x1;
	s10 =	sld [smem:$0x3FAD];
	_ =	sdelay $0x3  }
0x37: {  	[smem:$0x3FAD] =	sst s10  }
0x38: {  	s10 =	sld [smem:$0x3FAE]  }
0x39: {  	_ = 	snop;
	(pc) =	sbr.ind lr, $3  }
0x3a: {  	_ = 	snop  }
0x3b: {  	_ = 	snop  }
0x3c: {  	p2 =	seq.s32 s10, $0x1;
	s10 =	sld [smem:$0x3FAD]  }
0x3d: {  	_ =	shalt  }
0x3e: {  	_ =	shalt  }
0x3f: {  	_ =	shalt  }
0x40: {  	_ =	shalt  }
0x41: {  	_ =	shalt  }
0x42: {  	_ =	shalt  }
0x43: {  	_ =	shalt  }
0x44: {  	_ =	shalt  }
0x45: {  	_ =	shalt  }
0x46: {  	_ =	shalt  }
0x47: {  	_ =	shalt  }
0x48: {  	_ =	shalt  }
0x49: {  	_ =	shalt  }
0x4a: {  	_ =	shalt  }
0x4b: {  	_ =	shalt  }
0x4c: {  	_ =	shalt  }
0x4d: {  	_ =	shalt  }
0x4e: {  	_ =	shalt  }
0x4f: {  	_ =	shalt  }
0x50: {  	_ =	shalt  }
0x51: {  	_ =	shalt  }
0x52: {  	_ =	shalt  }
0x53: {  	_ =	shalt  }
0x54: {  	_ =	shalt  }
0x55: {  	_ =	shalt  }
0x56: {  	_ =	shalt  }
0x57: {  	_ =	shalt  }
0x58: {  	_ =	shalt  }
0x59: {  	_ =	shalt  }
0x5a: {  	_ =	shalt  }
0x5b: {  	_ =	shalt  }
0x5c: {  	_ =	shalt  }
0x5d: {  	_ =	shalt  }
0x5e: {  	_ =	shalt  }
0x5f: {  	_ =	shalt  }
0x60: {  	_ =	shalt  }
0x61: {  	_ =	shalt  }
0x62: {  	_ =	shalt  }
0x63: {  	_ =	shalt  }
0x64: {  	_ =	shalt  }
0x65: {  	_ =	shalt  }
0x66: {  	_ =	shalt  }
0x67: {  	_ =	shalt  }
0x68: {  	_ =	shalt  }
0x69: {  	_ =	shalt  }
0x6a: {  	_ =	shalt  }
0x6b: {  	_ =	shalt  }
0x6c: {  	_ =	shalt  }
0x6d: {  	_ =	shalt  }
0x6e: {  	_ =	shalt  }
0x6f: {  	_ =	shalt  }
0x70: {  	_ =	shalt  }
0x71: {  	_ =	shalt  }
0x72: {  	_ =	shalt  }
0x73: {  	_ =	shalt  }
0x74: {  	_ =	shalt  }
0x75: {  	_ =	shalt  }
0x76: {  	_ =	shalt  }
0x77: {  	_ =	shalt  }
0x78: {  	_ =	shalt  }
0x79: {  	_ =	shalt  }
0x7a: {  	_ =	shalt  }
0x7b: {  	_ =	shalt  }
0x7c: {  	_ =	shalt  }
0x7d: {  	_ =	shalt  }
0x7e: {  	_ =	shalt  }
0x7f: {  	_ =	shalt  }
0x80: {  	_ =	shalt  }
0x81: {  	_ =	shalt  }
0x82: {  	_ =	shalt  }
0x83: {  	_ =	shalt  }
0x84: {  	_ =	shalt  }
0x85: {  	_ =	shalt  }
0x86: {  	_ =	shalt  }
0x87: {  	_ =	shalt  }
.Lfunc_end0:
.L_simem_size_0:
called_computation_lowered:
.L_overlay_start_0:
0x88: {  	s2 =	sld [smem:$0x3FD9]  }
0x89: {  	s3 =	sld [smem:$0x3FFE];
	_ =	sdelay $0x1  }
0x8a: {  	s1 =	srdreg.scid  }
0x8b: {  	s0 =	sand.u32 $0x1, s1  }
0x8c: {  	s16 =	sshll.u32 s0, $0xA;
	s2 =	sadd.s32 s3, s2  }
0x8d: {  	s2 =	sadd.s32 s2, s16  }
0x8e: {  	[smem:$0x3FB9] =	sst s2  }
0x8f: {  	_ = 	snop  }
0x90: {  	(tm) =	ssettm $0x1  }
0x91: {  	s17 =	sld [smem:$0x3FFB];
	_ =	sdelay $0x3  }
0x92: {  	_ =	strace s17  }
0x93: {  	s2 =	sld [smem:$0x3FFC];
	_ =	sdelay $0x3  }
0x94: {  	_ =	strace s2  }
0x95: {  	s2 =	sld [smem:$0x3FFD];
	_ =	sdelay $0x3  }
0x96: {  	_ =	strace s2  }
0x97: {  	_ =	strace $0x8FFFFFFF  }
0x98: {  	s18 =	sld [smem:$0x3FDB];
	_ =	sdelay $0x1  }
0x99: {  	s19 =	simm.s32 $_scs_section_size  }
0x9a: {  	s4 =	simm.s32 $_size__tile_overlayer_lowered;
	s5 =	simm.s32 $_tile_overlayer_lowered  }
0x9b: {  	s22 =	simm.s32 $0x1BFF;
	s21 =	sshll.u32 s5, $0x1;
	s2 =	sadd.s32 s19, s18  }
0x9c: {  	s6 =	simm.s32 $0x0;
	s20 =	sshll.u32 s4, $0x1;
	s4 =	sadd.s32 s21, s2  }
0x9d: {  	[timem:s6], [sflag:s22] =	dma.local [hbm:s4], s20  }
0x9e: {  	_ =	swait.ge [sflag:s22], s20  }
0x9f: {  	s3 =	ssub.s32 $0x0, s20;
	[sflag:s22] =	ssyncset.done $0x0  }
0xa0: {  	[sflag:s22] =	ssyncadd.s32 s3;
	_ =	sdelay $0x1  }
0xa1: {  	s23 =	simm.s32 $0x1B8B  }
0xa2: {  	_ =	swait.ge [sflag:s23], $0x1  }
0xa3: {  	[sflag:s23] =	ssyncset.done $0x0  }
0xa4: {  	s25 =	simm.s32 $0x1B8E;
	s24 =	sld [smem:$0x3FFE];
	[sflag:s23] =	ssyncadd.s32 $0xFFFFFFFF  }
0xa5: {  	s26 =	simm.s32 $execute0_lowered;
	[smem:$0x3FD2] =	sst s25  }
0xa6: {  	s4 =	sshll.u32 s26, $0x1;
	_ =	strace $0x80000046;
	[dreg:$0x1] =	wrdreg $0xFFFFFFFF  }
0xa7: {  	s28 =	simm.s32 $_size_execute0_lowered;
	s2 =	sadd.s32 s2, s4;
	[dreg:$0x0] =	wrdreg $0x0  }
0xa8: {  	s4 =	sshll.u32 s28, $0x1;
	[dreg:$0x2] =	wrdreg s2  }
0xa9: {  	[dreg:$0x3] =	wrdreg s4  }
0xaa: {  	[dreg:$0x4] =	wrdreg $0xC0  }
0xab: {  	_ =	task [dreg:s6], $0x5FFFF  }
0xac: {  	[dreg:$0x1] =	wrdreg $0xFFFFFFFF  }
0xad: {  	[dreg:$0x0] =	wrdreg $0x60  }
0xae: {  	[dreg:$0x2] =	wrdreg s24  }
0xaf: {  	[dreg:$0x3] =	wrdreg $0x9  }
0xb0: {  	_ =	task.clear_ibuf [dreg:s6], $0x4FFFF;
	_ =	strace $0x90000046  }
0xb1: {  	s29 =	simm.s32 $0x9;
	_ =	strace $0x80000048  }
0xb2: {  	_ =	swait.ge [sflag:s29], $0x1  }
0xb3: {  	[sflag:s29] =	ssyncadd.s32 $0xFFFFFFFF  }
0xb4: {  	_ =	strace $0x90000048  }
0xb5: {  	_ =	sfence  }
0xb6: {  	s30 =	sld [smem:$0x0];
	_ =	sdelay $0x2  }
0xb7: {  	s31 =	sshll.u32 s1, $0xD;
	s1 =	sshrl.u32 s1, $0x2  }
0xb8: {  	s3 =	sand.u32 $0x4000, s31;
	s1 =	sadd.s32 s1, s30  }
0xb9: {  	s0 =	sor.u32 s3, s0;
	s1 =	sshll.u32 s1, $0x11  }
0xba: {  	s0 =	sor.u32 s1, s0  }
0xbb: {  	s0 =	sadd.s32 $0x8F2B, s0  }
0xbc: {  	[sflag:s0] =	ssyncadd.remote.s32 $0x1  }
0xbd: {  	_ =	sfence.sel $0xFFFF  }
0xbe: {  	[dreg:$0x0] =	wrdreg $0xFFFFFFFF;
	(pc) =	sbr.abs _section_cstart, $3  }
0xbf: {  	[dreg:$0x1] =	wrdreg $0xFFFFFFFF  }
0xc0: {  	_ =	task.clear_ibuf [dreg:s6], $0x2FFFF;
	_ =	strace $0x9FFFFFFF  }
0xc1: {  	(tm) =	ssettm $0x7FFFFFFF  }
tec
execute0_lowered:
.L_overlay_start_1:
0x0: {  	(tag) =	ssettag $0x1  }
0x1: {  	s0 =	srdreg.scid;
	s13 =	stileid.u32  }
0x2: {  	s0 =	sand.u32 $0x1, s0;
	s1 =	sshll.u32 s13, $0x1  }
0x3: {  	s1 =	sor.u32 s0, s1  }
0x4: {  	s4 =	smul.u32 $0x1A0, s1  }
0x5: {  	s3 =	rddreg [dreg:$0x0];
	s2 =	simm.s32 $0x0;
	s5 =	smul.u32 $0xD000, s1  }
0x6: {  	[smem:$0x7FF] =	sst s2;
	s1 =	smul.u32 $0x68000, s1  }
0x7: {  	s6 =	sadd.s32 $0x1525000, s3;
	_ =	strace $0x80000047;
	s4 =	sadd.s32 s4, s3  }
0x8: {  	s26 =	sadd.s32 s6, s5;
	s1 =	sshrl.u32 s1, $0x3;
	s4 =	sadd.s32 $0x1521C00, s4  }
0x9: {  	s12 =	sadd.s32 $0x800, s26;
	s1 =	sadd.s32 s6, s1;
	[dreg:$0x2] =	wrdreg s4  }
0xa: {  	[dreg:$0x3] =	wrdreg s12;
	s14 =	sadd.s32 $0x1000, s1  }
0xb: {  	s15 =	sadd.s32 $0x1800, s1;
	[dreg:$0x4] =	wrdreg s14  }
0xc: {  	s16 =	sadd.s32 $0x2000, s1;
	[dreg:$0x5] =	wrdreg s15  }
0xd: {  	s17 =	sadd.s32 $0x2800, s1;
	[dreg:$0x6] =	wrdreg s16  }
0xe: {  	s18 =	sadd.s32 $0x3000, s1;
	[dreg:$0x7] =	wrdreg s17  }
0xf: {  	s19 =	sadd.s32 $0x3800, s1;
	[dreg:$0x8] =	wrdreg s18  }
0x10: {  	s20 =	sadd.s32 $0x4000, s1;
	[dreg:$0x9] =	wrdreg s19  }
0x11: {  	s21 =	sadd.s32 $0x4800, s1;
	[dreg:$0xa] =	wrdreg s20  }
0x12: {  	s22 =	sadd.s32 $0x5000, s1;
	[dreg:$0xb] =	wrdreg s21  }
0x13: {  	s23 =	sadd.s32 $0x5800, s1;
	[dreg:$0xc] =	wrdreg s22  }
0x14: {  	s24 =	sadd.s32 $0x6000, s1;
	[dreg:$0xd] =	wrdreg s23  }
0x15: {  	s25 =	sadd.s32 $0x6800, s1;
	[dreg:$0xe] =	wrdreg s24  }
0x16: {  	s5 =	sadd.s32 $0x7000, s1;
	[dreg:$0xf] =	wrdreg s25  }
0x17: {  	s6 =	sadd.s32 $0x7800, s1;
	[dreg:$0x10] =	wrdreg s5  }
0x18: {  	s31 =	simm.s32 $0x3;
	s7 =	sadd.s32 $0x8000, s1;
	[dreg:$0x11] =	wrdreg s6  }
0x19: {  	s30 =	simm.s32 $0x580;
	s8 =	sadd.s32 $0x8800, s1;
	[dreg:$0x12] =	wrdreg s7  }
0x1a: {  	s29 =	simm.s32 $0x600;
	s9 =	sadd.s32 $0x9000, s1;
	[dreg:$0x13] =	wrdreg s8  }
0x1b: {  	s28 =	simm.s32 $0x680;
	s10 =	sadd.s32 $0x9800, s1;
	[dreg:$0x14] =	wrdreg s9  }
0x1c: {  	p0 =	por $0x0, $0x0;
	s11 =	sadd.s32 $0xA000, s1;
	[dreg:$0x15] =	wrdreg s10  }
0x1d: {  	s0 =	ssub.s32 $0x2, s0;
	s12 =	sadd.s32 $0xA800, s1;
	[dreg:$0x16] =	wrdreg s11  }
0x1e: {  	s3 =	sadd.s32 $0x1C00, s3;
	[dreg:$0x17] =	wrdreg s12;
	s14 =	sadd.s32 $0xB000, s1  }
0x1f: {  	s4 =	simm.s32 $0x4D00;
	s15 =	sadd.s32 $0xB800, s1;
	[dreg:$0x18] =	wrdreg s14  }
0x20: {  	s16 =	sshrl.u32 s0, $0x1;
	s17 =	sadd.s32 $0xC000, s1;
	[dreg:$0x19] =	wrdreg s15  }
0x21: {  	s1 =	sadd.s32 $0xC800, s1;
	s8 =	simm.s32 $0x80;
	[dreg:$0x1a] =	wrdreg s17  }
0x22: {  	s6 =	simm.s32 $0xD00;
	s18 =	simm.s32 $0x100;
	[dreg:$0x1b] =	wrdreg s1  }
0x23: {  	s19 =	simm.s32 $0x180;
	s12 =	simm.s32 $0x8D00;
	[dreg:$0x1c] =	wrdreg s18  }
0x24: {  	s20 =	simm.s32 $0x200;
	s7 =	simm.s32 $0x1;
	[dreg:$0x1d] =	wrdreg s19  }
0x25: {  	s21 =	simm.s32 $0x280;
	s11 =	simm.s32 $0xCD00;
	[dreg:$0x1e] =	wrdreg s20  }
0x26: {  	s22 =	simm.s32 $0x300;
	s10 =	simm.s32 $0x10D00;
	[dreg:$0x1f] =	wrdreg s21  }
0x27: {  	s23 =	simm.s32 $0x380;
	s9 =	simm.s32 $0x14D00;
	[smem:$0x7FA] =	sst s22  }
0x28: {  	s24 =	simm.s32 $0x400;
	s0 =	ssub.s32 s0, s16;
	[smem:$0x7FB] =	sst s23  }
0x29: {  	s25 =	simm.s32 $0x480;
	[smem:$0x7FC] =	sst s24;
	s0 =	smax.u32 s0, $0x1  }
0x2a: {  	s5 =	simm.s32 $0x2;
	[smem:$0x7FD] =	sst s25;
	p1 =	sne.s32 s0, $0x1  }
.Ltmp0:
0x2b: {  	s25 =	simm.s32 $0x700;
	s24 =	simm.s32 $0x780;
	(pc) =	sbr.rel @!p1 .LBB2_1-.Ltmp0, $4  }
0x2c: {  	s23 =	simm.s32 $0x800;
	s22 =	simm.s32 $0x880;
	s21 =	simm.s32 $0x900  }
0x2d: {  	s20 =	simm.s32 $0x980;
	s19 =	simm.s32 $0xA00;
	s18 =	simm.s32 $0xA80  }
0x2e: {  	s17 =	simm.s32 $0xB00;
	s16 =	simm.s32 $0xB80;
	s15 =	simm.s32 $0xC00  }
0x2f: {  	s14 =	simm.s32 $0xC80;
	s1 =	sadd.s32 $0xFFFFFFFF, s0;
	s0 =	rddreg [dreg:$0x2]  }
0x30: {  	[tilespmem:s2], [sflag:$0x3] =	stream.linear.gather [hbm4b:s0+s2], $0xD00, $0x38;
	[tilespmem:$0x18D00] =	vst v63  }
0x31: {  	_ =	swait.ge [sflag:s31], $0xD00  }
0x32: {  	[sflag:s31] =	ssyncset.done $0x0  }
0x33: {  	[sflag:s31] =	ssyncadd.s32 $0xFFFFF300  }
0x34: {  	[tilespmem:s6], [sflag:$0x1] =	stream.indirect.gather [hbm4b:s3+s8], $0x80, s2, s8, $0xb8;
	[tilespmem:$0x18D00] =	vst v63  }
0x35: {  	_ = 	snop  }
0x36: {  	[tilespmem:s4], [sflag:$0x1] =	stream.indirect.gather [hbm4b:s3+s8], $0x80, s8, s8, $0xb8;
	[tilespmem:$0x18D00] =	vst v63  }
0x37: {  	s13 =	rddreg [dreg:$0x1c]  }
0x38: {  	[tilespmem:s12], [sflag:$0x1] =	stream.indirect.gather [hbm4b:s3+s8], $0x80, s13, s8, $0xb8;
	[tilespmem:$0x18D00] =	vst v63  }
0x39: {  	_ =	swait.ge [sflag:s7], $0x4000  }
0x3a: {  	[sflag:s7] =	ssyncset.done $0x0  }
0x3b: {  	[sflag:s7] =	ssyncadd.s32 $0xFFFFC000  }
0x3c: {  	[hbm4b:s26+s2] =	stream.linear.scatter [tilespmem:s6], [sflag:$0x2], $0x4000, $0x38;
	[tilespmem:$0x18D00] =	vst v63  }
0x3d: {  	s13 =	rddreg [dreg:$0x1d]  }
0x3e: {  	[tilespmem:s11], [sflag:$0x1] =	stream.indirect.gather [hbm4b:s3+s8], $0x80, s13, s8, $0xb8;
	[tilespmem:$0x18D00] =	vst v63  }
0x3f: {  	_ =	swait.ge [sflag:s7], $0x4000  }
0x40: {  	[sflag:s7] =	ssyncset.done $0x0  }
0x41: {  	s0 =	rddreg [dreg:$0x3];
	[sflag:s7] =	ssyncadd.s32 $0xFFFFC000  }
0x42: {  	[hbm4b:s0+s2] =	stream.linear.scatter [tilespmem:s4], [sflag:$0x2], $0x4000, $0x38;
	[tilespmem:$0x18D00] =	vst v63  }
0x43: {  	s13 =	smov.u32 s1;
	s1 =	rddreg [dreg:$0x1e]  }
0x44: {  	[tilespmem:s10], [sflag:$0x1] =	stream.indirect.gather [hbm4b:s3+s8], $0x80, s1, s8, $0xb8;
	[tilespmem:$0x18D00] =	vst v63  }
0x45: {  	_ =	swait.ge [sflag:s7], $0x4000  }
0x46: {  	[sflag:s7] =	ssyncset.done $0x0  }
0x47: {  	s0 =	rddreg [dreg:$0x4];
	[sflag:s7] =	ssyncadd.s32 $0xFFFFC000  }
0x48: {  	[hbm4b:s0+s2] =	stream.linear.scatter [tilespmem:s12], [sflag:$0x2], $0x4000, $0x38;
	[tilespmem:$0x18D00] =	vst v63  }
0x49: {  	s1 =	rddreg [dreg:$0x1f]  }
0x4a: {  	[tilespmem:s9], [sflag:$0x1] =	stream.indirect.gather [hbm4b:s3+s8], $0x80, s1, s8, $0xb8;
	[tilespmem:$0x18D00] =	vst v63  }
0x4b: {  	_ =	swait.ge [sflag:s7], $0x4000  }
0x4c: {  	[sflag:s7] =	ssyncset.done $0x0  }
0x4d: {  	s1 =	rddreg [dreg:$0x5];
	[sflag:s7] =	ssyncadd.s32 $0xFFFFC000  }
0x4e: {  	[hbm4b:s1+s2] =	stream.linear.scatter [tilespmem:s11], [sflag:$0x2], $0x4000, $0x38;
	[tilespmem:$0x18D00] =	vst v63  }
0x4f: {  	_ =	swait.ge [sflag:s5], $0x4000  }
0x50: {  	s1 =	sld [smem:$0x7FA]  }
0x51: {  	[sflag:s5] =	ssyncset.done $0x0  }
0x52: {  	[sflag:s5] =	ssyncadd.s32 $0xFFFFC000  }
0x53: {  	[tilespmem:s6], [sflag:$0x1] =	stream.indirect.gather [hbm4b:s3+s8], $0x80, s1, s8, $0xb8;
	[tilespmem:$0x18D00] =	vst v63  }
0x54: {  	_ =	swait.ge [sflag:s7], $0x4000  }
0x55: {  	[sflag:s7] =	ssyncset.done $0x0  }
0x56: {  	s1 =	rddreg [dreg:$0x6];
	[sflag:s7] =	ssyncadd.s32 $0xFFFFC000  }
0x57: {  	[hbm4b:s1+s2] =	stream.linear.scatter [tilespmem:s10], [sflag:$0x2], $0x4000, $0x38;
	[tilespmem:$0x18D00] =	vst v63  }
0x58: {  	_ =	swait.ge [sflag:s5], $0x4000  }
0x59: {  	s1 =	sld [smem:$0x7FB]  }
0x5a: {  	[sflag:s5] =	ssyncset.done $0x0  }
0x5b: {  	[sflag:s5] =	ssyncadd.s32 $0xFFFFC000  }
0x5c: {  	[tilespmem:s4], [sflag:$0x1] =	stream.indirect.gather [hbm4b:s3+s8], $0x80, s1, s8, $0xb8;
	[tilespmem:$0x18D00] =	vst v63  }
0x5d: {  	_ =	swait.ge [sflag:s7], $0x4000  }
0x5e: {  	[sflag:s7] =	ssyncset.done $0x0  }
0x5f: {  	s1 =	rddreg [dreg:$0x7];
	[sflag:s7] =	ssyncadd.s32 $0xFFFFC000  }
0x60: {  	[hbm4b:s1+s2] =	stream.linear.scatter [tilespmem:s9], [sflag:$0x2], $0x4000, $0x38;
	[tilespmem:$0x18D00] =	vst v63  }
0x61: {  	_ =	swait.ge [sflag:s5], $0x4000  }
0x62: {  	s1 =	sld [smem:$0x7FC]  }
0x63: {  	[sflag:s5] =	ssyncset.done $0x0  }
0x64: {  	[sflag:s5] =	ssyncadd.s32 $0xFFFFC000  }
0x65: {  	[tilespmem:s12], [sflag:$0x1] =	stream.indirect.gather [hbm4b:s3+s8], $0x80, s1, s8, $0xb8;
	[tilespmem:$0x18D00] =	vst v63  }
0x66: {  	_ =	swait.ge [sflag:s7], $0x4000  }
0x67: {  	[sflag:s7] =	ssyncset.done $0x0  }
0x68: {  	s1 =	rddreg [dreg:$0x8];
	[sflag:s7] =	ssyncadd.s32 $0xFFFFC000  }
0x69: {  	[hbm4b:s1+s2] =	stream.linear.scatter [tilespmem:s6], [sflag:$0x2], $0x4000, $0x38;
	[tilespmem:$0x18D00] =	vst v63  }
0x6a: {  	_ =	swait.ge [sflag:s5], $0x4000  }
0x6b: {  	s1 =	sld [smem:$0x7FD]  }
0x6c: {  	[sflag:s5] =	ssyncset.done $0x0  }
0x6d: {  	[sflag:s5] =	ssyncadd.s32 $0xFFFFC000  }
0x6e: {  	[tilespmem:s11], [sflag:$0x1] =	stream.indirect.gather [hbm4b:s3+s8], $0x80, s1, s8, $0xb8;
	[tilespmem:$0x18D00] =	vst v63  }
0x6f: {  	_ =	swait.ge [sflag:s7], $0x4000  }
0x70: {  	[sflag:s7] =	ssyncset.done $0x0  }
0x71: {  	s1 =	rddreg [dreg:$0x9];
	[sflag:s7] =	ssyncadd.s32 $0xFFFFC000  }
0x72: {  	[hbm4b:s1+s2] =	stream.linear.scatter [tilespmem:s4], [sflag:$0x2], $0x4000, $0x38;
	[tilespmem:$0x18D00] =	vst v63  }
0x73: {  	_ =	swait.ge [sflag:s5], $0x4000  }
0x74: {  	[sflag:s5] =	ssyncset.done $0x0  }
0x75: {  	s1 =	simm.s32 $0x500;
	[sflag:s5] =	ssyncadd.s32 $0xFFFFC000  }
0x76: {  	[tilespmem:s10], [sflag:$0x1] =	stream.indirect.gather [hbm4b:s3+s8], $0x80, s1, s8, $0xb8;
	[tilespmem:$0x18D00] =	vst v63  }
0x77: {  	_ =	swait.ge [sflag:s7], $0x4000  }
0x78: {  	[sflag:s7] =	ssyncset.done $0x0  }
0x79: {  	s1 =	rddreg [dreg:$0xa];
	[sflag:s7] =	ssyncadd.s32 $0xFFFFC000  }
0x7a: {  	[hbm4b:s1+s2] =	stream.linear.scatter [tilespmem:s12], [sflag:$0x2], $0x4000, $0x38;
	[tilespmem:$0x18D00] =	vst v63  }
0x7b: {  	_ =	swait.ge [sflag:s5], $0x4000  }
0x7c: {  	[sflag:s5] =	ssyncset.done $0x0  }
0x7d: {  	[sflag:s5] =	ssyncadd.s32 $0xFFFFC000  }
0x7e: {  	[tilespmem:s9], [sflag:$0x1] =	stream.indirect.gather [hbm4b:s3+s8], $0x80, s30, s8, $0xb8;
	[tilespmem:$0x18D00] =	vst v63  }
0x7f: {  	_ =	swait.ge [sflag:s7], $0x4000  }
0x80: {  	[sflag:s7] =	ssyncset.done $0x0  }
0x81: {  	s1 =	rddreg [dreg:$0xb];
	[sflag:s7] =	ssyncadd.s32 $0xFFFFC000  }
0x82: {  	[hbm4b:s1+s2] =	stream.linear.scatter [tilespmem:s11], [sflag:$0x2], $0x4000, $0x38;
	[tilespmem:$0x18D00] =	vst v63  }
0x83: {  	_ =	swait.ge [sflag:s5], $0x4000  }
0x84: {  	[sflag:s5] =	ssyncset.done $0x0  }
0x85: {  	[sflag:s5] =	ssyncadd.s32 $0xFFFFC000  }
0x86: {  	[tilespmem:s6], [sflag:$0x1] =	stream.indirect.gather [hbm4b:s3+s8], $0x80, s29, s8, $0xb8;
	[tilespmem:$0x18D00] =	vst v63  }
0x87: {  	_ =	swait.ge [sflag:s7], $0x4000  }
0x88: {  	[sflag:s7] =	ssyncset.done $0x0  }
0x89: {  	s1 =	rddreg [dreg:$0xc];
	[sflag:s7] =	ssyncadd.s32 $0xFFFFC000  }
0x8a: {  	[hbm4b:s1+s2] =	stream.linear.scatter [tilespmem:s10], [sflag:$0x2], $0x4000, $0x38;
	[tilespmem:$0x18D00] =	vst v63  }
0x8b: {  	_ =	swait.ge [sflag:s5], $0x4000  }
0x8c: {  	[sflag:s5] =	ssyncset.done $0x0  }
0x8d: {  	[sflag:s5] =	ssyncadd.s32 $0xFFFFC000  }
0x8e: {  	[tilespmem:s4], [sflag:$0x1] =	stream.indirect.gather [hbm4b:s3+s8], $0x80, s28, s8, $0xb8;
	[tilespmem:$0x18D00] =	vst v63  }
0x8f: {  	_ =	swait.ge [sflag:s7], $0x4000  }
0x90: {  	[sflag:s7] =	ssyncset.done $0x0  }
0x91: {  	s1 =	rddreg [dreg:$0xd];
	[sflag:s7] =	ssyncadd.s32 $0xFFFFC000  }
0x92: {  	[hbm4b:s1+s2] =	stream.linear.scatter [tilespmem:s9], [sflag:$0x2], $0x4000, $0x38;
	[tilespmem:$0x18D00] =	vst v63  }
0x93: {  	_ =	swait.ge [sflag:s5], $0x4000  }
0x94: {  	[sflag:s5] =	ssyncset.done $0x0  }
0x95: {  	[sflag:s5] =	ssyncadd.s32 $0xFFFFC000  }
0x96: {  	[tilespmem:s12], [sflag:$0x1] =	stream.indirect.gather [hbm4b:s3+s8], $0x80, s25, s8, $0xb8;
	[tilespmem:$0x18D00] =	vst v63  }
0x97: {  	_ =	swait.ge [sflag:s7], $0x4000  }
0x98: {  	[sflag:s7] =	ssyncset.done $0x0  }
0x99: {  	s1 =	rddreg [dreg:$0xe];
	[sflag:s7] =	ssyncadd.s32 $0xFFFFC000  }
0x9a: {  	[hbm4b:s1+s2] =	stream.linear.scatter [tilespmem:s6], [sflag:$0x2], $0x4000, $0x38;
	[tilespmem:$0x18D00] =	vst v63  }
0x9b: {  	_ =	swait.ge [sflag:s5], $0x4000  }
0x9c: {  	[sflag:s5] =	ssyncset.done $0x0  }
0x9d: {  	[sflag:s5] =	ssyncadd.s32 $0xFFFFC000  }
0x9e: {  	[tilespmem:s11], [sflag:$0x1] =	stream.indirect.gather [hbm4b:s3+s8], $0x80, s24, s8, $0xb8;
	[tilespmem:$0x18D00] =	vst v63  }
0x9f: {  	_ =	swait.ge [sflag:s7], $0x4000  }
0xa0: {  	[sflag:s7] =	ssyncset.done $0x0  }
0xa1: {  	s1 =	rddreg [dreg:$0xf];
	[sflag:s7] =	ssyncadd.s32 $0xFFFFC000  }
0xa2: {  	[hbm4b:s1+s2] =	stream.linear.scatter [tilespmem:s4], [sflag:$0x2], $0x4000, $0x38;
	[tilespmem:$0x18D00] =	vst v63  }
0xa3: {  	_ =	swait.ge [sflag:s5], $0x4000  }
0xa4: {  	[sflag:s5] =	ssyncset.done $0x0  }
0xa5: {  	[sflag:s5] =	ssyncadd.s32 $0xFFFFC000  }
0xa6: {  	[tilespmem:s10], [sflag:$0x1] =	stream.indirect.gather [hbm4b:s3+s8], $0x80, s23, s8, $0xb8;
	[tilespmem:$0x18D00] =	vst v63  }
0xa7: {  	_ =	swait.ge [sflag:s7], $0x4000  }
0xa8: {  	[sflag:s7] =	ssyncset.done $0x0  }
0xa9: {  	s1 =	rddreg [dreg:$0x10];
	[sflag:s7] =	ssyncadd.s32 $0xFFFFC000  }
0xaa: {  	[hbm4b:s1+s2] =	stream.linear.scatter [tilespmem:s12], [sflag:$0x2], $0x4000, $0x38;
	[tilespmem:$0x18D00] =	vst v63  }
0xab: {  	_ =	swait.ge [sflag:s5], $0x4000  }
0xac: {  	[sflag:s5] =	ssyncset.done $0x0  }
0xad: {  	[sflag:s5] =	ssyncadd.s32 $0xFFFFC000  }
0xae: {  	[tilespmem:s9], [sflag:$0x1] =	stream.indirect.gather [hbm4b:s3+s8], $0x80, s22, s8, $0xb8;
	[tilespmem:$0x18D00] =	vst v63  }
0xaf: {  	_ =	swait.ge [sflag:s7], $0x4000  }
0xb0: {  	[sflag:s7] =	ssyncset.done $0x0  }
0xb1: {  	s1 =	rddreg [dreg:$0x11];
	[sflag:s7] =	ssyncadd.s32 $0xFFFFC000  }
0xb2: {  	[hbm4b:s1+s2] =	stream.linear.scatter [tilespmem:s11], [sflag:$0x2], $0x4000, $0x38;
	[tilespmem:$0x18D00] =	vst v63  }
0xb3: {  	_ =	swait.ge [sflag:s5], $0x4000  }
0xb4: {  	[sflag:s5] =	ssyncset.done $0x0  }
0xb5: {  	[sflag:s5] =	ssyncadd.s32 $0xFFFFC000  }
0xb6: {  	[tilespmem:s6], [sflag:$0x1] =	stream.indirect.gather [hbm4b:s3+s8], $0x80, s21, s8, $0xb8;
	[tilespmem:$0x18D00] =	vst v63  }
0xb7: {  	_ =	swait.ge [sflag:s7], $0x4000  }
0xb8: {  	[sflag:s7] =	ssyncset.done $0x0  }
0xb9: {  	s1 =	rddreg [dreg:$0x12];
	[sflag:s7] =	ssyncadd.s32 $0xFFFFC000  }
0xba: {  	[hbm4b:s1+s2] =	stream.linear.scatter [tilespmem:s10], [sflag:$0x2], $0x4000, $0x38;
	[tilespmem:$0x18D00] =	vst v63  }
0xbb: {  	_ =	swait.ge [sflag:s5], $0x4000  }
0xbc: {  	[sflag:s5] =	ssyncset.done $0x0  }
0xbd: {  	[sflag:s5] =	ssyncadd.s32 $0xFFFFC000  }
0xbe: {  	[tilespmem:s4], [sflag:$0x1] =	stream.indirect.gather [hbm4b:s3+s8], $0x80, s20, s8, $0xb8;
	[tilespmem:$0x18D00] =	vst v63  }
0xbf: {  	_ =	swait.ge [sflag:s7], $0x4000  }
0xc0: {  	[sflag:s7] =	ssyncset.done $0x0  }
0xc1: {  	s1 =	rddreg [dreg:$0x13];
	[sflag:s7] =	ssyncadd.s32 $0xFFFFC000  }
0xc2: {  	[hbm4b:s1+s2] =	stream.linear.scatter [tilespmem:s9], [sflag:$0x2], $0x4000, $0x38;
	[tilespmem:$0x18D00] =	vst v63  }
0xc3: {  	_ =	swait.ge [sflag:s5], $0x4000  }
0xc4: {  	[sflag:s5] =	ssyncset.done $0x0  }
0xc5: {  	[sflag:s5] =	ssyncadd.s32 $0xFFFFC000  }
0xc6: {  	[tilespmem:s12], [sflag:$0x1] =	stream.indirect.gather [hbm4b:s3+s8], $0x80, s19, s8, $0xb8;
	[tilespmem:$0x18D00] =	vst v63  }
0xc7: {  	_ =	swait.ge [sflag:s7], $0x4000  }
0xc8: {  	[sflag:s7] =	ssyncset.done $0x0  }
0xc9: {  	s1 =	rddreg [dreg:$0x14];
	[sflag:s7] =	ssyncadd.s32 $0xFFFFC000  }
0xca: {  	[hbm4b:s1+s2] =	stream.linear.scatter [tilespmem:s6], [sflag:$0x2], $0x4000, $0x38;
	[tilespmem:$0x18D00] =	vst v63  }
0xcb: {  	_ =	swait.ge [sflag:s5], $0x4000  }
0xcc: {  	[sflag:s5] =	ssyncset.done $0x0  }
0xcd: {  	[sflag:s5] =	ssyncadd.s32 $0xFFFFC000  }
0xce: {  	[tilespmem:s11], [sflag:$0x1] =	stream.indirect.gather [hbm4b:s3+s8], $0x80, s18, s8, $0xb8;
	[tilespmem:$0x18D00] =	vst v63  }
0xcf: {  	_ =	swait.ge [sflag:s7], $0x4000  }
0xd0: {  	[sflag:s7] =	ssyncset.done $0x0  }
0xd1: {  	s1 =	rddreg [dreg:$0x15];
	[sflag:s7] =	ssyncadd.s32 $0xFFFFC000  }
0xd2: {  	[hbm4b:s1+s2] =	stream.linear.scatter [tilespmem:s4], [sflag:$0x2], $0x4000, $0x38;
	[tilespmem:$0x18D00] =	vst v63  }
0xd3: {  	_ =	swait.ge [sflag:s5], $0x4000  }
0xd4: {  	[sflag:s5] =	ssyncset.done $0x0  }
0xd5: {  	[sflag:s5] =	ssyncadd.s32 $0xFFFFC000  }
0xd6: {  	[tilespmem:s10], [sflag:$0x1] =	stream.indirect.gather [hbm4b:s3+s8], $0x80, s17, s8, $0xb8;
	[tilespmem:$0x18D00] =	vst v63  }
0xd7: {  	_ =	swait.ge [sflag:s7], $0x4000  }
0xd8: {  	[sflag:s7] =	ssyncset.done $0x0  }
0xd9: {  	s1 =	rddreg [dreg:$0x16];
	[sflag:s7] =	ssyncadd.s32 $0xFFFFC000  }
0xda: {  	[hbm4b:s1+s2] =	stream.linear.scatter [tilespmem:s12], [sflag:$0x2], $0x4000, $0x38;
	[tilespmem:$0x18D00] =	vst v63  }
0xdb: {  	_ =	swait.ge [sflag:s5], $0x4000  }
0xdc: {  	[sflag:s5] =	ssyncset.done $0x0  }
0xdd: {  	[sflag:s5] =	ssyncadd.s32 $0xFFFFC000  }
0xde: {  	[tilespmem:s9], [sflag:$0x1] =	stream.indirect.gather [hbm4b:s3+s8], $0x80, s16, s8, $0xb8;
	[tilespmem:$0x18D00] =	vst v63  }
0xdf: {  	_ =	swait.ge [sflag:s7], $0x4000  }
0xe0: {  	[sflag:s7] =	ssyncset.done $0x0  }
0xe1: {  	s1 =	rddreg [dreg:$0x17];
	[sflag:s7] =	ssyncadd.s32 $0xFFFFC000  }
0xe2: {  	[hbm4b:s1+s2] =	stream.linear.scatter [tilespmem:s11], [sflag:$0x2], $0x4000, $0x38;
	[tilespmem:$0x18D00] =	vst v63  }
0xe3: {  	_ =	swait.ge [sflag:s5], $0x4000  }
0xe4: {  	[sflag:s5] =	ssyncset.done $0x0  }
0xe5: {  	[sflag:s5] =	ssyncadd.s32 $0xFFFFC000  }
0xe6: {  	[tilespmem:s6], [sflag:$0x1] =	stream.indirect.gather [hbm4b:s3+s8], $0x80, s15, s8, $0xb8;
	[tilespmem:$0x18D00] =	vst v63  }
0xe7: {  	_ =	swait.ge [sflag:s7], $0x4000  }
0xe8: {  	[sflag:s7] =	ssyncset.done $0x0  }
0xe9: {  	s1 =	rddreg [dreg:$0x18];
	[sflag:s7] =	ssyncadd.s32 $0xFFFFC000  }
0xea: {  	[hbm4b:s1+s2] =	stream.linear.scatter [tilespmem:s10], [sflag:$0x2], $0x4000, $0x38;
	[tilespmem:$0x18D00] =	vst v63  }
0xeb: {  	_ =	swait.ge [sflag:s5], $0x4000  }
0xec: {  	[sflag:s5] =	ssyncset.done $0x0  }
0xed: {  	[sflag:s5] =	ssyncadd.s32 $0xFFFFC000  }
0xee: {  	[tilespmem:s4], [sflag:$0x1] =	stream.indirect.gather [hbm4b:s3+s8], $0x80, s14, s8, $0xb8;
	[tilespmem:$0x18D00] =	vst v63  }
0xef: {  	_ =	swait.ge [sflag:s7], $0x4000  }
0xf0: {  	[sflag:s7] =	ssyncset.done $0x0  }
0xf1: {  	s1 =	rddreg [dreg:$0x19];
	[sflag:s7] =	ssyncadd.s32 $0xFFFFC000  }
0xf2: {  	[hbm4b:s1+s2] =	stream.linear.scatter [tilespmem:s9], [sflag:$0x2], $0x4000, $0x38;
	[tilespmem:$0x18D00] =	vst v63  }
0xf3: {  	_ =	swait.ge [sflag:s7], $0x4000  }
0xf4: {  	[sflag:s7] =	ssyncset.done $0x0  }
0xf5: {  	s1 =	rddreg [dreg:$0x1a];
	[sflag:s7] =	ssyncadd.s32 $0xFFFFC000  }
0xf6: {  	[hbm4b:s1+s2] =	stream.linear.scatter [tilespmem:s6], [sflag:$0x2], $0x4000, $0x38;
	[tilespmem:$0x18D00] =	vst v63  }
0xf7: {  	_ =	swait.ge [sflag:s7], $0x4000  }
0xf8: {  	[sflag:s7] =	ssyncset.done $0x0  }
0xf9: {  	s1 =	rddreg [dreg:$0x1b];
	[sflag:s7] =	ssyncadd.s32 $0xFFFFC000  }
0xfa: {  	[hbm4b:s1+s2] =	stream.linear.scatter [tilespmem:s4], [sflag:$0x2], $0x4000, $0x38;
	[tilespmem:$0x18D00] =	vst v63  }
0xfb: {  	_ =	swait.ge [sflag:s5], $0x4000  }
0xfc: {  	[sflag:s5] =	ssyncset.done $0x0  }
0xfd: {  	[sflag:s5] =	ssyncadd.s32 $0xFFFFC000  }
0xfe: {  	_ =	swait.ge [sflag:s5], $0x4000  }
0xff: {  	[sflag:s5] =	ssyncset.done $0x0  }
0x100: {  	[sflag:s5] =	ssyncadd.s32 $0xFFFFC000  }
0x101: {  	_ =	swait.ge [sflag:s5], $0x4000  }
0x102: {  	[sflag:s5] =	ssyncset.done $0x0  }
0x103: {  	[sflag:s5] =	ssyncadd.s32 $0xFFFFC000  }
0x104: {  	_ =	swait.ge [sflag:s5], $0x4000  }
0x105: {  	[sflag:s5] =	ssyncset.done $0x0  }
0x106: {  	p1 =	sne.s32 s13, $0x1;
	[sflag:s5] =	ssyncadd.s32 $0xFFFFC000  }
.Ltmp1:
0x107: {  	_ =	swait.ge [sflag:s5], $0x4000;
	(pc) =	sbr.rel @!p1 .LBB2_3-.Ltmp1, $4  }
0x108: {  	[sflag:s5] =	ssyncset.done $0x0  }
0x109: {  	[sflag:s5] =	ssyncadd.s32 $0xFFFFC000  }
0x10a: {  	p0 =	por $0x1, $0x1;
	_ =	swait.ge [sflag:s5], $0x4000  }
0x10b: {  	s1 =	sadd.s32 $0xFFFFFFFF, s13;
	s0 =	rddreg [dreg:$0x2];
	[sflag:s5] =	ssyncset.done $0x0  }
.LBB2_4:
0x10c: {  	[sflag:s5] =	ssyncadd.s32 $0xFFFFC000  }
0x10d: {  	[tilespmem:s2], [sflag:$0x3] =	stream.linear.gather [hbm4b:s0+s2], $0xD00, $0x38;
	[tilespmem:$0x18D00] =	vst v63  }
0x10e: {  	_ =	swait.ge [sflag:s31], $0xD00  }
0x10f: {  	[sflag:s31] =	ssyncset.done $0x0  }
0x110: {  	[sflag:s31] =	ssyncadd.s32 $0xFFFFF300  }
0x111: {  	[tilespmem:s6], [sflag:$0x1] =	stream.indirect.gather [hbm4b:s3+s8], $0x80, s2, s8, $0xb8;
	[tilespmem:$0x18D00] =	vst v63  }
0x112: {  	_ = 	snop  }
0x113: {  	[tilespmem:s4], [sflag:$0x1] =	stream.indirect.gather [hbm4b:s3+s8], $0x80, s8, s8, $0xb8;
	[tilespmem:$0x18D00] =	vst v63  }
0x114: {  	s13 =	rddreg [dreg:$0x1c]  }
0x115: {  	[tilespmem:s12], [sflag:$0x1] =	stream.indirect.gather [hbm4b:s3+s8], $0x80, s13, s8, $0xb8;
	[tilespmem:$0x18D00] =	vst v63  }
0x116: {  	_ =	swait.ge [sflag:s7], $0x4000  }
0x117: {  	[sflag:s7] =	ssyncset.done $0x0  }
0x118: {  	[sflag:s7] =	ssyncadd.s32 $0xFFFFC000  }
0x119: {  	[hbm4b:s26+s2] =	stream.linear.scatter [tilespmem:s6], [sflag:$0x2], $0x4000, $0x38;
	[tilespmem:$0x18D00] =	vst v63  }
0x11a: {  	s13 =	rddreg [dreg:$0x1d]  }
0x11b: {  	[tilespmem:s11], [sflag:$0x1] =	stream.indirect.gather [hbm4b:s3+s8], $0x80, s13, s8, $0xb8;
	[tilespmem:$0x18D00] =	vst v63  }
0x11c: {  	_ =	swait.ge [sflag:s7], $0x4000  }
0x11d: {  	[sflag:s7] =	ssyncset.done $0x0  }
0x11e: {  	s0 =	rddreg [dreg:$0x3];
	[sflag:s7] =	ssyncadd.s32 $0xFFFFC000  }
0x11f: {  	[hbm4b:s0+s2] =	stream.linear.scatter [tilespmem:s4], [sflag:$0x2], $0x4000, $0x38;
	[tilespmem:$0x18D00] =	vst v63  }
0x120: {  	s13 =	rddreg [dreg:$0x1e]  }
0x121: {  	[tilespmem:s10], [sflag:$0x1] =	stream.indirect.gather [hbm4b:s3+s8], $0x80, s13, s8, $0xb8;
	[tilespmem:$0x18D00] =	vst v63  }
0x122: {  	_ =	swait.ge [sflag:s7], $0x4000  }
0x123: {  	[sflag:s7] =	ssyncset.done $0x0  }
0x124: {  	s0 =	rddreg [dreg:$0x4];
	[sflag:s7] =	ssyncadd.s32 $0xFFFFC000  }
0x125: {  	[hbm4b:s0+s2] =	stream.linear.scatter [tilespmem:s12], [sflag:$0x2], $0x4000, $0x38;
	[tilespmem:$0x18D00] =	vst v63  }
0x126: {  	s13 =	rddreg [dreg:$0x1f]  }
0x127: {  	[tilespmem:s9], [sflag:$0x1] =	stream.indirect.gather [hbm4b:s3+s8], $0x80, s13, s8, $0xb8;
	[tilespmem:$0x18D00] =	vst v63  }
0x128: {  	_ =	swait.ge [sflag:s7], $0x4000  }
0x129: {  	[sflag:s7] =	ssyncset.done $0x0  }
0x12a: {  	s13 =	rddreg [dreg:$0x5];
	[sflag:s7] =	ssyncadd.s32 $0xFFFFC000  }
0x12b: {  	[hbm4b:s13+s2] =	stream.linear.scatter [tilespmem:s11], [sflag:$0x2], $0x4000, $0x38;
	[tilespmem:$0x18D00] =	vst v63  }
0x12c: {  	_ =	swait.ge [sflag:s5], $0x4000  }
0x12d: {  	s13 =	sld [smem:$0x7FA]  }
0x12e: {  	[sflag:s5] =	ssyncset.done $0x0  }
0x12f: {  	[sflag:s5] =	ssyncadd.s32 $0xFFFFC000  }
0x130: {  	[tilespmem:s6], [sflag:$0x1] =	stream.indirect.gather [hbm4b:s3+s8], $0x80, s13, s8, $0xb8;
	[tilespmem:$0x18D00] =	vst v63  }
0x131: {  	_ =	swait.ge [sflag:s7], $0x4000  }
0x132: {  	[sflag:s7] =	ssyncset.done $0x0  }
0x133: {  	s13 =	rddreg [dreg:$0x6];
	[sflag:s7] =	ssyncadd.s32 $0xFFFFC000  }
0x134: {  	[hbm4b:s13+s2] =	stream.linear.scatter [tilespmem:s10], [sflag:$0x2], $0x4000, $0x38;
	[tilespmem:$0x18D00] =	vst v63  }
0x135: {  	_ =	swait.ge [sflag:s5], $0x4000  }
0x136: {  	s13 =	sld [smem:$0x7FB]  }
0x137: {  	[sflag:s5] =	ssyncset.done $0x0  }
0x138: {  	[sflag:s5] =	ssyncadd.s32 $0xFFFFC000  }
0x139: {  	[tilespmem:s4], [sflag:$0x1] =	stream.indirect.gather [hbm4b:s3+s8], $0x80, s13, s8, $0xb8;
	[tilespmem:$0x18D00] =	vst v63  }
0x13a: {  	_ =	swait.ge [sflag:s7], $0x4000  }
0x13b: {  	[sflag:s7] =	ssyncset.done $0x0  }
0x13c: {  	s13 =	rddreg [dreg:$0x7];
	[sflag:s7] =	ssyncadd.s32 $0xFFFFC000  }
0x13d: {  	[hbm4b:s13+s2] =	stream.linear.scatter [tilespmem:s9], [sflag:$0x2], $0x4000, $0x38;
	[tilespmem:$0x18D00] =	vst v63  }
0x13e: {  	_ =	swait.ge [sflag:s5], $0x4000  }
0x13f: {  	s13 =	sld [smem:$0x7FC]  }
0x140: {  	[sflag:s5] =	ssyncset.done $0x0  }
0x141: {  	[sflag:s5] =	ssyncadd.s32 $0xFFFFC000  }
0x142: {  	[tilespmem:s12], [sflag:$0x1] =	stream.indirect.gather [hbm4b:s3+s8], $0x80, s13, s8, $0xb8;
	[tilespmem:$0x18D00] =	vst v63  }
0x143: {  	_ =	swait.ge [sflag:s7], $0x4000  }
0x144: {  	[sflag:s7] =	ssyncset.done $0x0  }
0x145: {  	s13 =	rddreg [dreg:$0x8];
	[sflag:s7] =	ssyncadd.s32 $0xFFFFC000  }
0x146: {  	[hbm4b:s13+s2] =	stream.linear.scatter [tilespmem:s6], [sflag:$0x2], $0x4000, $0x38;
	[tilespmem:$0x18D00] =	vst v63  }
0x147: {  	_ =	swait.ge [sflag:s5], $0x4000  }
0x148: {  	s13 =	sld [smem:$0x7FD]  }
0x149: {  	[sflag:s5] =	ssyncset.done $0x0  }
0x14a: {  	[sflag:s5] =	ssyncadd.s32 $0xFFFFC000  }
0x14b: {  	[tilespmem:s11], [sflag:$0x1] =	stream.indirect.gather [hbm4b:s3+s8], $0x80, s13, s8, $0xb8;
	[tilespmem:$0x18D00] =	vst v63  }
0x14c: {  	_ =	swait.ge [sflag:s7], $0x4000  }
0x14d: {  	[sflag:s7] =	ssyncset.done $0x0  }
0x14e: {  	s13 =	rddreg [dreg:$0x9];
	[sflag:s7] =	ssyncadd.s32 $0xFFFFC000  }
0x14f: {  	[hbm4b:s13+s2] =	stream.linear.scatter [tilespmem:s4], [sflag:$0x2], $0x4000, $0x38;
	[tilespmem:$0x18D00] =	vst v63  }
0x150: {  	_ =	swait.ge [sflag:s5], $0x4000  }
0x151: {  	[sflag:s5] =	ssyncset.done $0x0  }
0x152: {  	s13 =	simm.s32 $0x500;
	[sflag:s5] =	ssyncadd.s32 $0xFFFFC000  }
0x153: {  	[tilespmem:s10], [sflag:$0x1] =	stream.indirect.gather [hbm4b:s3+s8], $0x80, s13, s8, $0xb8;
	[tilespmem:$0x18D00] =	vst v63  }
0x154: {  	_ =	swait.ge [sflag:s7], $0x4000  }
0x155: {  	[sflag:s7] =	ssyncset.done $0x0  }
0x156: {  	s13 =	rddreg [dreg:$0xa];
	[sflag:s7] =	ssyncadd.s32 $0xFFFFC000  }
0x157: {  	[hbm4b:s13+s2] =	stream.linear.scatter [tilespmem:s12], [sflag:$0x2], $0x4000, $0x38;
	[tilespmem:$0x18D00] =	vst v63  }
0x158: {  	_ =	swait.ge [sflag:s5], $0x4000  }
0x159: {  	[sflag:s5] =	ssyncset.done $0x0  }
0x15a: {  	[sflag:s5] =	ssyncadd.s32 $0xFFFFC000  }
0x15b: {  	[tilespmem:s9], [sflag:$0x1] =	stream.indirect.gather [hbm4b:s3+s8], $0x80, s30, s8, $0xb8;
	[tilespmem:$0x18D00] =	vst v63  }
0x15c: {  	_ =	swait.ge [sflag:s7], $0x4000  }
0x15d: {  	[sflag:s7] =	ssyncset.done $0x0  }
0x15e: {  	s13 =	rddreg [dreg:$0xb];
	[sflag:s7] =	ssyncadd.s32 $0xFFFFC000  }
0x15f: {  	[hbm4b:s13+s2] =	stream.linear.scatter [tilespmem:s11], [sflag:$0x2], $0x4000, $0x38;
	[tilespmem:$0x18D00] =	vst v63  }
0x160: {  	_ =	swait.ge [sflag:s5], $0x4000  }
0x161: {  	[sflag:s5] =	ssyncset.done $0x0  }
0x162: {  	[sflag:s5] =	ssyncadd.s32 $0xFFFFC000  }
0x163: {  	[tilespmem:s6], [sflag:$0x1] =	stream.indirect.gather [hbm4b:s3+s8], $0x80, s29, s8, $0xb8;
	[tilespmem:$0x18D00] =	vst v63  }
0x164: {  	_ =	swait.ge [sflag:s7], $0x4000  }
0x165: {  	[sflag:s7] =	ssyncset.done $0x0  }
0x166: {  	s13 =	rddreg [dreg:$0xc];
	[sflag:s7] =	ssyncadd.s32 $0xFFFFC000  }
0x167: {  	[hbm4b:s13+s2] =	stream.linear.scatter [tilespmem:s10], [sflag:$0x2], $0x4000, $0x38;
	[tilespmem:$0x18D00] =	vst v63  }
0x168: {  	_ =	swait.ge [sflag:s5], $0x4000  }
0x169: {  	[sflag:s5] =	ssyncset.done $0x0  }
0x16a: {  	[sflag:s5] =	ssyncadd.s32 $0xFFFFC000  }
0x16b: {  	[tilespmem:s4], [sflag:$0x1] =	stream.indirect.gather [hbm4b:s3+s8], $0x80, s28, s8, $0xb8;
	[tilespmem:$0x18D00] =	vst v63  }
0x16c: {  	_ =	swait.ge [sflag:s7], $0x4000  }
0x16d: {  	[sflag:s7] =	ssyncset.done $0x0  }
0x16e: {  	s13 =	rddreg [dreg:$0xd];
	[sflag:s7] =	ssyncadd.s32 $0xFFFFC000  }
0x16f: {  	[hbm4b:s13+s2] =	stream.linear.scatter [tilespmem:s9], [sflag:$0x2], $0x4000, $0x38;
	[tilespmem:$0x18D00] =	vst v63  }
0x170: {  	_ =	swait.ge [sflag:s5], $0x4000  }
0x171: {  	[sflag:s5] =	ssyncset.done $0x0  }
0x172: {  	[sflag:s5] =	ssyncadd.s32 $0xFFFFC000  }
0x173: {  	[tilespmem:s12], [sflag:$0x1] =	stream.indirect.gather [hbm4b:s3+s8], $0x80, s25, s8, $0xb8;
	[tilespmem:$0x18D00] =	vst v63  }
0x174: {  	_ =	swait.ge [sflag:s7], $0x4000  }
0x175: {  	[sflag:s7] =	ssyncset.done $0x0  }
0x176: {  	s13 =	rddreg [dreg:$0xe];
	[sflag:s7] =	ssyncadd.s32 $0xFFFFC000  }
0x177: {  	[hbm4b:s13+s2] =	stream.linear.scatter [tilespmem:s6], [sflag:$0x2], $0x4000, $0x38;
	[tilespmem:$0x18D00] =	vst v63  }
0x178: {  	_ =	swait.ge [sflag:s5], $0x4000  }
0x179: {  	[sflag:s5] =	ssyncset.done $0x0  }
0x17a: {  	[sflag:s5] =	ssyncadd.s32 $0xFFFFC000  }
0x17b: {  	[tilespmem:s11], [sflag:$0x1] =	stream.indirect.gather [hbm4b:s3+s8], $0x80, s24, s8, $0xb8;
	[tilespmem:$0x18D00] =	vst v63  }
0x17c: {  	_ =	swait.ge [sflag:s7], $0x4000  }
0x17d: {  	[sflag:s7] =	ssyncset.done $0x0  }
0x17e: {  	s13 =	rddreg [dreg:$0xf];
	[sflag:s7] =	ssyncadd.s32 $0xFFFFC000  }
0x17f: {  	[hbm4b:s13+s2] =	stream.linear.scatter [tilespmem:s4], [sflag:$0x2], $0x4000, $0x38;
	[tilespmem:$0x18D00] =	vst v63  }
0x180: {  	_ =	swait.ge [sflag:s5], $0x4000  }
0x181: {  	[sflag:s5] =	ssyncset.done $0x0  }
0x182: {  	[sflag:s5] =	ssyncadd.s32 $0xFFFFC000  }
0x183: {  	[tilespmem:s10], [sflag:$0x1] =	stream.indirect.gather [hbm4b:s3+s8], $0x80, s23, s8, $0xb8;
	[tilespmem:$0x18D00] =	vst v63  }
0x184: {  	_ =	swait.ge [sflag:s7], $0x4000  }
0x185: {  	[sflag:s7] =	ssyncset.done $0x0  }
0x186: {  	s13 =	rddreg [dreg:$0x10];
	[sflag:s7] =	ssyncadd.s32 $0xFFFFC000  }
0x187: {  	[hbm4b:s13+s2] =	stream.linear.scatter [tilespmem:s12], [sflag:$0x2], $0x4000, $0x38;
	[tilespmem:$0x18D00] =	vst v63  }
0x188: {  	_ =	swait.ge [sflag:s5], $0x4000  }
0x189: {  	[sflag:s5] =	ssyncset.done $0x0  }
0x18a: {  	[sflag:s5] =	ssyncadd.s32 $0xFFFFC000  }
0x18b: {  	[tilespmem:s9], [sflag:$0x1] =	stream.indirect.gather [hbm4b:s3+s8], $0x80, s22, s8, $0xb8;
	[tilespmem:$0x18D00] =	vst v63  }
0x18c: {  	_ =	swait.ge [sflag:s7], $0x4000  }
0x18d: {  	[sflag:s7] =	ssyncset.done $0x0  }
0x18e: {  	s13 =	rddreg [dreg:$0x11];
	[sflag:s7] =	ssyncadd.s32 $0xFFFFC000  }
0x18f: {  	[hbm4b:s13+s2] =	stream.linear.scatter [tilespmem:s11], [sflag:$0x2], $0x4000, $0x38;
	[tilespmem:$0x18D00] =	vst v63  }
0x190: {  	_ =	swait.ge [sflag:s5], $0x4000  }
0x191: {  	[sflag:s5] =	ssyncset.done $0x0  }
0x192: {  	[sflag:s5] =	ssyncadd.s32 $0xFFFFC000  }
0x193: {  	[tilespmem:s6], [sflag:$0x1] =	stream.indirect.gather [hbm4b:s3+s8], $0x80, s21, s8, $0xb8;
	[tilespmem:$0x18D00] =	vst v63  }
0x194: {  	_ =	swait.ge [sflag:s7], $0x4000  }
0x195: {  	[sflag:s7] =	ssyncset.done $0x0  }
0x196: {  	s13 =	rddreg [dreg:$0x12];
	[sflag:s7] =	ssyncadd.s32 $0xFFFFC000  }
0x197: {  	[hbm4b:s13+s2] =	stream.linear.scatter [tilespmem:s10], [sflag:$0x2], $0x4000, $0x38;
	[tilespmem:$0x18D00] =	vst v63  }
0x198: {  	_ =	swait.ge [sflag:s5], $0x4000  }
0x199: {  	[sflag:s5] =	ssyncset.done $0x0  }
0x19a: {  	[sflag:s5] =	ssyncadd.s32 $0xFFFFC000  }
0x19b: {  	[tilespmem:s4], [sflag:$0x1] =	stream.indirect.gather [hbm4b:s3+s8], $0x80, s20, s8, $0xb8;
	[tilespmem:$0x18D00] =	vst v63  }
0x19c: {  	_ =	swait.ge [sflag:s7], $0x4000  }
0x19d: {  	[sflag:s7] =	ssyncset.done $0x0  }
0x19e: {  	s13 =	rddreg [dreg:$0x13];
	[sflag:s7] =	ssyncadd.s32 $0xFFFFC000  }
0x19f: {  	[hbm4b:s13+s2] =	stream.linear.scatter [tilespmem:s9], [sflag:$0x2], $0x4000, $0x38;
	[tilespmem:$0x18D00] =	vst v63  }
0x1a0: {  	_ =	swait.ge [sflag:s5], $0x4000  }
0x1a1: {  	[sflag:s5] =	ssyncset.done $0x0  }
0x1a2: {  	[sflag:s5] =	ssyncadd.s32 $0xFFFFC000  }
0x1a3: {  	[tilespmem:s12], [sflag:$0x1] =	stream.indirect.gather [hbm4b:s3+s8], $0x80, s19, s8, $0xb8;
	[tilespmem:$0x18D00] =	vst v63  }
0x1a4: {  	_ =	swait.ge [sflag:s7], $0x4000  }
0x1a5: {  	[sflag:s7] =	ssyncset.done $0x0  }
0x1a6: {  	s13 =	rddreg [dreg:$0x14];
	[sflag:s7] =	ssyncadd.s32 $0xFFFFC000  }
0x1a7: {  	[hbm4b:s13+s2] =	stream.linear.scatter [tilespmem:s6], [sflag:$0x2], $0x4000, $0x38;
	[tilespmem:$0x18D00] =	vst v63  }
0x1a8: {  	_ =	swait.ge [sflag:s5], $0x4000  }
0x1a9: {  	[sflag:s5] =	ssyncset.done $0x0  }
0x1aa: {  	[sflag:s5] =	ssyncadd.s32 $0xFFFFC000  }
0x1ab: {  	[tilespmem:s11], [sflag:$0x1] =	stream.indirect.gather [hbm4b:s3+s8], $0x80, s18, s8, $0xb8;
	[tilespmem:$0x18D00] =	vst v63  }
0x1ac: {  	_ =	swait.ge [sflag:s7], $0x4000  }
0x1ad: {  	[sflag:s7] =	ssyncset.done $0x0  }
0x1ae: {  	s13 =	rddreg [dreg:$0x15];
	[sflag:s7] =	ssyncadd.s32 $0xFFFFC000  }
0x1af: {  	[hbm4b:s13+s2] =	stream.linear.scatter [tilespmem:s4], [sflag:$0x2], $0x4000, $0x38;
	[tilespmem:$0x18D00] =	vst v63  }
0x1b0: {  	_ =	swait.ge [sflag:s5], $0x4000  }
0x1b1: {  	[sflag:s5] =	ssyncset.done $0x0  }
0x1b2: {  	[sflag:s5] =	ssyncadd.s32 $0xFFFFC000  }
0x1b3: {  	[tilespmem:s10], [sflag:$0x1] =	stream.indirect.gather [hbm4b:s3+s8], $0x80, s17, s8, $0xb8;
	[tilespmem:$0x18D00] =	vst v63  }
0x1b4: {  	_ =	swait.ge [sflag:s7], $0x4000  }
0x1b5: {  	[sflag:s7] =	ssyncset.done $0x0  }
0x1b6: {  	s13 =	rddreg [dreg:$0x16];
	[sflag:s7] =	ssyncadd.s32 $0xFFFFC000  }
0x1b7: {  	[hbm4b:s13+s2] =	stream.linear.scatter [tilespmem:s12], [sflag:$0x2], $0x4000, $0x38;
	[tilespmem:$0x18D00] =	vst v63  }
0x1b8: {  	_ =	swait.ge [sflag:s5], $0x4000  }
0x1b9: {  	[sflag:s5] =	ssyncset.done $0x0  }
0x1ba: {  	[sflag:s5] =	ssyncadd.s32 $0xFFFFC000  }
0x1bb: {  	[tilespmem:s9], [sflag:$0x1] =	stream.indirect.gather [hbm4b:s3+s8], $0x80, s16, s8, $0xb8;
	[tilespmem:$0x18D00] =	vst v63  }
0x1bc: {  	_ =	swait.ge [sflag:s7], $0x4000  }
0x1bd: {  	[sflag:s7] =	ssyncset.done $0x0  }
0x1be: {  	s13 =	rddreg [dreg:$0x17];
	[sflag:s7] =	ssyncadd.s32 $0xFFFFC000  }
0x1bf: {  	[hbm4b:s13+s2] =	stream.linear.scatter [tilespmem:s11], [sflag:$0x2], $0x4000, $0x38;
	[tilespmem:$0x18D00] =	vst v63  }
0x1c0: {  	_ =	swait.ge [sflag:s5], $0x4000  }
0x1c1: {  	[sflag:s5] =	ssyncset.done $0x0  }
0x1c2: {  	[sflag:s5] =	ssyncadd.s32 $0xFFFFC000  }
0x1c3: {  	[tilespmem:s6], [sflag:$0x1] =	stream.indirect.gather [hbm4b:s3+s8], $0x80, s15, s8, $0xb8;
	[tilespmem:$0x18D00] =	vst v63  }
0x1c4: {  	_ =	swait.ge [sflag:s7], $0x4000  }
0x1c5: {  	[sflag:s7] =	ssyncset.done $0x0  }
0x1c6: {  	s13 =	rddreg [dreg:$0x18];
	[sflag:s7] =	ssyncadd.s32 $0xFFFFC000  }
0x1c7: {  	[hbm4b:s13+s2] =	stream.linear.scatter [tilespmem:s10], [sflag:$0x2], $0x4000, $0x38;
	[tilespmem:$0x18D00] =	vst v63  }
0x1c8: {  	_ =	swait.ge [sflag:s5], $0x4000  }
0x1c9: {  	[sflag:s5] =	ssyncset.done $0x0  }
0x1ca: {  	[sflag:s5] =	ssyncadd.s32 $0xFFFFC000  }
0x1cb: {  	[tilespmem:s4], [sflag:$0x1] =	stream.indirect.gather [hbm4b:s3+s8], $0x80, s14, s8, $0xb8;
	[tilespmem:$0x18D00] =	vst v63  }
0x1cc: {  	_ =	swait.ge [sflag:s7], $0x4000  }
0x1cd: {  	[sflag:s7] =	ssyncset.done $0x0  }
0x1ce: {  	s13 =	rddreg [dreg:$0x19];
	[sflag:s7] =	ssyncadd.s32 $0xFFFFC000  }
0x1cf: {  	[hbm4b:s13+s2] =	stream.linear.scatter [tilespmem:s9], [sflag:$0x2], $0x4000, $0x38;
	[tilespmem:$0x18D00] =	vst v63  }
0x1d0: {  	_ =	swait.ge [sflag:s7], $0x4000  }
0x1d1: {  	[sflag:s7] =	ssyncset.done $0x0  }
0x1d2: {  	s13 =	rddreg [dreg:$0x1a];
	[sflag:s7] =	ssyncadd.s32 $0xFFFFC000  }
0x1d3: {  	[hbm4b:s13+s2] =	stream.linear.scatter [tilespmem:s6], [sflag:$0x2], $0x4000, $0x38;
	[tilespmem:$0x18D00] =	vst v63  }
0x1d4: {  	_ =	swait.ge [sflag:s7], $0x4000  }
0x1d5: {  	[sflag:s7] =	ssyncset.done $0x0  }
0x1d6: {  	s13 =	rddreg [dreg:$0x1b];
	[sflag:s7] =	ssyncadd.s32 $0xFFFFC000  }
0x1d7: {  	[hbm4b:s13+s2] =	stream.linear.scatter [tilespmem:s4], [sflag:$0x2], $0x4000, $0x38;
	[tilespmem:$0x18D00] =	vst v63  }
0x1d8: {  	_ =	swait.ge [sflag:s5], $0x4000  }
0x1d9: {  	[sflag:s5] =	ssyncset.done $0x0  }
0x1da: {  	[sflag:s5] =	ssyncadd.s32 $0xFFFFC000  }
0x1db: {  	_ =	swait.ge [sflag:s5], $0x4000  }
0x1dc: {  	[sflag:s5] =	ssyncset.done $0x0  }
0x1dd: {  	[sflag:s5] =	ssyncadd.s32 $0xFFFFC000  }
0x1de: {  	_ =	swait.ge [sflag:s5], $0x4000  }
0x1df: {  	[sflag:s5] =	ssyncset.done $0x0  }
0x1e0: {  	[sflag:s5] =	ssyncadd.s32 $0xFFFFC000  }
0x1e1: {  	_ =	swait.ge [sflag:s5], $0x4000  }
0x1e2: {  	[sflag:s5] =	ssyncset.done $0x0  }
0x1e3: {  	p1 =	sne.s32 s1, $0x1;
	[sflag:s5] =	ssyncadd.s32 $0xFFFFC000  }
.Ltmp2:
0x1e4: {  	_ =	swait.ge [sflag:s5], $0x4000;
	(pc) =	sbr.rel @p1 .LBB2_4-.Ltmp2, $4  }
0x1e5: {  	[sflag:s5] =	ssyncset.done $0x0  }
0x1e6: {  	[sflag:s5] =	ssyncadd.s32 $0xFFFFC000  }
0x1e7: {  	_ =	swait.ge [sflag:s5], $0x4000  }
0x1e8: {  	s1 =	sadd.s32 $0xFFFFFFFF, s1;
	s0 =	rddreg [dreg:$0x2];
	[sflag:s5] =	ssyncset.done $0x0  }
0x1e9: {  	s14 =	simm.s32 $0x500  }
0x1ea: {  	s30 =	simm.s32 $0x580;
	s29 =	simm.s32 $0x600;
	s28 =	simm.s32 $0x680  }
0x1eb: {  	s25 =	simm.s32 $0x700;
	s24 =	simm.s32 $0x780;
	s23 =	simm.s32 $0x800  }
0x1ec: {  	s22 =	simm.s32 $0x880;
	s21 =	simm.s32 $0x900;
	s20 =	simm.s32 $0x980  }
0x1ed: {  	s19 =	simm.s32 $0xA00;
	s18 =	simm.s32 $0xA80;
	s17 =	simm.s32 $0xB00  }
0x1ee: {  	s16 =	simm.s32 $0xB80;
	s15 =	simm.s32 $0xC00;
	s13 =	stileid.u32  }
.LBB2_6:
0x1ef: {  	[sflag:s5] =	ssyncadd.s32 @p0 $0xFFFFC000  }
0x1f0: {  	[tilespmem:s2], [sflag:$0x3] =	stream.linear.gather [hbm4b:s0+s2], $0xD00, $0x38;
	[tilespmem:$0x18D00] =	vst v63  }
0x1f1: {  	_ =	swait.ge [sflag:s31], $0xD00  }
0x1f2: {  	[sflag:s31] =	ssyncset.done $0x0  }
0x1f3: {  	[sflag:s31] =	ssyncadd.s32 $0xFFFFF300  }
0x1f4: {  	[tilespmem:s6], [sflag:$0x1] =	stream.indirect.gather [hbm4b:s3+s8], $0x80, s2, s8, $0xb8;
	[tilespmem:$0x18D00] =	vst v63  }
0x1f5: {  	_ = 	snop  }
0x1f6: {  	[tilespmem:s4], [sflag:$0x1] =	stream.indirect.gather [hbm4b:s3+s8], $0x80, s8, s8, $0xb8;
	[tilespmem:$0x18D00] =	vst v63  }
0x1f7: {  	s31 =	rddreg [dreg:$0x1c]  }
0x1f8: {  	[tilespmem:s12], [sflag:$0x1] =	stream.indirect.gather [hbm4b:s3+s8], $0x80, s31, s8, $0xb8;
	[tilespmem:$0x18D00] =	vst v63  }
0x1f9: {  	_ =	swait.ge [sflag:s7], $0x4000  }
0x1fa: {  	[sflag:s7] =	ssyncset.done $0x0  }
0x1fb: {  	[sflag:s7] =	ssyncadd.s32 $0xFFFFC000  }
0x1fc: {  	[hbm4b:s26+s2] =	stream.linear.scatter [tilespmem:s6], [sflag:$0x2], $0x4000, $0x38;
	[tilespmem:$0x18D00] =	vst v63  }
0x1fd: {  	s1 =	rddreg [dreg:$0x1d]  }
0x1fe: {  	[tilespmem:s11], [sflag:$0x1] =	stream.indirect.gather [hbm4b:s3+s8], $0x80, s1, s8, $0xb8;
	[tilespmem:$0x18D00] =	vst v63  }
0x1ff: {  	_ =	swait.ge [sflag:s7], $0x4000  }
0x200: {  	[sflag:s7] =	ssyncset.done $0x0  }
0x201: {  	s31 =	rddreg [dreg:$0x3];
	[sflag:s7] =	ssyncadd.s32 $0xFFFFC000  }
0x202: {  	[hbm4b:s31+s2] =	stream.linear.scatter [tilespmem:s4], [sflag:$0x2], $0x4000, $0x38;
	[tilespmem:$0x18D00] =	vst v63  }
0x203: {  	s1 =	rddreg [dreg:$0x1e]  }
0x204: {  	[tilespmem:s10], [sflag:$0x1] =	stream.indirect.gather [hbm4b:s3+s8], $0x80, s1, s8, $0xb8;
	[tilespmem:$0x18D00] =	vst v63  }
0x205: {  	_ =	swait.ge [sflag:s7], $0x4000  }
0x206: {  	[sflag:s7] =	ssyncset.done $0x0  }
0x207: {  	s26 =	rddreg [dreg:$0x4];
	[sflag:s7] =	ssyncadd.s32 $0xFFFFC000  }
0x208: {  	[hbm4b:s26+s2] =	stream.linear.scatter [tilespmem:s12], [sflag:$0x2], $0x4000, $0x38;
	[tilespmem:$0x18D00] =	vst v63  }
0x209: {  	s31 =	rddreg [dreg:$0x1f]  }
0x20a: {  	[tilespmem:s9], [sflag:$0x1] =	stream.indirect.gather [hbm4b:s3+s8], $0x80, s31, s8, $0xb8;
	[tilespmem:$0x18D00] =	vst v63  }
0x20b: {  	_ =	swait.ge [sflag:s7], $0x4000  }
0x20c: {  	[sflag:s7] =	ssyncset.done $0x0  }
0x20d: {  	s1 =	rddreg [dreg:$0x5];
	[sflag:s7] =	ssyncadd.s32 $0xFFFFC000  }
0x20e: {  	[hbm4b:s1+s2] =	stream.linear.scatter [tilespmem:s11], [sflag:$0x2], $0x4000, $0x38;
	[tilespmem:$0x18D00] =	vst v63  }
0x20f: {  	_ =	swait.ge [sflag:s5], $0x4000  }
0x210: {  	s26 =	sld [smem:$0x7FA]  }
0x211: {  	[sflag:s5] =	ssyncset.done $0x0  }
0x212: {  	[sflag:s5] =	ssyncadd.s32 $0xFFFFC000  }
0x213: {  	[tilespmem:s6], [sflag:$0x1] =	stream.indirect.gather [hbm4b:s3+s8], $0x80, s26, s8, $0xb8;
	[tilespmem:$0x18D00] =	vst v63  }
0x214: {  	_ =	swait.ge [sflag:s7], $0x4000  }
0x215: {  	[sflag:s7] =	ssyncset.done $0x0  }
0x216: {  	s31 =	rddreg [dreg:$0x6];
	[sflag:s7] =	ssyncadd.s32 $0xFFFFC000  }
0x217: {  	[hbm4b:s31+s2] =	stream.linear.scatter [tilespmem:s10], [sflag:$0x2], $0x4000, $0x38;
	[tilespmem:$0x18D00] =	vst v63  }
0x218: {  	_ =	swait.ge [sflag:s5], $0x4000  }
0x219: {  	s1 =	sld [smem:$0x7FB]  }
0x21a: {  	[sflag:s5] =	ssyncset.done $0x0  }
0x21b: {  	[sflag:s5] =	ssyncadd.s32 $0xFFFFC000  }
0x21c: {  	[tilespmem:s4], [sflag:$0x1] =	stream.indirect.gather [hbm4b:s3+s8], $0x80, s1, s8, $0xb8;
	[tilespmem:$0x18D00] =	vst v63  }
0x21d: {  	_ =	swait.ge [sflag:s7], $0x4000  }
0x21e: {  	[sflag:s7] =	ssyncset.done $0x0  }
0x21f: {  	s26 =	rddreg [dreg:$0x7];
	[sflag:s7] =	ssyncadd.s32 $0xFFFFC000  }
0x220: {  	[hbm4b:s26+s2] =	stream.linear.scatter [tilespmem:s9], [sflag:$0x2], $0x4000, $0x38;
	[tilespmem:$0x18D00] =	vst v63  }
0x221: {  	_ =	swait.ge [sflag:s5], $0x4000  }
0x222: {  	s31 =	sld [smem:$0x7FC]  }
0x223: {  	[sflag:s5] =	ssyncset.done $0x0  }
0x224: {  	[sflag:s5] =	ssyncadd.s32 $0xFFFFC000  }
0x225: {  	[tilespmem:s12], [sflag:$0x1] =	stream.indirect.gather [hbm4b:s3+s8], $0x80, s31, s8, $0xb8;
	[tilespmem:$0x18D00] =	vst v63  }
0x226: {  	_ =	swait.ge [sflag:s7], $0x4000  }
0x227: {  	[sflag:s7] =	ssyncset.done $0x0  }
0x228: {  	s1 =	rddreg [dreg:$0x8];
	[sflag:s7] =	ssyncadd.s32 $0xFFFFC000  }
0x229: {  	[hbm4b:s1+s2] =	stream.linear.scatter [tilespmem:s6], [sflag:$0x2], $0x4000, $0x38;
	[tilespmem:$0x18D00] =	vst v63  }
0x22a: {  	_ =	swait.ge [sflag:s5], $0x4000  }
0x22b: {  	s26 =	sld [smem:$0x7FD]  }
0x22c: {  	[sflag:s5] =	ssyncset.done $0x0  }
0x22d: {  	[sflag:s5] =	ssyncadd.s32 $0xFFFFC000  }
0x22e: {  	[tilespmem:s11], [sflag:$0x1] =	stream.indirect.gather [hbm4b:s3+s8], $0x80, s26, s8, $0xb8;
	[tilespmem:$0x18D00] =	vst v63  }
0x22f: {  	_ =	swait.ge [sflag:s7], $0x4000  }
0x230: {  	[sflag:s7] =	ssyncset.done $0x0  }
0x231: {  	s31 =	rddreg [dreg:$0x9];
	[sflag:s7] =	ssyncadd.s32 $0xFFFFC000  }
0x232: {  	[hbm4b:s31+s2] =	stream.linear.scatter [tilespmem:s4], [sflag:$0x2], $0x4000, $0x38;
	[tilespmem:$0x18D00] =	vst v63  }
0x233: {  	_ =	swait.ge [sflag:s5], $0x4000  }
0x234: {  	[sflag:s5] =	ssyncset.done $0x0  }
0x235: {  	[sflag:s5] =	ssyncadd.s32 $0xFFFFC000  }
0x236: {  	[tilespmem:s10], [sflag:$0x1] =	stream.indirect.gather [hbm4b:s3+s8], $0x80, s14, s8, $0xb8;
	[tilespmem:$0x18D00] =	vst v63  }
0x237: {  	_ =	swait.ge [sflag:s7], $0x4000  }
0x238: {  	[sflag:s7] =	ssyncset.done $0x0  }
0x239: {  	s1 =	rddreg [dreg:$0xa];
	[sflag:s7] =	ssyncadd.s32 $0xFFFFC000  }
0x23a: {  	[hbm4b:s1+s2] =	stream.linear.scatter [tilespmem:s12], [sflag:$0x2], $0x4000, $0x38;
	[tilespmem:$0x18D00] =	vst v63  }
0x23b: {  	_ =	swait.ge [sflag:s5], $0x4000  }
0x23c: {  	[sflag:s5] =	ssyncset.done $0x0  }
0x23d: {  	[sflag:s5] =	ssyncadd.s32 $0xFFFFC000  }
0x23e: {  	[tilespmem:s9], [sflag:$0x1] =	stream.indirect.gather [hbm4b:s3+s8], $0x80, s30, s8, $0xb8;
	[tilespmem:$0x18D00] =	vst v63  }
0x23f: {  	_ =	swait.ge [sflag:s7], $0x4000  }
0x240: {  	[sflag:s7] =	ssyncset.done $0x0  }
0x241: {  	s14 =	rddreg [dreg:$0xb];
	[sflag:s7] =	ssyncadd.s32 $0xFFFFC000  }
0x242: {  	[hbm4b:s14+s2] =	stream.linear.scatter [tilespmem:s11], [sflag:$0x2], $0x4000, $0x38;
	[tilespmem:$0x18D00] =	vst v63  }
0x243: {  	_ =	swait.ge [sflag:s5], $0x4000  }
0x244: {  	[sflag:s5] =	ssyncset.done $0x0  }
0x245: {  	[sflag:s5] =	ssyncadd.s32 $0xFFFFC000  }
0x246: {  	[tilespmem:s6], [sflag:$0x1] =	stream.indirect.gather [hbm4b:s3+s8], $0x80, s29, s8, $0xb8;
	[tilespmem:$0x18D00] =	vst v63  }
0x247: {  	_ =	swait.ge [sflag:s7], $0x4000  }
0x248: {  	[sflag:s7] =	ssyncset.done $0x0  }
0x249: {  	s26 =	rddreg [dreg:$0xc];
	[sflag:s7] =	ssyncadd.s32 $0xFFFFC000  }
0x24a: {  	[hbm4b:s26+s2] =	stream.linear.scatter [tilespmem:s10], [sflag:$0x2], $0x4000, $0x38;
	[tilespmem:$0x18D00] =	vst v63  }
0x24b: {  	_ =	swait.ge [sflag:s5], $0x4000  }
0x24c: {  	[sflag:s5] =	ssyncset.done $0x0  }
0x24d: {  	[sflag:s5] =	ssyncadd.s32 $0xFFFFC000  }
0x24e: {  	[tilespmem:s4], [sflag:$0x1] =	stream.indirect.gather [hbm4b:s3+s8], $0x80, s28, s8, $0xb8;
	[tilespmem:$0x18D00] =	vst v63  }
0x24f: {  	_ =	swait.ge [sflag:s7], $0x4000  }
0x250: {  	[sflag:s7] =	ssyncset.done $0x0  }
0x251: {  	s28 =	rddreg [dreg:$0xd];
	[sflag:s7] =	ssyncadd.s32 $0xFFFFC000  }
0x252: {  	[hbm4b:s28+s2] =	stream.linear.scatter [tilespmem:s9], [sflag:$0x2], $0x4000, $0x38;
	[tilespmem:$0x18D00] =	vst v63  }
0x253: {  	_ =	swait.ge [sflag:s5], $0x4000  }
0x254: {  	[sflag:s5] =	ssyncset.done $0x0  }
0x255: {  	[sflag:s5] =	ssyncadd.s32 $0xFFFFC000  }
0x256: {  	[tilespmem:s12], [sflag:$0x1] =	stream.indirect.gather [hbm4b:s3+s8], $0x80, s25, s8, $0xb8;
	[tilespmem:$0x18D00] =	vst v63  }
0x257: {  	_ =	swait.ge [sflag:s7], $0x4000  }
0x258: {  	[sflag:s7] =	ssyncset.done $0x0  }
0x259: {  	s29 =	rddreg [dreg:$0xe];
	[sflag:s7] =	ssyncadd.s32 $0xFFFFC000  }
0x25a: {  	[hbm4b:s29+s2] =	stream.linear.scatter [tilespmem:s6], [sflag:$0x2], $0x4000, $0x38;
	[tilespmem:$0x18D00] =	vst v63  }
0x25b: {  	_ =	swait.ge [sflag:s5], $0x4000  }
0x25c: {  	[sflag:s5] =	ssyncset.done $0x0  }
0x25d: {  	[sflag:s5] =	ssyncadd.s32 $0xFFFFC000  }
0x25e: {  	[tilespmem:s11], [sflag:$0x1] =	stream.indirect.gather [hbm4b:s3+s8], $0x80, s24, s8, $0xb8;
	[tilespmem:$0x18D00] =	vst v63  }
0x25f: {  	_ =	swait.ge [sflag:s7], $0x4000  }
0x260: {  	[sflag:s7] =	ssyncset.done $0x0  }
0x261: {  	s30 =	rddreg [dreg:$0xf];
	[sflag:s7] =	ssyncadd.s32 $0xFFFFC000  }
0x262: {  	[hbm4b:s30+s2] =	stream.linear.scatter [tilespmem:s4], [sflag:$0x2], $0x4000, $0x38;
	[tilespmem:$0x18D00] =	vst v63  }
0x263: {  	_ =	swait.ge [sflag:s5], $0x4000  }
0x264: {  	[sflag:s5] =	ssyncset.done $0x0  }
0x265: {  	[sflag:s5] =	ssyncadd.s32 $0xFFFFC000  }
0x266: {  	[tilespmem:s10], [sflag:$0x1] =	stream.indirect.gather [hbm4b:s3+s8], $0x80, s23, s8, $0xb8;
	[tilespmem:$0x18D00] =	vst v63  }
0x267: {  	_ =	swait.ge [sflag:s7], $0x4000  }
0x268: {  	[sflag:s7] =	ssyncset.done $0x0  }
0x269: {  	s31 =	rddreg [dreg:$0x10];
	[sflag:s7] =	ssyncadd.s32 $0xFFFFC000  }
0x26a: {  	[hbm4b:s31+s2] =	stream.linear.scatter [tilespmem:s12], [sflag:$0x2], $0x4000, $0x38;
	[tilespmem:$0x18D00] =	vst v63  }
0x26b: {  	_ =	swait.ge [sflag:s5], $0x4000  }
0x26c: {  	[sflag:s5] =	ssyncset.done $0x0  }
0x26d: {  	[sflag:s5] =	ssyncadd.s32 $0xFFFFC000  }
0x26e: {  	[tilespmem:s9], [sflag:$0x1] =	stream.indirect.gather [hbm4b:s3+s8], $0x80, s22, s8, $0xb8;
	[tilespmem:$0x18D00] =	vst v63  }
0x26f: {  	_ =	swait.ge [sflag:s7], $0x4000  }
0x270: {  	[sflag:s7] =	ssyncset.done $0x0  }
0x271: {  	s1 =	rddreg [dreg:$0x11];
	[sflag:s7] =	ssyncadd.s32 $0xFFFFC000  }
0x272: {  	[hbm4b:s1+s2] =	stream.linear.scatter [tilespmem:s11], [sflag:$0x2], $0x4000, $0x38;
	[tilespmem:$0x18D00] =	vst v63  }
0x273: {  	_ =	swait.ge [sflag:s5], $0x4000  }
0x274: {  	[sflag:s5] =	ssyncset.done $0x0  }
0x275: {  	[sflag:s5] =	ssyncadd.s32 $0xFFFFC000  }
0x276: {  	[tilespmem:s6], [sflag:$0x1] =	stream.indirect.gather [hbm4b:s3+s8], $0x80, s21, s8, $0xb8;
	[tilespmem:$0x18D00] =	vst v63  }
0x277: {  	_ =	swait.ge [sflag:s7], $0x4000  }
0x278: {  	[sflag:s7] =	ssyncset.done $0x0  }
0x279: {  	s14 =	rddreg [dreg:$0x12];
	[sflag:s7] =	ssyncadd.s32 $0xFFFFC000  }
0x27a: {  	[hbm4b:s14+s2] =	stream.linear.scatter [tilespmem:s10], [sflag:$0x2], $0x4000, $0x38;
	[tilespmem:$0x18D00] =	vst v63  }
0x27b: {  	_ =	swait.ge [sflag:s5], $0x4000  }
0x27c: {  	[sflag:s5] =	ssyncset.done $0x0  }
0x27d: {  	[sflag:s5] =	ssyncadd.s32 $0xFFFFC000  }
0x27e: {  	[tilespmem:s4], [sflag:$0x1] =	stream.indirect.gather [hbm4b:s3+s8], $0x80, s20, s8, $0xb8;
	[tilespmem:$0x18D00] =	vst v63  }
0x27f: {  	_ =	swait.ge [sflag:s7], $0x4000  }
0x280: {  	[sflag:s7] =	ssyncset.done $0x0  }
0x281: {  	s21 =	rddreg [dreg:$0x13];
	[sflag:s7] =	ssyncadd.s32 $0xFFFFC000  }
0x282: {  	[hbm4b:s21+s2] =	stream.linear.scatter [tilespmem:s9], [sflag:$0x2], $0x4000, $0x38;
	[tilespmem:$0x18D00] =	vst v63  }
0x283: {  	_ =	swait.ge [sflag:s5], $0x4000  }
0x284: {  	[sflag:s5] =	ssyncset.done $0x0  }
0x285: {  	[sflag:s5] =	ssyncadd.s32 $0xFFFFC000  }
0x286: {  	[tilespmem:s12], [sflag:$0x1] =	stream.indirect.gather [hbm4b:s3+s8], $0x80, s19, s8, $0xb8;
	[tilespmem:$0x18D00] =	vst v63  }
0x287: {  	_ =	swait.ge [sflag:s7], $0x4000  }
0x288: {  	[sflag:s7] =	ssyncset.done $0x0  }
0x289: {  	s22 =	rddreg [dreg:$0x14];
	[sflag:s7] =	ssyncadd.s32 $0xFFFFC000  }
0x28a: {  	[hbm4b:s22+s2] =	stream.linear.scatter [tilespmem:s6], [sflag:$0x2], $0x4000, $0x38;
	[tilespmem:$0x18D00] =	vst v63  }
0x28b: {  	_ =	swait.ge [sflag:s5], $0x4000  }
0x28c: {  	[sflag:s5] =	ssyncset.done $0x0  }
0x28d: {  	[sflag:s5] =	ssyncadd.s32 $0xFFFFC000  }
0x28e: {  	[tilespmem:s11], [sflag:$0x1] =	stream.indirect.gather [hbm4b:s3+s8], $0x80, s18, s8, $0xb8;
	[tilespmem:$0x18D00] =	vst v63  }
0x28f: {  	_ =	swait.ge [sflag:s7], $0x4000  }
0x290: {  	[sflag:s7] =	ssyncset.done $0x0  }
0x291: {  	s23 =	rddreg [dreg:$0x15];
	[sflag:s7] =	ssyncadd.s32 $0xFFFFC000  }
0x292: {  	[hbm4b:s23+s2] =	stream.linear.scatter [tilespmem:s4], [sflag:$0x2], $0x4000, $0x38;
	[tilespmem:$0x18D00] =	vst v63  }
0x293: {  	_ =	swait.ge [sflag:s5], $0x4000  }
0x294: {  	[sflag:s5] =	ssyncset.done $0x0  }
0x295: {  	[sflag:s5] =	ssyncadd.s32 $0xFFFFC000  }
0x296: {  	[tilespmem:s10], [sflag:$0x1] =	stream.indirect.gather [hbm4b:s3+s8], $0x80, s17, s8, $0xb8;
	[tilespmem:$0x18D00] =	vst v63  }
0x297: {  	_ =	swait.ge [sflag:s7], $0x4000  }
0x298: {  	[sflag:s7] =	ssyncset.done $0x0  }
0x299: {  	s24 =	rddreg [dreg:$0x16];
	[sflag:s7] =	ssyncadd.s32 $0xFFFFC000  }
0x29a: {  	[hbm4b:s24+s2] =	stream.linear.scatter [tilespmem:s12], [sflag:$0x2], $0x4000, $0x38;
	[tilespmem:$0x18D00] =	vst v63  }
0x29b: {  	_ =	swait.ge [sflag:s5], $0x4000  }
0x29c: {  	[sflag:s5] =	ssyncset.done $0x0  }
0x29d: {  	[sflag:s5] =	ssyncadd.s32 $0xFFFFC000  }
0x29e: {  	[tilespmem:s9], [sflag:$0x1] =	stream.indirect.gather [hbm4b:s3+s8], $0x80, s16, s8, $0xb8;
	[tilespmem:$0x18D00] =	vst v63  }
0x29f: {  	_ =	swait.ge [sflag:s7], $0x4000  }
0x2a0: {  	[sflag:s7] =	ssyncset.done $0x0  }
0x2a1: {  	s25 =	rddreg [dreg:$0x17];
	[sflag:s7] =	ssyncadd.s32 $0xFFFFC000  }
0x2a2: {  	[hbm4b:s25+s2] =	stream.linear.scatter [tilespmem:s11], [sflag:$0x2], $0x4000, $0x38;
	[tilespmem:$0x18D00] =	vst v63  }
0x2a3: {  	_ =	swait.ge [sflag:s5], $0x4000  }
0x2a4: {  	[sflag:s5] =	ssyncset.done $0x0  }
0x2a5: {  	[sflag:s5] =	ssyncadd.s32 $0xFFFFC000  }
0x2a6: {  	[tilespmem:s6], [sflag:$0x1] =	stream.indirect.gather [hbm4b:s3+s8], $0x80, s15, s8, $0xb8;
	[tilespmem:$0x18D00] =	vst v63  }
0x2a7: {  	_ =	swait.ge [sflag:s7], $0x4000  }
0x2a8: {  	[sflag:s7] =	ssyncset.done $0x0  }
0x2a9: {  	s26 =	rddreg [dreg:$0x18];
	[sflag:s7] =	ssyncadd.s32 $0xFFFFC000  }
0x2aa: {  	[hbm4b:s26+s2] =	stream.linear.scatter [tilespmem:s10], [sflag:$0x2], $0x4000, $0x38;
	[tilespmem:$0x18D00] =	vst v63  }
0x2ab: {  	_ =	swait.ge [sflag:s5], $0x4000  }
0x2ac: {  	[sflag:s5] =	ssyncset.done $0x0  }
0x2ad: {  	s28 =	simm.s32 $0xC80;
	[sflag:s5] =	ssyncadd.s32 $0xFFFFC000  }
0x2ae: {  	[tilespmem:s4], [sflag:$0x1] =	stream.indirect.gather [hbm4b:s3+s8], $0x80, s28, s8, $0xb8;
	[tilespmem:$0x18D00] =	vst v63  }
0x2af: {  	_ =	swait.ge [sflag:s7], $0x4000  }
0x2b0: {  	[sflag:s7] =	ssyncset.done $0x0  }
0x2b1: {  	s29 =	rddreg [dreg:$0x19];
	[sflag:s7] =	ssyncadd.s32 $0xFFFFC000  }
0x2b2: {  	[hbm4b:s29+s2] =	stream.linear.scatter [tilespmem:s9], [sflag:$0x2], $0x4000, $0x38;
	[tilespmem:$0x18D00] =	vst v63  }
0x2b3: {  	_ =	swait.ge [sflag:s7], $0x4000  }
0x2b4: {  	[sflag:s7] =	ssyncset.done $0x0  }
0x2b5: {  	s30 =	rddreg [dreg:$0x1a];
	[sflag:s7] =	ssyncadd.s32 $0xFFFFC000  }
0x2b6: {  	[hbm4b:s30+s2] =	stream.linear.scatter [tilespmem:s6], [sflag:$0x2], $0x4000, $0x38;
	[tilespmem:$0x18D00] =	vst v63  }
0x2b7: {  	_ =	swait.ge [sflag:s7], $0x4000  }
0x2b8: {  	[sflag:s7] =	ssyncset.done $0x0  }
0x2b9: {  	s31 =	rddreg [dreg:$0x1b];
	[sflag:s7] =	ssyncadd.s32 $0xFFFFC000  }
0x2ba: {  	[hbm4b:s31+s2] =	stream.linear.scatter [tilespmem:s4], [sflag:$0x2], $0x4000, $0x38;
	[tilespmem:$0x18D00] =	vst v63  }
0x2bb: {  	_ =	swait.ge [sflag:s5], $0x4000  }
0x2bc: {  	[sflag:s5] =	ssyncset.done $0x0  }
0x2bd: {  	[sflag:s5] =	ssyncadd.s32 $0xFFFFC000  }
0x2be: {  	_ =	swait.ge [sflag:s5], $0x4000  }
0x2bf: {  	[sflag:s5] =	ssyncset.done $0x0  }
0x2c0: {  	[sflag:s5] =	ssyncadd.s32 $0xFFFFC000  }
0x2c1: {  	_ =	swait.ge [sflag:s5], $0x4000  }
0x2c2: {  	[sflag:s5] =	ssyncset.done $0x0  }
0x2c3: {  	[sflag:s5] =	ssyncadd.s32 $0xFFFFC000  }
0x2c4: {  	_ =	swait.ge [sflag:s5], $0x4000  }
0x2c5: {  	[sflag:s5] =	ssyncset.done $0x0  }
0x2c6: {  	[sflag:s5] =	ssyncadd.s32 $0xFFFFC000  }
0x2c7: {  	_ =	swait.ge [sflag:s5], $0x4000  }
0x2c8: {  	[sflag:s5] =	ssyncset.done $0x0  }
0x2c9: {  	[sflag:s5] =	ssyncadd.s32 $0xFFFFC000  }
0x2ca: {  	_ =	swait.ge [sflag:s5], $0x4000  }
0x2cb: {  	[sflag:s5] =	ssyncset.done $0x0  }
0x2cc: {  	[sflag:s5] =	ssyncadd.s32 $0xFFFFC000  }
0x2cd: {  	_ =	sfence.sel $0x180000  }
0x2ce: {  	[bflag:$0x0] =	sbarrier.arrive $0xFFFF  }
0x2cf: {  	_ =	strace $0x90000047  }
0x2d0: {  	[bflag:$0x2] =	sbarrier.arrive $0xFFFF  }
0x2d1: {  	p0 =	sne.s32 s13, $0x0;
	s0 =	rddreg [dreg:$0x1]  }
0x2d2: {  	s0 =	sadd.s32 @!p0 $0x100000, s0  }
0x2d3: {  	[sflag:s0] =	ssyncadd.tile.s32 @!p0 $0x1;
	_ =	shalt  }
.LBB2_1:
0x2d4: {  	s14 =	simm.s32 $0x500  }
.Ltmp3:
0x2d5: {  	s30 =	simm.s32 $0x580;
	s29 =	simm.s32 $0x600;
	(pc) =	sbr.rel .LBB2_6-.Ltmp3, $4  }
0x2d6: {  	s28 =	simm.s32 $0x680;
	s25 =	simm.s32 $0x700;
	s24 =	simm.s32 $0x780  }
0x2d7: {  	s23 =	simm.s32 $0x800;
	s22 =	simm.s32 $0x880;
	s21 =	simm.s32 $0x900  }
0x2d8: {  	s20 =	simm.s32 $0x980;
	s19 =	simm.s32 $0xA00;
	s18 =	simm.s32 $0xA80  }
0x2d9: {  	s17 =	simm.s32 $0xB00;
	s16 =	simm.s32 $0xB80;
	s15 =	simm.s32 $0xC00  }
.LBB2_3:
0x2da: {  	s14 =	simm.s32 $0x500;
	s30 =	simm.s32 $0x580  }
.Ltmp4:
0x2db: {  	s29 =	simm.s32 $0x600;
	s28 =	simm.s32 $0x680;
	(pc) =	sbr.rel .LBB2_6-.Ltmp4, $4  }
0x2dc: {  	s25 =	simm.s32 $0x700;
	s24 =	simm.s32 $0x780;
	s23 =	simm.s32 $0x800  }
0x2dd: {  	s22 =	simm.s32 $0x880;
	s21 =	simm.s32 $0x900;
	s20 =	simm.s32 $0x980  }
0x2de: {  	s19 =	simm.s32 $0xA00;
	s18 =	simm.s32 $0xA80;
	s17 =	simm.s32 $0xB00  }
0x2df: {  	s16 =	simm.s32 $0xB80;
	s15 =	simm.s32 $0xC00;
	s13 =	stileid.u32  }
.Lfunc_end2:
_tile_overlayer_lowered:
.L_overlay_start_2:
0x2e0: {  	(tag) =	ssettag $0x2  }
0x2e1: {  	s0 =	rddreg [dreg:$0x0];
	s2 =	stileid.u32  }
0x2e2: {  	s1 =	rddreg [dreg:$0x1];
	p0 =	sne.s32 s2, $0x0  }
0x2e3: {  	s3 =	rddreg [dreg:$0x2];
	[bflag:$0x3] =	sbarrier.arrive $0xFFFF;
	s2 =	simm.s32 @!p0 $0x1C03  }
0x2e4: {  	[timem:s3], [sflag:s2] =	dma.local @!p0 [hbm:s0], s1  }
0x2e5: {  	s0 =	simm.s32 @!p0 $0x3  }
0x2e6: {  	_ =	swait.ge @!p0 [sflag:s0], s1  }
0x2e7: {  	s1 =	ssub.s32 @!p0 $0x0, s1;
	[sflag:s0] =	ssyncset.done @!p0 $0x0  }
0x2e8: {  	[sflag:s0] =	ssyncadd.s32 @!p0 s1  }
0x2e9: {  	[bflag:$0x3] =	sbarrier.arrive $0xFFFF  }
0x2ea: {  	_ =	shalt  }

</sc_bundles>
